<compile_context>
chip_gen: v7x
topology: tpu7x:2x2x1
jax: 0.10.2.dev20260603
libtpu: 0.0.44.dev20260713+nightly
codegen_flags: <defaults>
</compile_context>

<pallas_src>
import functools

import jax
import jax.numpy as jnp
from jax import lax
from jax.experimental import pallas as pl
from jax.experimental.pallas import tpu as pltpu
from jax.experimental.pallas import tpu_sc as plsc

_LAMDA = 0.9
_N = 16384
_C = 1000
_NS = 16
_L = 16
_BPW = _N // _NS
_IDXW = 128
_IDX_ROWS = _BPW // _IDXW

_mesh = plsc.VectorSubcoreMesh(core_axis_name="c", subcore_axis_name="s",
                               num_cores=1)


def _lane_shuffle(v, perm):
    return lax.gather(
        v, perm[:, None],
        dimension_numbers=lax.GatherDimensionNumbers(
            offset_dims=(), collapsed_slice_dims=(0,), start_index_map=(0,)),
        slice_sizes=(1,),
        mode=lax.GatherScatterMode.PROMISE_IN_BOUNDS)


@functools.partial(
    pl.kernel,
    out_type=(jax.ShapeDtypeStruct((_NS, _L), jnp.float32),
              jax.ShapeDtypeStruct((_L,), jnp.float32)),
    mesh=_mesh,
    scratch_types=[
        pltpu.VMEM((_BPW,), jnp.int32),
        pltpu.VMEM((_IDX_ROWS, _IDXW), jnp.int32),
        pltpu.VMEM((_IDX_ROWS, _IDXW), jnp.float32),
        pltpu.VMEM((_BPW,), jnp.float32),
        pltpu.VMEM((_BPW,), jnp.float32),
        pltpu.VMEM((_L,), jnp.float32),
        pltpu.VMEM((_NS, _L), jnp.float32),
        pltpu.SemaphoreType.DMA,
    ],
)
def _loss_kernel(table_hbm, action_hbm, delta_hbm, prop_hbm, part_hbm,
                 res_hbm, act_v, idx_v, sel_v, delta_v, prop_v, stage_v,
                 all_v, sem):
    wid = lax.axis_index("s")
    base = wid * _BPW

    pltpu.sync_copy(action_hbm.at[pl.ds(base, _BPW)], act_v)
    pltpu.sync_copy(delta_hbm.at[pl.ds(base, _BPW)], delta_v)
    pltpu.sync_copy(prop_hbm.at[pl.ds(base, _BPW)], prop_v)

    lanes = lax.iota(jnp.int32, _L)
    for t0 in range(0, _BPW, _L):
        a16 = act_v[pl.ds(t0, _L)]
        rows = (base + t0) + lanes
        idx_v[t0 // _IDXW, pl.ds(t0 % _IDXW, _L)] = rows * _C + a16

    for r in range(_IDX_ROWS):
        pltpu.async_copy(table_hbm.at[idx_v.at[r]], sel_v.at[r], sem).wait()

    acc = jnp.zeros((_L,), jnp.float32)
    for t0 in range(0, _BPW, _L):
        sel16 = sel_v[t0 // _IDXW, pl.ds(t0 % _IDXW, _L)]
        d16 = delta_v[pl.ds(t0, _L)]
        p16 = prop_v[pl.ds(t0, _L)]
        acc = acc + (-d16 - _LAMDA) * (sel16 / p16)

    stage_v[...] = acc
    pltpu.sync_copy(stage_v, part_hbm.at[wid])
    plsc.subcore_barrier()

    @pl.when(wid == 0)
    def _finalize():
        pltpu.sync_copy(part_hbm, all_v)
        tot = jnp.zeros((_L,), jnp.float32)
        for rr in range(_NS):
            tot = tot + all_v[rr, :]
        for k in (8, 4, 2, 1):
            tot = tot + _lane_shuffle(tot, lanes ^ k)
        stage_v[...] = tot * (1.0 / _N)
        pltpu.sync_copy(stage_v, res_hbm)


def kernel(output, action, delta, prop):
    flat = output.reshape(-1)
    _, res = _loss_kernel(flat, action.astype(jnp.int32), delta, prop)
    return res[0]

# --- scband reference (transcript-rebuilt; emitter-appended) ---
"""Pipeline reference for scband-custom-loss-3925600109106 (READ-ONLY COPY).

The authoritative reference and input builder live on the scoring server;
editing this copy changes nothing except your own understanding.
"""

import jax, jax.numpy as jnp
import numpy as np

LAMDA = 0.9

def setup_inputs(seed: int = 0) -> dict:
    key = jax.random.key(seed)
    k1, k2, k3, k4 = jax.random.split(key, 4)
    output = jax.random.normal(k1, (16384, 1000), dtype=jnp.float32)
    action = jax.random.randint(k2, (16384,), 0, 1000, dtype=jnp.int64) if jax.config.jax_enable_x64 else jax.random.randint(k2, (16384,), 0, 1000, dtype=jnp.int32)
    delta = jax.random.normal(k3, (16384,), dtype=jnp.float32)
    prop = jax.random.uniform(k4, (16384,), dtype=jnp.float32)
    return {"output": output, "action": action, "delta": delta, "prop": prop}

def reference(output, action, delta, prop):
    risk = -delta
    sel = output[jnp.arange(action.shape[0]), action]
    loss = (risk - LAMDA) * (sel / prop)
    return jnp.mean(loss)

if __name__ == "__main__":
    import jax
    _d = setup_inputs()
    print(jax.jit(kernel)(*tuple(_d.values())))

</pallas_src>

<mosaic_0001>
#map = affine_map<(d0, d1) -> (0)>
#map1 = affine_map<(d0, d1) -> (0, 0)>
module attributes {stable_mosaic.version = 14 : i64} {
  func.func @_loss_kernel(%arg0: i32, %arg1: i32, %arg2: memref<16384000xf32, #tpu.memory_space<hbm>>, %arg3: memref<16384xi32, #tpu.memory_space<hbm>>, %arg4: memref<16384xf32, #tpu.memory_space<hbm>>, %arg5: memref<16384xf32, #tpu.memory_space<hbm>>, %arg6: memref<16x16xf32, #tpu.memory_space<hbm>>, %arg7: memref<16xf32, #tpu.memory_space<hbm>>, %arg8: memref<1024xi32, #tpu.memory_space<vmem>>, %arg9: memref<8x128xi32, #tpu.memory_space<vmem>>, %arg10: memref<8x128xf32, #tpu.memory_space<vmem>>, %arg11: memref<1024xf32, #tpu.memory_space<vmem>>, %arg12: memref<1024xf32, #tpu.memory_space<vmem>>, %arg13: memref<16xf32, #tpu.memory_space<vmem>>, %arg14: memref<16x16xf32, #tpu.memory_space<vmem>>, %arg15: memref<!tpu.dma_semaphore, #tpu.memory_space<semaphore_mem>>) attributes {dimension_semantics = [#tpu.dimension_semantics<core_parallel>, #tpu.dimension_semantics<subcore_parallel>], iteration_bounds = array<i64: 1, 16>, scalar_prefetch = 0 : i64, scratch_operands = 8 : i64, tpu.core_type = #tpu.core_type<sc_vector_subcore>, window_params = [{transform_indices = #map}, {transform_indices = #map}, {transform_indices = #map}, {transform_indices = #map}, {transform_indices = #map1}, {transform_indices = #map}]} {
    %mul3A = arith.constant 1024 : i32
    %mul3A_0 = arith.muli %arg1, %mul3A : i32
    "tpu.region"() ({
      %run_scoped3A = tpu.sem_alloc : memref<!tpu.dma_semaphore, #tpu.memory_space<semaphore_mem>>
      %dma_start3A_2528 = tpu.memref_slice %arg3[%mul3A_0] : memref<16384xi32, #tpu.memory_space<hbm>> -> memref<1024xi32, #tpu.memory_space<hbm>>
      %dma_start3A_2529 = tpu.memref_slice %arg3[%mul3A_0] : memref<16384xi32, #tpu.memory_space<hbm>> -> memref<1024xi32, #tpu.memory_space<hbm>>
      tpu.enqueue_dma source(%dma_start3A_2529 : memref<1024xi32, #tpu.memory_space<hbm>>) target(%arg8 : memref<1024xi32, #tpu.memory_space<vmem>>) target_semaphore(%run_scoped3A : memref<!tpu.dma_semaphore, #tpu.memory_space<semaphore_mem>>)
      %dma_wait3A_2530 = tpu.memref_slice %arg3[%mul3A_0] : memref<16384xi32, #tpu.memory_space<hbm>> -> memref<1024xi32, #tpu.memory_space<hbm>>
      %dma_wait3A_2531 = tpu.memref_slice %arg3[%mul3A_0] : memref<16384xi32, #tpu.memory_space<hbm>> -> memref<1024xi32, #tpu.memory_space<hbm>>
      tpu.wait_dma2 semaphore(%run_scoped3A : memref<!tpu.dma_semaphore, #tpu.memory_space<semaphore_mem>>) src(%dma_wait3A_2531 : memref<1024xi32, #tpu.memory_space<hbm>>) dst(%arg8 : memref<1024xi32, #tpu.memory_space<vmem>>)
      tpu.yield
    }) : () -> ()
    "tpu.region"() ({
      %run_scoped3A = tpu.sem_alloc : memref<!tpu.dma_semaphore, #tpu.memory_space<semaphore_mem>>
      %dma_start3A_2528 = tpu.memref_slice %arg4[%mul3A_0] : memref<16384xf32, #tpu.memory_space<hbm>> -> memref<1024xf32, #tpu.memory_space<hbm>>
      %dma_start3A_2529 = tpu.memref_slice %arg4[%mul3A_0] : memref<16384xf32, #tpu.memory_space<hbm>> -> memref<1024xf32, #tpu.memory_space<hbm>>
      tpu.enqueue_dma source(%dma_start3A_2529 : memref<1024xf32, #tpu.memory_space<hbm>>) target(%arg11 : memref<1024xf32, #tpu.memory_space<vmem>>) target_semaphore(%run_scoped3A : memref<!tpu.dma_semaphore, #tpu.memory_space<semaphore_mem>>)
      %dma_wait3A_2530 = tpu.memref_slice %arg4[%mul3A_0] : memref<16384xf32, #tpu.memory_space<hbm>> -> memref<1024xf32, #tpu.memory_space<hbm>>
      %dma_wait3A_2531 = tpu.memref_slice %arg4[%mul3A_0] : memref<16384xf32, #tpu.memory_space<hbm>> -> memref<1024xf32, #tpu.memory_space<hbm>>
      tpu.wait_dma2 semaphore(%run_scoped3A : memref<!tpu.dma_semaphore, #tpu.memory_space<semaphore_mem>>) src(%dma_wait3A_2531 : memref<1024xf32, #tpu.memory_space<hbm>>) dst(%arg11 : memref<1024xf32, #tpu.memory_space<vmem>>)
      tpu.yield
    }) : () -> ()
    "tpu.region"() ({
      %run_scoped3A = tpu.sem_alloc : memref<!tpu.dma_semaphore, #tpu.memory_space<semaphore_mem>>
      %dma_start3A_2528 = tpu.memref_slice %arg5[%mul3A_0] : memref<16384xf32, #tpu.memory_space<hbm>> -> memref<1024xf32, #tpu.memory_space<hbm>>
      %dma_start3A_2529 = tpu.memref_slice %arg5[%mul3A_0] : memref<16384xf32, #tpu.memory_space<hbm>> -> memref<1024xf32, #tpu.memory_space<hbm>>
      tpu.enqueue_dma source(%dma_start3A_2529 : memref<1024xf32, #tpu.memory_space<hbm>>) target(%arg12 : memref<1024xf32, #tpu.memory_space<vmem>>) target_semaphore(%run_scoped3A : memref<!tpu.dma_semaphore, #tpu.memory_space<semaphore_mem>>)
      %dma_wait3A_2530 = tpu.memref_slice %arg5[%mul3A_0] : memref<16384xf32, #tpu.memory_space<hbm>> -> memref<1024xf32, #tpu.memory_space<hbm>>
      %dma_wait3A_2531 = tpu.memref_slice %arg5[%mul3A_0] : memref<16384xf32, #tpu.memory_space<hbm>> -> memref<1024xf32, #tpu.memory_space<hbm>>
      tpu.wait_dma2 semaphore(%run_scoped3A : memref<!tpu.dma_semaphore, #tpu.memory_space<semaphore_mem>>) src(%dma_wait3A_2531 : memref<1024xf32, #tpu.memory_space<hbm>>) dst(%arg12 : memref<1024xf32, #tpu.memory_space<vmem>>)
      tpu.yield
    }) : () -> ()
    %iota3A = tpu.iota {dimensions = array<i32: 0>} : vector<16xi32>
    %get3A = arith.constant 0 : index
    %get3A_1 = tpu.vector_load %arg8[%get3A] {strides = array<i32>} : memref<1024xi32, #tpu.memory_space<vmem>>, vector<16xi32>,
    %get3A_2 = vector.shape_cast %get3A_1 : vector<16xi32> to vector<16xi32>
    %add3A = arith.constant 0 : i32
    %add3A_3 = arith.addi %mul3A_0, %add3A : i32
    %add3A_4 = vector.broadcast %add3A_3 : i32 to vector<16xi32>
    %add3A_5 = arith.addi %add3A_4, %iota3A : vector<16xi32>
    %mul3A_6 = arith.constant 1000 : i32
    %mul3A_7 = vector.broadcast %mul3A_6 : i32 to vector<16xi32>
    %mul3A_8 = arith.muli %add3A_5, %mul3A_7 : vector<16xi32>
    %add3A_9 = arith.addi %mul3A_8, %get3A_2 : vector<16xi32>
    %swap3A = arith.constant 0 : i32
    %swap3A_10 = arith.index_cast %swap3A : i32 to index
    %swap3A_11 = arith.constant 0 : index
    %swap3A_12 = tpu.vector_load %arg9[%swap3A_10, %swap3A_11] {strides = array<i32>} : memref<8x128xi32, #tpu.memory_space<vmem>>, vector<1x16xi32>,
    %swap3A_13 = vector.shape_cast %swap3A_12 : vector<1x16xi32> to vector<16xi32>
    %swap3A_14 = vector.shape_cast %add3A_9 : vector<16xi32> to vector<1x16xi32>
    tpu.vector_store %arg9[%swap3A_10, %swap3A_11], %swap3A_14 {strides = array<i32>} : memref<8x128xi32, #tpu.memory_space<vmem>>, vector<1x16xi32>,
    %get3A_15 = arith.constant 16 : index
    %get3A_16 = tpu.vector_load %arg8[%get3A_15] {strides = array<i32>} : memref<1024xi32, #tpu.memory_space<vmem>>, vector<16xi32>,
    %get3A_17 = vector.shape_cast %get3A_16 : vector<16xi32> to vector<16xi32>
    %add3A_18 = arith.constant 16 : i32
    %add3A_19 = arith.addi %mul3A_0, %add3A_18 : i32
    %add3A_20 = vector.broadcast %add3A_19 : i32 to vector<16xi32>
    %add3A_21 = arith.addi %add3A_20, %iota3A : vector<16xi32>
    %mul3A_22 = arith.constant 1000 : i32
    %mul3A_23 = vector.broadcast %mul3A_22 : i32 to vector<16xi32>
    %mul3A_24 = arith.muli %add3A_21, %mul3A_23 : vector<16xi32>
    %add3A_25 = arith.addi %mul3A_24, %get3A_17 : vector<16xi32>
    %swap3A_26 = arith.constant 0 : i32
    %swap3A_27 = arith.index_cast %swap3A_26 : i32 to index
    %swap3A_28 = arith.constant 16 : index
    %swap3A_29 = tpu.vector_load %arg9[%swap3A_27, %swap3A_28] {strides = array<i32>} : memref<8x128xi32, #tpu.memory_space<vmem>>, vector<1x16xi32>,
    %swap3A_30 = vector.shape_cast %swap3A_29 : vector<1x16xi32> to vector<16xi32>
    %swap3A_31 = vector.shape_cast %add3A_25 : vector<16xi32> to vector<1x16xi32>
    tpu.vector_store %arg9[%swap3A_27, %swap3A_28], %swap3A_31 {strides = array<i32>} : memref<8x128xi32, #tpu.memory_space<vmem>>, vector<1x16xi32>,
    %get3A_32 = arith.constant 32 : index
    %get3A_33 = tpu.vector_load %arg8[%get3A_32] {strides = array<i32>} : memref<1024xi32, #tpu.memory_space<vmem>>, vector<16xi32>,
    %get3A_34 = vector.shape_cast %get3A_33 : vector<16xi32> to vector<16xi32>
    %add3A_35 = arith.constant 32 : i32
    %add3A_36 = arith.addi %mul3A_0, %add3A_35 : i32
    %add3A_37 = vector.broadcast %add3A_36 : i32 to vector<16xi32>
    %add3A_38 = arith.addi %add3A_37, %iota3A : vector<16xi32>
    %mul3A_39 = arith.constant 1000 : i32
    %mul3A_40 = vector.broadcast %mul3A_39 : i32 to vector<16xi32>
    %mul3A_41 = arith.muli %add3A_38, %mul3A_40 : vector<16xi32>
    %add3A_42 = arith.addi %mul3A_41, %get3A_34 : vector<16xi32>
    %swap3A_43 = arith.constant 0 : i32
    %swap3A_44 = arith.index_cast %swap3A_43 : i32 to index
    %swap3A_45 = arith.constant 32 : index
    %swap3A_46 = tpu.vector_load %arg9[%swap3A_44, %swap3A_45] {strides = array<i32>} : memref<8x128xi32, #tpu.memory_space<vmem>>, vector<1x16xi32>,
    %swap3A_47 = vector.shape_cast %swap3A_46 : vector<1x16xi32> to vector<16xi32>
    %swap3A_48 = vector.shape_cast %add3A_42 : vector<16xi32> to vector<1x16xi32>
    tpu.vector_store %arg9[%swap3A_44, %swap3A_45], %swap3A_48 {strides = array<i32>} : memref<8x128xi32, #tpu.memory_space<vmem>>, vector<1x16xi32>,
    %get3A_49 = arith.constant 48 : index
    %get3A_50 = tpu.vector_load %arg8[%get3A_49] {strides = array<i32>} : memref<1024xi32, #tpu.memory_space<vmem>>, vector<16xi32>,
    %get3A_51 = vector.shape_cast %get3A_50 : vector<16xi32> to vector<16xi32>
    %add3A_52 = arith.constant 48 : i32
    %add3A_53 = arith.addi %mul3A_0, %add3A_52 : i32
    %add3A_54 = vector.broadcast %add3A_53 : i32 to vector<16xi32>
    %add3A_55 = arith.addi %add3A_54, %iota3A : vector<16xi32>
    %mul3A_56 = arith.constant 1000 : i32
    %mul3A_57 = vector.broadcast %mul3A_56 : i32 to vector<16xi32>
    %mul3A_58 = arith.muli %add3A_55, %mul3A_57 : vector<16xi32>
    %add3A_59 = arith.addi %mul3A_58, %get3A_51 : vector<16xi32>
    %swap3A_60 = arith.constant 0 : i32
    %swap3A_61 = arith.index_cast %swap3A_60 : i32 to index
    %swap3A_62 = arith.constant 48 : index
    %swap3A_63 = tpu.vector_load %arg9[%swap3A_61, %swap3A_62] {strides = array<i32>} : memref<8x128xi32, #tpu.memory_space<vmem>>, vector<1x16xi32>,
    %swap3A_64 = vector.shape_cast %swap3A_63 : vector<1x16xi32> to vector<16xi32>
    %swap3A_65 = vector.shape_cast %add3A_59 : vector<16xi32> to vector<1x16xi32>
    tpu.vector_store %arg9[%swap3A_61, %swap3A_62], %swap3A_65 {strides = array<i32>} : memref<8x128xi32, #tpu.memory_space<vmem>>, vector<1x16xi32>,
    %get3A_66 = arith.constant 64 : index
    %get3A_67 = tpu.vector_load %arg8[%get3A_66] {strides = array<i32>} : memref<1024xi32, #tpu.memory_space<vmem>>, vector<16xi32>,
    %get3A_68 = vector.shape_cast %get3A_67 : vector<16xi32> to vector<16xi32>
    %add3A_69 = arith.constant 64 : i32
    %add3A_70 = arith.addi %mul3A_0, %add3A_69 : i32
    %add3A_71 = vector.broadcast %add3A_70 : i32 to vector<16xi32>
    %add3A_72 = arith.addi %add3A_71, %iota3A : vector<16xi32>
    %mul3A_73 = arith.constant 1000 : i32
    %mul3A_74 = vector.broadcast %mul3A_73 : i32 to vector<16xi32>
    %mul3A_75 = arith.muli %add3A_72, %mul3A_74 : vector<16xi32>
    %add3A_76 = arith.addi %mul3A_75, %get3A_68 : vector<16xi32>
    %swap3A_77 = arith.constant 0 : i32
    %swap3A_78 = arith.index_cast %swap3A_77 : i32 to index
    %swap3A_79 = arith.constant 64 : index
    %swap3A_80 = tpu.vector_load %arg9[%swap3A_78, %swap3A_79] {strides = array<i32>} : memref<8x128xi32, #tpu.memory_space<vmem>>, vector<1x16xi32>,
    %swap3A_81 = vector.shape_cast %swap3A_80 : vector<1x16xi32> to vector<16xi32>
    %swap3A_82 = vector.shape_cast %add3A_76 : vector<16xi32> to vector<1x16xi32>
    tpu.vector_store %arg9[%swap3A_78, %swap3A_79], %swap3A_82 {strides = array<i32>} : memref<8x128xi32, #tpu.memory_space<vmem>>, vector<1x16xi32>,
    %get3A_83 = arith.constant 80 : index
    %get3A_84 = tpu.vector_load %arg8[%get3A_83] {strides = array<i32>} : memref<1024xi32, #tpu.memory_space<vmem>>, vector<16xi32>,
    %get3A_85 = vector.shape_cast %get3A_84 : vector<16xi32> to vector<16xi32>
    %add3A_86 = arith.constant 80 : i32
    %add3A_87 = arith.addi %mul3A_0, %add3A_86 : i32
    %add3A_88 = vector.broadcast %add3A_87 : i32 to vector<16xi32>
    %add3A_89 = arith.addi %add3A_88, %iota3A : vector<16xi32>
    %mul3A_90 = arith.constant 1000 : i32
    %mul3A_91 = vector.broadcast %mul3A_90 : i32 to vector<16xi32>
    %mul3A_92 = arith.muli %add3A_89, %mul3A_91 : vector<16xi32>
    %add3A_93 = arith.addi %mul3A_92, %get3A_85 : vector<16xi32>
    %swap3A_94 = arith.constant 0 : i32
    %swap3A_95 = arith.index_cast %swap3A_94 : i32 to index
    %swap3A_96 = arith.constant 80 : index
    %swap3A_97 = tpu.vector_load %arg9[%swap3A_95, %swap3A_96] {strides = array<i32>} : memref<8x128xi32, #tpu.memory_space<vmem>>, vector<1x16xi32>,
    %swap3A_98 = vector.shape_cast %swap3A_97 : vector<1x16xi32> to vector<16xi32>
    %swap3A_99 = vector.shape_cast %add3A_93 : vector<16xi32> to vector<1x16xi32>
    tpu.vector_store %arg9[%swap3A_95, %swap3A_96], %swap3A_99 {strides = array<i32>} : memref<8x128xi32, #tpu.memory_space<vmem>>, vector<1x16xi32>,
    %get3A_100 = arith.constant 96 : index
    %get3A_101 = tpu.vector_load %arg8[%get3A_100] {strides = array<i32>} : memref<1024xi32, #tpu.memory_space<vmem>>, vector<16xi32>,
    %get3A_102 = vector.shape_cast %get3A_101 : vector<16xi32> to vector<16xi32>
    %add3A_103 = arith.constant 96 : i32
    %add3A_104 = arith.addi %mul3A_0, %add3A_103 : i32
    %add3A_105 = vector.broadcast %add3A_104 : i32 to vector<16xi32>
    %add3A_106 = arith.addi %add3A_105, %iota3A : vector<16xi32>
    %mul3A_107 = arith.constant 1000 : i32
    %mul3A_108 = vector.broadcast %mul3A_107 : i32 to vector<16xi32>
    %mul3A_109 = arith.muli %add3A_106, %mul3A_108 : vector<16xi32>
    %add3A_110 = arith.addi %mul3A_109, %get3A_102 : vector<16xi32>
    %swap3A_111 = arith.constant 0 : i32
    %swap3A_112 = arith.index_cast %swap3A_111 : i32 to index
    %swap3A_113 = arith.constant 96 : index
    %swap3A_114 = tpu.vector_load %arg9[%swap3A_112, %swap3A_113] {strides = array<i32>} : memref<8x128xi32, #tpu.memory_space<vmem>>, vector<1x16xi32>,
    %swap3A_115 = vector.shape_cast %swap3A_114 : vector<1x16xi32> to vector<16xi32>
    %swap3A_116 = vector.shape_cast %add3A_110 : vector<16xi32> to vector<1x16xi32>
    tpu.vector_store %arg9[%swap3A_112, %swap3A_113], %swap3A_116 {strides = array<i32>} : memref<8x128xi32, #tpu.memory_space<vmem>>, vector<1x16xi32>,
    %get3A_117 = arith.constant 112 : index
    %get3A_118 = tpu.vector_load %arg8[%get3A_117] {strides = array<i32>} : memref<1024xi32, #tpu.memory_space<vmem>>, vector<16xi32>,
    %get3A_119 = vector.shape_cast %get3A_118 : vector<16xi32> to vector<16xi32>
    %add3A_120 = arith.constant 112 : i32
    %add3A_121 = arith.addi %mul3A_0, %add3A_120 : i32
    %add3A_122 = vector.broadcast %add3A_121 : i32 to vector<16xi32>
    %add3A_123 = arith.addi %add3A_122, %iota3A : vector<16xi32>
    %mul3A_124 = arith.constant 1000 : i32
    %mul3A_125 = vector.broadcast %mul3A_124 : i32 to vector<16xi32>
    %mul3A_126 = arith.muli %add3A_123, %mul3A_125 : vector<16xi32>
    %add3A_127 = arith.addi %mul3A_126, %get3A_119 : vector<16xi32>
    %swap3A_128 = arith.constant 0 : i32
    %swap3A_129 = arith.index_cast %swap3A_128 : i32 to index
    %swap3A_130 = arith.constant 112 : index
    %swap3A_131 = tpu.vector_load %arg9[%swap3A_129, %swap3A_130] {strides = array<i32>} : memref<8x128xi32, #tpu.memory_space<vmem>>, vector<1x16xi32>,
    %swap3A_132 = vector.shape_cast %swap3A_131 : vector<1x16xi32> to vector<16xi32>
    %swap3A_133 = vector.shape_cast %add3A_127 : vector<16xi32> to vector<1x16xi32>
    tpu.vector_store %arg9[%swap3A_129, %swap3A_130], %swap3A_133 {strides = array<i32>} : memref<8x128xi32, #tpu.memory_space<vmem>>, vector<1x16xi32>,
    %get3A_134 = arith.constant 128 : index
    %get3A_135 = tpu.vector_load %arg8[%get3A_134] {strides = array<i32>} : memref<1024xi32, #tpu.memory_space<vmem>>, vector<16xi32>,
    %get3A_136 = vector.shape_cast %get3A_135 : vector<16xi32> to vector<16xi32>
    %add3A_137 = arith.constant 128 : i32
    %add3A_138 = arith.addi %mul3A_0, %add3A_137 : i32
    %add3A_139 = vector.broadcast %add3A_138 : i32 to vector<16xi32>
    %add3A_140 = arith.addi %add3A_139, %iota3A : vector<16xi32>
    %mul3A_141 = arith.constant 1000 : i32
    %mul3A_142 = vector.broadcast %mul3A_141 : i32 to vector<16xi32>
    %mul3A_143 = arith.muli %add3A_140, %mul3A_142 : vector<16xi32>
    %add3A_144 = arith.addi %mul3A_143, %get3A_136 : vector<16xi32>
    %swap3A_145 = arith.constant 1 : i32
    %swap3A_146 = arith.index_cast %swap3A_145 : i32 to index
    %swap3A_147 = arith.constant 0 : index
    %swap3A_148 = tpu.vector_load %arg9[%swap3A_146, %swap3A_147] {strides = array<i32>} : memref<8x128xi32, #tpu.memory_space<vmem>>, vector<1x16xi32>,
    %swap3A_149 = vector.shape_cast %swap3A_148 : vector<1x16xi32> to vector<16xi32>
    %swap3A_150 = vector.shape_cast %add3A_144 : vector<16xi32> to vector<1x16xi32>
    tpu.vector_store %arg9[%swap3A_146, %swap3A_147], %swap3A_150 {strides = array<i32>} : memref<8x128xi32, #tpu.memory_space<vmem>>, vector<1x16xi32>,
    %get3A_151 = arith.constant 144 : index
    %get3A_152 = tpu.vector_load %arg8[%get3A_151] {strides = array<i32>} : memref<1024xi32, #tpu.memory_space<vmem>>, vector<16xi32>,
    %get3A_153 = vector.shape_cast %get3A_152 : vector<16xi32> to vector<16xi32>
    %add3A_154 = arith.constant 144 : i32
    %add3A_155 = arith.addi %mul3A_0, %add3A_154 : i32
    %add3A_156 = vector.broadcast %add3A_155 : i32 to vector<16xi32>
    %add3A_157 = arith.addi %add3A_156, %iota3A : vector<16xi32>
    %mul3A_158 = arith.constant 1000 : i32
    %mul3A_159 = vector.broadcast %mul3A_158 : i32 to vector<16xi32>
    %mul3A_160 = arith.muli %add3A_157, %mul3A_159 : vector<16xi32>
    %add3A_161 = arith.addi %mul3A_160, %get3A_153 : vector<16xi32>
    %swap3A_162 = arith.constant 1 : i32
    %swap3A_163 = arith.index_cast %swap3A_162 : i32 to index
    %swap3A_164 = arith.constant 16 : index
    %swap3A_165 = tpu.vector_load %arg9[%swap3A_163, %swap3A_164] {strides = array<i32>} : memref<8x128xi32, #tpu.memory_space<vmem>>, vector<1x16xi32>,
    %swap3A_166 = vector.shape_cast %swap3A_165 : vector<1x16xi32> to vector<16xi32>
    %swap3A_167 = vector.shape_cast %add3A_161 : vector<16xi32> to vector<1x16xi32>
    tpu.vector_store %arg9[%swap3A_163, %swap3A_164], %swap3A_167 {strides = array<i32>} : memref<8x128xi32, #tpu.memory_space<vmem>>, vector<1x16xi32>,
    %get3A_168 = arith.constant 160 : index
    %get3A_169 = tpu.vector_load %arg8[%get3A_168] {strides = array<i32>} : memref<1024xi32, #tpu.memory_space<vmem>>, vector<16xi32>,
    %get3A_170 = vector.shape_cast %get3A_169 : vector<16xi32> to vector<16xi32>
    %add3A_171 = arith.constant 160 : i32
    %add3A_172 = arith.addi %mul3A_0, %add3A_171 : i32
    %add3A_173 = vector.broadcast %add3A_172 : i32 to vector<16xi32>
    %add3A_174 = arith.addi %add3A_173, %iota3A : vector<16xi32>
    %mul3A_175 = arith.constant 1000 : i32
    %mul3A_176 = vector.broadcast %mul3A_175 : i32 to vector<16xi32>
    %mul3A_177 = arith.muli %add3A_174, %mul3A_176 : vector<16xi32>
    %add3A_178 = arith.addi %mul3A_177, %get3A_170 : vector<16xi32>
    %swap3A_179 = arith.constant 1 : i32
    %swap3A_180 = arith.index_cast %swap3A_179 : i32 to index
    %swap3A_181 = arith.constant 32 : index
    %swap3A_182 = tpu.vector_load %arg9[%swap3A_180, %swap3A_181] {strides = array<i32>} : memref<8x128xi32, #tpu.memory_space<vmem>>, vector<1x16xi32>,
    %swap3A_183 = vector.shape_cast %swap3A_182 : vector<1x16xi32> to vector<16xi32>
    %swap3A_184 = vector.shape_cast %add3A_178 : vector<16xi32> to vector<1x16xi32>
    tpu.vector_store %arg9[%swap3A_180, %swap3A_181], %swap3A_184 {strides = array<i32>} : memref<8x128xi32, #tpu.memory_space<vmem>>, vector<1x16xi32>,
    %get3A_185 = arith.constant 176 : index
    %get3A_186 = tpu.vector_load %arg8[%get3A_185] {strides = array<i32>} : memref<1024xi32, #tpu.memory_space<vmem>>, vector<16xi32>,
    %get3A_187 = vector.shape_cast %get3A_186 : vector<16xi32> to vector<16xi32>
    %add3A_188 = arith.constant 176 : i32
    %add3A_189 = arith.addi %mul3A_0, %add3A_188 : i32
    %add3A_190 = vector.broadcast %add3A_189 : i32 to vector<16xi32>
    %add3A_191 = arith.addi %add3A_190, %iota3A : vector<16xi32>
    %mul3A_192 = arith.constant 1000 : i32
    %mul3A_193 = vector.broadcast %mul3A_192 : i32 to vector<16xi32>
    %mul3A_194 = arith.muli %add3A_191, %mul3A_193 : vector<16xi32>
    %add3A_195 = arith.addi %mul3A_194, %get3A_187 : vector<16xi32>
    %swap3A_196 = arith.constant 1 : i32
    %swap3A_197 = arith.index_cast %swap3A_196 : i32 to index
    %swap3A_198 = arith.constant 48 : index
    %swap3A_199 = tpu.vector_load %arg9[%swap3A_197, %swap3A_198] {strides = array<i32>} : memref<8x128xi32, #tpu.memory_space<vmem>>, vector<1x16xi32>,
    %swap3A_200 = vector.shape_cast %swap3A_199 : vector<1x16xi32> to vector<16xi32>
    %swap3A_201 = vector.shape_cast %add3A_195 : vector<16xi32> to vector<1x16xi32>
    tpu.vector_store %arg9[%swap3A_197, %swap3A_198], %swap3A_201 {strides = array<i32>} : memref<8x128xi32, #tpu.memory_space<vmem>>, vector<1x16xi32>,
    %get3A_202 = arith.constant 192 : index
    %get3A_203 = tpu.vector_load %arg8[%get3A_202] {strides = array<i32>} : memref<1024xi32, #tpu.memory_space<vmem>>, vector<16xi32>,
    %get3A_204 = vector.shape_cast %get3A_203 : vector<16xi32> to vector<16xi32>
    %add3A_205 = arith.constant 192 : i32
    %add3A_206 = arith.addi %mul3A_0, %add3A_205 : i32
    %add3A_207 = vector.broadcast %add3A_206 : i32 to vector<16xi32>
    %add3A_208 = arith.addi %add3A_207, %iota3A : vector<16xi32>
    %mul3A_209 = arith.constant 1000 : i32
    %mul3A_210 = vector.broadcast %mul3A_209 : i32 to vector<16xi32>
    %mul3A_211 = arith.muli %add3A_208, %mul3A_210 : vector<16xi32>
    %add3A_212 = arith.addi %mul3A_211, %get3A_204 : vector<16xi32>
    %swap3A_213 = arith.constant 1 : i32
    %swap3A_214 = arith.index_cast %swap3A_213 : i32 to index
    %swap3A_215 = arith.constant 64 : index
    %swap3A_216 = tpu.vector_load %arg9[%swap3A_214, %swap3A_215] {strides = array<i32>} : memref<8x128xi32, #tpu.memory_space<vmem>>, vector<1x16xi32>,
    %swap3A_217 = vector.shape_cast %swap3A_216 : vector<1x16xi32> to vector<16xi32>
    %swap3A_218 = vector.shape_cast %add3A_212 : vector<16xi32> to vector<1x16xi32>
    tpu.vector_store %arg9[%swap3A_214, %swap3A_215], %swap3A_218 {strides = array<i32>} : memref<8x128xi32, #tpu.memory_space<vmem>>, vector<1x16xi32>,
    %get3A_219 = arith.constant 208 : index
    %get3A_220 = tpu.vector_load %arg8[%get3A_219] {strides = array<i32>} : memref<1024xi32, #tpu.memory_space<vmem>>, vector<16xi32>,
    %get3A_221 = vector.shape_cast %get3A_220 : vector<16xi32> to vector<16xi32>
    %add3A_222 = arith.constant 208 : i32
    %add3A_223 = arith.addi %mul3A_0, %add3A_222 : i32
    %add3A_224 = vector.broadcast %add3A_223 : i32 to vector<16xi32>
    %add3A_225 = arith.addi %add3A_224, %iota3A : vector<16xi32>
    %mul3A_226 = arith.constant 1000 : i32
    %mul3A_227 = vector.broadcast %mul3A_226 : i32 to vector<16xi32>
    %mul3A_228 = arith.muli %add3A_225, %mul3A_227 : vector<16xi32>
    %add3A_229 = arith.addi %mul3A_228, %get3A_221 : vector<16xi32>
    %swap3A_230 = arith.constant 1 : i32
    %swap3A_231 = arith.index_cast %swap3A_230 : i32 to index
    %swap3A_232 = arith.constant 80 : index
    %swap3A_233 = tpu.vector_load %arg9[%swap3A_231, %swap3A_232] {strides = array<i32>} : memref<8x128xi32, #tpu.memory_space<vmem>>, vector<1x16xi32>,
    %swap3A_234 = vector.shape_cast %swap3A_233 : vector<1x16xi32> to vector<16xi32>
    %swap3A_235 = vector.shape_cast %add3A_229 : vector<16xi32> to vector<1x16xi32>
    tpu.vector_store %arg9[%swap3A_231, %swap3A_232], %swap3A_235 {strides = array<i32>} : memref<8x128xi32, #tpu.memory_space<vmem>>, vector<1x16xi32>,
    %get3A_236 = arith.constant 224 : index
    %get3A_237 = tpu.vector_load %arg8[%get3A_236] {strides = array<i32>} : memref<1024xi32, #tpu.memory_space<vmem>>, vector<16xi32>,
    %get3A_238 = vector.shape_cast %get3A_237 : vector<16xi32> to vector<16xi32>
    %add3A_239 = arith.constant 224 : i32
    %add3A_240 = arith.addi %mul3A_0, %add3A_239 : i32
    %add3A_241 = vector.broadcast %add3A_240 : i32 to vector<16xi32>
    %add3A_242 = arith.addi %add3A_241, %iota3A : vector<16xi32>
    %mul3A_243 = arith.constant 1000 : i32
    %mul3A_244 = vector.broadcast %mul3A_243 : i32 to vector<16xi32>
    %mul3A_245 = arith.muli %add3A_242, %mul3A_244 : vector<16xi32>
    %add3A_246 = arith.addi %mul3A_245, %get3A_238 : vector<16xi32>
    %swap3A_247 = arith.constant 1 : i32
    %swap3A_248 = arith.index_cast %swap3A_247 : i32 to index
    %swap3A_249 = arith.constant 96 : index
    %swap3A_250 = tpu.vector_load %arg9[%swap3A_248, %swap3A_249] {strides = array<i32>} : memref<8x128xi32, #tpu.memory_space<vmem>>, vector<1x16xi32>,
    %swap3A_251 = vector.shape_cast %swap3A_250 : vector<1x16xi32> to vector<16xi32>
    %swap3A_252 = vector.shape_cast %add3A_246 : vector<16xi32> to vector<1x16xi32>
    tpu.vector_store %arg9[%swap3A_248, %swap3A_249], %swap3A_252 {strides = array<i32>} : memref<8x128xi32, #tpu.memory_space<vmem>>, vector<1x16xi32>,
    %get3A_253 = arith.constant 240 : index
    %get3A_254 = tpu.vector_load %arg8[%get3A_253] {strides = array<i32>} : memref<1024xi32, #tpu.memory_space<vmem>>, vector<16xi32>,
    %get3A_255 = vector.shape_cast %get3A_254 : vector<16xi32> to vector<16xi32>
    %add3A_256 = arith.constant 240 : i32
    %add3A_257 = arith.addi %mul3A_0, %add3A_256 : i32
    %add3A_258 = vector.broadcast %add3A_257 : i32 to vector<16xi32>
    %add3A_259 = arith.addi %add3A_258, %iota3A : vector<16xi32>
    %mul3A_260 = arith.constant 1000 : i32
    %mul3A_261 = vector.broadcast %mul3A_260 : i32 to vector<16xi32>
    %mul3A_262 = arith.muli %add3A_259, %mul3A_261 : vector<16xi32>
    %add3A_263 = arith.addi %mul3A_262, %get3A_255 : vector<16xi32>
    %swap3A_264 = arith.constant 1 : i32
    %swap3A_265 = arith.index_cast %swap3A_264 : i32 to index
    %swap3A_266 = arith.constant 112 : index
    %swap3A_267 = tpu.vector_load %arg9[%swap3A_265, %swap3A_266] {strides = array<i32>} : memref<8x128xi32, #tpu.memory_space<vmem>>, vector<1x16xi32>,
    %swap3A_268 = vector.shape_cast %swap3A_267 : vector<1x16xi32> to vector<16xi32>
    %swap3A_269 = vector.shape_cast %add3A_263 : vector<16xi32> to vector<1x16xi32>
    tpu.vector_store %arg9[%swap3A_265, %swap3A_266], %swap3A_269 {strides = array<i32>} : memref<8x128xi32, #tpu.memory_space<vmem>>, vector<1x16xi32>,
    %get3A_270 = arith.constant 256 : index
    %get3A_271 = tpu.vector_load %arg8[%get3A_270] {strides = array<i32>} : memref<1024xi32, #tpu.memory_space<vmem>>, vector<16xi32>,
    %get3A_272 = vector.shape_cast %get3A_271 : vector<16xi32> to vector<16xi32>
    %add3A_273 = arith.constant 256 : i32
    %add3A_274 = arith.addi %mul3A_0, %add3A_273 : i32
    %add3A_275 = vector.broadcast %add3A_274 : i32 to vector<16xi32>
    %add3A_276 = arith.addi %add3A_275, %iota3A : vector<16xi32>
    %mul3A_277 = arith.constant 1000 : i32
    %mul3A_278 = vector.broadcast %mul3A_277 : i32 to vector<16xi32>
    %mul3A_279 = arith.muli %add3A_276, %mul3A_278 : vector<16xi32>
    %add3A_280 = arith.addi %mul3A_279, %get3A_272 : vector<16xi32>
    %swap3A_281 = arith.constant 2 : i32
    %swap3A_282 = arith.index_cast %swap3A_281 : i32 to index
    %swap3A_283 = arith.constant 0 : index
    %swap3A_284 = tpu.vector_load %arg9[%swap3A_282, %swap3A_283] {strides = array<i32>} : memref<8x128xi32, #tpu.memory_space<vmem>>, vector<1x16xi32>,
    %swap3A_285 = vector.shape_cast %swap3A_284 : vector<1x16xi32> to vector<16xi32>
    %swap3A_286 = vector.shape_cast %add3A_280 : vector<16xi32> to vector<1x16xi32>
    tpu.vector_store %arg9[%swap3A_282, %swap3A_283], %swap3A_286 {strides = array<i32>} : memref<8x128xi32, #tpu.memory_space<vmem>>, vector<1x16xi32>,
    %get3A_287 = arith.constant 272 : index
    %get3A_288 = tpu.vector_load %arg8[%get3A_287] {strides = array<i32>} : memref<1024xi32, #tpu.memory_space<vmem>>, vector<16xi32>,
    %get3A_289 = vector.shape_cast %get3A_288 : vector<16xi32> to vector<16xi32>
    %add3A_290 = arith.constant 272 : i32
    %add3A_291 = arith.addi %mul3A_0, %add3A_290 : i32
    %add3A_292 = vector.broadcast %add3A_291 : i32 to vector<16xi32>
    %add3A_293 = arith.addi %add3A_292, %iota3A : vector<16xi32>
    %mul3A_294 = arith.constant 1000 : i32
    %mul3A_295 = vector.broadcast %mul3A_294 : i32 to vector<16xi32>
    %mul3A_296 = arith.muli %add3A_293, %mul3A_295 : vector<16xi32>
    %add3A_297 = arith.addi %mul3A_296, %get3A_289 : vector<16xi32>
    %swap3A_298 = arith.constant 2 : i32
    %swap3A_299 = arith.index_cast %swap3A_298 : i32 to index
    %swap3A_300 = arith.constant 16 : index
    %swap3A_301 = tpu.vector_load %arg9[%swap3A_299, %swap3A_300] {strides = array<i32>} : memref<8x128xi32, #tpu.memory_space<vmem>>, vector<1x16xi32>,
    %swap3A_302 = vector.shape_cast %swap3A_301 : vector<1x16xi32> to vector<16xi32>
    %swap3A_303 = vector.shape_cast %add3A_297 : vector<16xi32> to vector<1x16xi32>
    tpu.vector_store %arg9[%swap3A_299, %swap3A_300], %swap3A_303 {strides = array<i32>} : memref<8x128xi32, #tpu.memory_space<vmem>>, vector<1x16xi32>,
    %get3A_304 = arith.constant 288 : index
    %get3A_305 = tpu.vector_load %arg8[%get3A_304] {strides = array<i32>} : memref<1024xi32, #tpu.memory_space<vmem>>, vector<16xi32>,
    %get3A_306 = vector.shape_cast %get3A_305 : vector<16xi32> to vector<16xi32>
    %add3A_307 = arith.constant 288 : i32
    %add3A_308 = arith.addi %mul3A_0, %add3A_307 : i32
    %add3A_309 = vector.broadcast %add3A_308 : i32 to vector<16xi32>
    %add3A_310 = arith.addi %add3A_309, %iota3A : vector<16xi32>
    %mul3A_311 = arith.constant 1000 : i32
    %mul3A_312 = vector.broadcast %mul3A_311 : i32 to vector<16xi32>
    %mul3A_313 = arith.muli %add3A_310, %mul3A_312 : vector<16xi32>
    %add3A_314 = arith.addi %mul3A_313, %get3A_306 : vector<16xi32>
    %swap3A_315 = arith.constant 2 : i32
    %swap3A_316 = arith.index_cast %swap3A_315 : i32 to index
    %swap3A_317 = arith.constant 32 : index
    %swap3A_318 = tpu.vector_load %arg9[%swap3A_316, %swap3A_317] {strides = array<i32>} : memref<8x128xi32, #tpu.memory_space<vmem>>, vector<1x16xi32>,
    %swap3A_319 = vector.shape_cast %swap3A_318 : vector<1x16xi32> to vector<16xi32>
    %swap3A_320 = vector.shape_cast %add3A_314 : vector<16xi32> to vector<1x16xi32>
    tpu.vector_store %arg9[%swap3A_316, %swap3A_317], %swap3A_320 {strides = array<i32>} : memref<8x128xi32, #tpu.memory_space<vmem>>, vector<1x16xi32>,
    %get3A_321 = arith.constant 304 : index
    %get3A_322 = tpu.vector_load %arg8[%get3A_321] {strides = array<i32>} : memref<1024xi32, #tpu.memory_space<vmem>>, vector<16xi32>,
    %get3A_323 = vector.shape_cast %get3A_322 : vector<16xi32> to vector<16xi32>
    %add3A_324 = arith.constant 304 : i32
    %add3A_325 = arith.addi %mul3A_0, %add3A_324 : i32
    %add3A_326 = vector.broadcast %add3A_325 : i32 to vector<16xi32>
    %add3A_327 = arith.addi %add3A_326, %iota3A : vector<16xi32>
    %mul3A_328 = arith.constant 1000 : i32
    %mul3A_329 = vector.broadcast %mul3A_328 : i32 to vector<16xi32>
    %mul3A_330 = arith.muli %add3A_327, %mul3A_329 : vector<16xi32>
    %add3A_331 = arith.addi %mul3A_330, %get3A_323 : vector<16xi32>
    %swap3A_332 = arith.constant 2 : i32
    %swap3A_333 = arith.index_cast %swap3A_332 : i32 to index
    %swap3A_334 = arith.constant 48 : index
    %swap3A_335 = tpu.vector_load %arg9[%swap3A_333, %swap3A_334] {strides = array<i32>} : memref<8x128xi32, #tpu.memory_space<vmem>>, vector<1x16xi32>,
    %swap3A_336 = vector.shape_cast %swap3A_335 : vector<1x16xi32> to vector<16xi32>
    %swap3A_337 = vector.shape_cast %add3A_331 : vector<16xi32> to vector<1x16xi32>
    tpu.vector_store %arg9[%swap3A_333, %swap3A_334], %swap3A_337 {strides = array<i32>} : memref<8x128xi32, #tpu.memory_space<vmem>>, vector<1x16xi32>,
    %get3A_338 = arith.constant 320 : index
    %get3A_339 = tpu.vector_load %arg8[%get3A_338] {strides = array<i32>} : memref<1024xi32, #tpu.memory_space<vmem>>, vector<16xi32>,
    %get3A_340 = vector.shape_cast %get3A_339 : vector<16xi32> to vector<16xi32>
    %add3A_341 = arith.constant 320 : i32
    %add3A_342 = arith.addi %mul3A_0, %add3A_341 : i32
    %add3A_343 = vector.broadcast %add3A_342 : i32 to vector<16xi32>
    %add3A_344 = arith.addi %add3A_343, %iota3A : vector<16xi32>
    %mul3A_345 = arith.constant 1000 : i32
    %mul3A_346 = vector.broadcast %mul3A_345 : i32 to vector<16xi32>
    %mul3A_347 = arith.muli %add3A_344, %mul3A_346 : vector<16xi32>
    %add3A_348 = arith.addi %mul3A_347, %get3A_340 : vector<16xi32>
    %swap3A_349 = arith.constant 2 : i32
    %swap3A_350 = arith.index_cast %swap3A_349 : i32 to index
    %swap3A_351 = arith.constant 64 : index
    %swap3A_352 = tpu.vector_load %arg9[%swap3A_350, %swap3A_351] {strides = array<i32>} : memref<8x128xi32, #tpu.memory_space<vmem>>, vector<1x16xi32>,
    %swap3A_353 = vector.shape_cast %swap3A_352 : vector<1x16xi32> to vector<16xi32>
    %swap3A_354 = vector.shape_cast %add3A_348 : vector<16xi32> to vector<1x16xi32>
    tpu.vector_store %arg9[%swap3A_350, %swap3A_351], %swap3A_354 {strides = array<i32>} : memref<8x128xi32, #tpu.memory_space<vmem>>, vector<1x16xi32>,
    %get3A_355 = arith.constant 336 : index
    %get3A_356 = tpu.vector_load %arg8[%get3A_355] {strides = array<i32>} : memref<1024xi32, #tpu.memory_space<vmem>>, vector<16xi32>,
    %get3A_357 = vector.shape_cast %get3A_356 : vector<16xi32> to vector<16xi32>
    %add3A_358 = arith.constant 336 : i32
    %add3A_359 = arith.addi %mul3A_0, %add3A_358 : i32
    %add3A_360 = vector.broadcast %add3A_359 : i32 to vector<16xi32>
    %add3A_361 = arith.addi %add3A_360, %iota3A : vector<16xi32>
    %mul3A_362 = arith.constant 1000 : i32
    %mul3A_363 = vector.broadcast %mul3A_362 : i32 to vector<16xi32>
    %mul3A_364 = arith.muli %add3A_361, %mul3A_363 : vector<16xi32>
    %add3A_365 = arith.addi %mul3A_364, %get3A_357 : vector<16xi32>
    %swap3A_366 = arith.constant 2 : i32
    %swap3A_367 = arith.index_cast %swap3A_366 : i32 to index
    %swap3A_368 = arith.constant 80 : index
    %swap3A_369 = tpu.vector_load %arg9[%swap3A_367, %swap3A_368] {strides = array<i32>} : memref<8x128xi32, #tpu.memory_space<vmem>>, vector<1x16xi32>,
    %swap3A_370 = vector.shape_cast %swap3A_369 : vector<1x16xi32> to vector<16xi32>
    %swap3A_371 = vector.shape_cast %add3A_365 : vector<16xi32> to vector<1x16xi32>
    tpu.vector_store %arg9[%swap3A_367, %swap3A_368], %swap3A_371 {strides = array<i32>} : memref<8x128xi32, #tpu.memory_space<vmem>>, vector<1x16xi32>,
    %get3A_372 = arith.constant 352 : index
    %get3A_373 = tpu.vector_load %arg8[%get3A_372] {strides = array<i32>} : memref<1024xi32, #tpu.memory_space<vmem>>, vector<16xi32>,
    %get3A_374 = vector.shape_cast %get3A_373 : vector<16xi32> to vector<16xi32>
    %add3A_375 = arith.constant 352 : i32
    %add3A_376 = arith.addi %mul3A_0, %add3A_375 : i32
    %add3A_377 = vector.broadcast %add3A_376 : i32 to vector<16xi32>
    %add3A_378 = arith.addi %add3A_377, %iota3A : vector<16xi32>
    %mul3A_379 = arith.constant 1000 : i32
    %mul3A_380 = vector.broadcast %mul3A_379 : i32 to vector<16xi32>
    %mul3A_381 = arith.muli %add3A_378, %mul3A_380 : vector<16xi32>
    %add3A_382 = arith.addi %mul3A_381, %get3A_374 : vector<16xi32>
    %swap3A_383 = arith.constant 2 : i32
    %swap3A_384 = arith.index_cast %swap3A_383 : i32 to index
    %swap3A_385 = arith.constant 96 : index
    %swap3A_386 = tpu.vector_load %arg9[%swap3A_384, %swap3A_385] {strides = array<i32>} : memref<8x128xi32, #tpu.memory_space<vmem>>, vector<1x16xi32>,
    %swap3A_387 = vector.shape_cast %swap3A_386 : vector<1x16xi32> to vector<16xi32>
    %swap3A_388 = vector.shape_cast %add3A_382 : vector<16xi32> to vector<1x16xi32>
    tpu.vector_store %arg9[%swap3A_384, %swap3A_385], %swap3A_388 {strides = array<i32>} : memref<8x128xi32, #tpu.memory_space<vmem>>, vector<1x16xi32>,
    %get3A_389 = arith.constant 368 : index
    %get3A_390 = tpu.vector_load %arg8[%get3A_389] {strides = array<i32>} : memref<1024xi32, #tpu.memory_space<vmem>>, vector<16xi32>,
    %get3A_391 = vector.shape_cast %get3A_390 : vector<16xi32> to vector<16xi32>
    %add3A_392 = arith.constant 368 : i32
    %add3A_393 = arith.addi %mul3A_0, %add3A_392 : i32
    %add3A_394 = vector.broadcast %add3A_393 : i32 to vector<16xi32>
    %add3A_395 = arith.addi %add3A_394, %iota3A : vector<16xi32>
    %mul3A_396 = arith.constant 1000 : i32
    %mul3A_397 = vector.broadcast %mul3A_396 : i32 to vector<16xi32>
    %mul3A_398 = arith.muli %add3A_395, %mul3A_397 : vector<16xi32>
    %add3A_399 = arith.addi %mul3A_398, %get3A_391 : vector<16xi32>
    %swap3A_400 = arith.constant 2 : i32
    %swap3A_401 = arith.index_cast %swap3A_400 : i32 to index
    %swap3A_402 = arith.constant 112 : index
    %swap3A_403 = tpu.vector_load %arg9[%swap3A_401, %swap3A_402] {strides = array<i32>} : memref<8x128xi32, #tpu.memory_space<vmem>>, vector<1x16xi32>,
    %swap3A_404 = vector.shape_cast %swap3A_403 : vector<1x16xi32> to vector<16xi32>
    %swap3A_405 = vector.shape_cast %add3A_399 : vector<16xi32> to vector<1x16xi32>
    tpu.vector_store %arg9[%swap3A_401, %swap3A_402], %swap3A_405 {strides = array<i32>} : memref<8x128xi32, #tpu.memory_space<vmem>>, vector<1x16xi32>,
    %get3A_406 = arith.constant 384 : index
    %get3A_407 = tpu.vector_load %arg8[%get3A_406] {strides = array<i32>} : memref<1024xi32, #tpu.memory_space<vmem>>, vector<16xi32>,
    %get3A_408 = vector.shape_cast %get3A_407 : vector<16xi32> to vector<16xi32>
    %add3A_409 = arith.constant 384 : i32
    %add3A_410 = arith.addi %mul3A_0, %add3A_409 : i32
    %add3A_411 = vector.broadcast %add3A_410 : i32 to vector<16xi32>
    %add3A_412 = arith.addi %add3A_411, %iota3A : vector<16xi32>
    %mul3A_413 = arith.constant 1000 : i32
    %mul3A_414 = vector.broadcast %mul3A_413 : i32 to vector<16xi32>
    %mul3A_415 = arith.muli %add3A_412, %mul3A_414 : vector<16xi32>
    %add3A_416 = arith.addi %mul3A_415, %get3A_408 : vector<16xi32>
    %swap3A_417 = arith.constant 3 : i32
    %swap3A_418 = arith.index_cast %swap3A_417 : i32 to index
    %swap3A_419 = arith.constant 0 : index
    %swap3A_420 = tpu.vector_load %arg9[%swap3A_418, %swap3A_419] {strides = array<i32>} : memref<8x128xi32, #tpu.memory_space<vmem>>, vector<1x16xi32>,
    %swap3A_421 = vector.shape_cast %swap3A_420 : vector<1x16xi32> to vector<16xi32>
    %swap3A_422 = vector.shape_cast %add3A_416 : vector<16xi32> to vector<1x16xi32>
    tpu.vector_store %arg9[%swap3A_418, %swap3A_419], %swap3A_422 {strides = array<i32>} : memref<8x128xi32, #tpu.memory_space<vmem>>, vector<1x16xi32>,
    %get3A_423 = arith.constant 400 : index
    %get3A_424 = tpu.vector_load %arg8[%get3A_423] {strides = array<i32>} : memref<1024xi32, #tpu.memory_space<vmem>>, vector<16xi32>,
    %get3A_425 = vector.shape_cast %get3A_424 : vector<16xi32> to vector<16xi32>
    %add3A_426 = arith.constant 400 : i32
    %add3A_427 = arith.addi %mul3A_0, %add3A_426 : i32
    %add3A_428 = vector.broadcast %add3A_427 : i32 to vector<16xi32>
    %add3A_429 = arith.addi %add3A_428, %iota3A : vector<16xi32>
    %mul3A_430 = arith.constant 1000 : i32
    %mul3A_431 = vector.broadcast %mul3A_430 : i32 to vector<16xi32>
    %mul3A_432 = arith.muli %add3A_429, %mul3A_431 : vector<16xi32>
    %add3A_433 = arith.addi %mul3A_432, %get3A_425 : vector<16xi32>
    %swap3A_434 = arith.constant 3 : i32
    %swap3A_435 = arith.index_cast %swap3A_434 : i32 to index
    %swap3A_436 = arith.constant 16 : index
    %swap3A_437 = tpu.vector_load %arg9[%swap3A_435, %swap3A_436] {strides = array<i32>} : memref<8x128xi32, #tpu.memory_space<vmem>>, vector<1x16xi32>,
    %swap3A_438 = vector.shape_cast %swap3A_437 : vector<1x16xi32> to vector<16xi32>
    %swap3A_439 = vector.shape_cast %add3A_433 : vector<16xi32> to vector<1x16xi32>
    tpu.vector_store %arg9[%swap3A_435, %swap3A_436], %swap3A_439 {strides = array<i32>} : memref<8x128xi32, #tpu.memory_space<vmem>>, vector<1x16xi32>,
    %get3A_440 = arith.constant 416 : index
    %get3A_441 = tpu.vector_load %arg8[%get3A_440] {strides = array<i32>} : memref<1024xi32, #tpu.memory_space<vmem>>, vector<16xi32>,
    %get3A_442 = vector.shape_cast %get3A_441 : vector<16xi32> to vector<16xi32>
    %add3A_443 = arith.constant 416 : i32
    %add3A_444 = arith.addi %mul3A_0, %add3A_443 : i32
    %add3A_445 = vector.broadcast %add3A_444 : i32 to vector<16xi32>
    %add3A_446 = arith.addi %add3A_445, %iota3A : vector<16xi32>
    %mul3A_447 = arith.constant 1000 : i32
    %mul3A_448 = vector.broadcast %mul3A_447 : i32 to vector<16xi32>
    %mul3A_449 = arith.muli %add3A_446, %mul3A_448 : vector<16xi32>
    %add3A_450 = arith.addi %mul3A_449, %get3A_442 : vector<16xi32>
    %swap3A_451 = arith.constant 3 : i32
    %swap3A_452 = arith.index_cast %swap3A_451 : i32 to index
    %swap3A_453 = arith.constant 32 : index
    %swap3A_454 = tpu.vector_load %arg9[%swap3A_452, %swap3A_453] {strides = array<i32>} : memref<8x128xi32, #tpu.memory_space<vmem>>, vector<1x16xi32>,
    %swap3A_455 = vector.shape_cast %swap3A_454 : vector<1x16xi32> to vector<16xi32>
    %swap3A_456 = vector.shape_cast %add3A_450 : vector<16xi32> to vector<1x16xi32>
    tpu.vector_store %arg9[%swap3A_452, %swap3A_453], %swap3A_456 {strides = array<i32>} : memref<8x128xi32, #tpu.memory_space<vmem>>, vector<1x16xi32>,
    %get3A_457 = arith.constant 432 : index
    %get3A_458 = tpu.vector_load %arg8[%get3A_457] {strides = array<i32>} : memref<1024xi32, #tpu.memory_space<vmem>>, vector<16xi32>,
    %get3A_459 = vector.shape_cast %get3A_458 : vector<16xi32> to vector<16xi32>
    %add3A_460 = arith.constant 432 : i32
    %add3A_461 = arith.addi %mul3A_0, %add3A_460 : i32
    %add3A_462 = vector.broadcast %add3A_461 : i32 to vector<16xi32>
    %add3A_463 = arith.addi %add3A_462, %iota3A : vector<16xi32>
    %mul3A_464 = arith.constant 1000 : i32
    %mul3A_465 = vector.broadcast %mul3A_464 : i32 to vector<16xi32>
    %mul3A_466 = arith.muli %add3A_463, %mul3A_465 : vector<16xi32>
    %add3A_467 = arith.addi %mul3A_466, %get3A_459 : vector<16xi32>
    %swap3A_468 = arith.constant 3 : i32
    %swap3A_469 = arith.index_cast %swap3A_468 : i32 to index
    %swap3A_470 = arith.constant 48 : index
    %swap3A_471 = tpu.vector_load %arg9[%swap3A_469, %swap3A_470] {strides = array<i32>} : memref<8x128xi32, #tpu.memory_space<vmem>>, vector<1x16xi32>,
    %swap3A_472 = vector.shape_cast %swap3A_471 : vector<1x16xi32> to vector<16xi32>
    %swap3A_473 = vector.shape_cast %add3A_467 : vector<16xi32> to vector<1x16xi32>
    tpu.vector_store %arg9[%swap3A_469, %swap3A_470], %swap3A_473 {strides = array<i32>} : memref<8x128xi32, #tpu.memory_space<vmem>>, vector<1x16xi32>,
    %get3A_474 = arith.constant 448 : index
    %get3A_475 = tpu.vector_load %arg8[%get3A_474] {strides = array<i32>} : memref<1024xi32, #tpu.memory_space<vmem>>, vector<16xi32>,
    %get3A_476 = vector.shape_cast %get3A_475 : vector<16xi32> to vector<16xi32>
    %add3A_477 = arith.constant 448 : i32
    %add3A_478 = arith.addi %mul3A_0, %add3A_477 : i32
    %add3A_479 = vector.broadcast %add3A_478 : i32 to vector<16xi32>
    %add3A_480 = arith.addi %add3A_479, %iota3A : vector<16xi32>
    %mul3A_481 = arith.constant 1000 : i32
    %mul3A_482 = vector.broadcast %mul3A_481 : i32 to vector<16xi32>
    %mul3A_483 = arith.muli %add3A_480, %mul3A_482 : vector<16xi32>
    %add3A_484 = arith.addi %mul3A_483, %get3A_476 : vector<16xi32>
    %swap3A_485 = arith.constant 3 : i32
    %swap3A_486 = arith.index_cast %swap3A_485 : i32 to index
    %swap3A_487 = arith.constant 64 : index
    %swap3A_488 = tpu.vector_load %arg9[%swap3A_486, %swap3A_487] {strides = array<i32>} : memref<8x128xi32, #tpu.memory_space<vmem>>, vector<1x16xi32>,
    %swap3A_489 = vector.shape_cast %swap3A_488 : vector<1x16xi32> to vector<16xi32>
    %swap3A_490 = vector.shape_cast %add3A_484 : vector<16xi32> to vector<1x16xi32>
    tpu.vector_store %arg9[%swap3A_486, %swap3A_487], %swap3A_490 {strides = array<i32>} : memref<8x128xi32, #tpu.memory_space<vmem>>, vector<1x16xi32>,
    %get3A_491 = arith.constant 464 : index
    %get3A_492 = tpu.vector_load %arg8[%get3A_491] {strides = array<i32>} : memref<1024xi32, #tpu.memory_space<vmem>>, vector<16xi32>,
    %get3A_493 = vector.shape_cast %get3A_492 : vector<16xi32> to vector<16xi32>
    %add3A_494 = arith.constant 464 : i32
    %add3A_495 = arith.addi %mul3A_0, %add3A_494 : i32
    %add3A_496 = vector.broadcast %add3A_495 : i32 to vector<16xi32>
    %add3A_497 = arith.addi %add3A_496, %iota3A : vector<16xi32>
    %mul3A_498 = arith.constant 1000 : i32
    %mul3A_499 = vector.broadcast %mul3A_498 : i32 to vector<16xi32>
    %mul3A_500 = arith.muli %add3A_497, %mul3A_499 : vector<16xi32>
    %add3A_501 = arith.addi %mul3A_500, %get3A_493 : vector<16xi32>
    %swap3A_502 = arith.constant 3 : i32
    %swap3A_503 = arith.index_cast %swap3A_502 : i32 to index
    %swap3A_504 = arith.constant 80 : index
    %swap3A_505 = tpu.vector_load %arg9[%swap3A_503, %swap3A_504] {strides = array<i32>} : memref<8x128xi32, #tpu.memory_space<vmem>>, vector<1x16xi32>,
    %swap3A_506 = vector.shape_cast %swap3A_505 : vector<1x16xi32> to vector<16xi32>
    %swap3A_507 = vector.shape_cast %add3A_501 : vector<16xi32> to vector<1x16xi32>
    tpu.vector_store %arg9[%swap3A_503, %swap3A_504], %swap3A_507 {strides = array<i32>} : memref<8x128xi32, #tpu.memory_space<vmem>>, vector<1x16xi32>,
    %get3A_508 = arith.constant 480 : index
    %get3A_509 = tpu.vector_load %arg8[%get3A_508] {strides = array<i32>} : memref<1024xi32, #tpu.memory_space<vmem>>, vector<16xi32>,
    %get3A_510 = vector.shape_cast %get3A_509 : vector<16xi32> to vector<16xi32>
    %add3A_511 = arith.constant 480 : i32
    %add3A_512 = arith.addi %mul3A_0, %add3A_511 : i32
    %add3A_513 = vector.broadcast %add3A_512 : i32 to vector<16xi32>
    %add3A_514 = arith.addi %add3A_513, %iota3A : vector<16xi32>
    %mul3A_515 = arith.constant 1000 : i32
    %mul3A_516 = vector.broadcast %mul3A_515 : i32 to vector<16xi32>
    %mul3A_517 = arith.muli %add3A_514, %mul3A_516 : vector<16xi32>
    %add3A_518 = arith.addi %mul3A_517, %get3A_510 : vector<16xi32>
    %swap3A_519 = arith.constant 3 : i32
    %swap3A_520 = arith.index_cast %swap3A_519 : i32 to index
    %swap3A_521 = arith.constant 96 : index
    %swap3A_522 = tpu.vector_load %arg9[%swap3A_520, %swap3A_521] {strides = array<i32>} : memref<8x128xi32, #tpu.memory_space<vmem>>, vector<1x16xi32>,
    %swap3A_523 = vector.shape_cast %swap3A_522 : vector<1x16xi32> to vector<16xi32>
    %swap3A_524 = vector.shape_cast %add3A_518 : vector<16xi32> to vector<1x16xi32>
    tpu.vector_store %arg9[%swap3A_520, %swap3A_521], %swap3A_524 {strides = array<i32>} : memref<8x128xi32, #tpu.memory_space<vmem>>, vector<1x16xi32>,
    %get3A_525 = arith.constant 496 : index
    %get3A_526 = tpu.vector_load %arg8[%get3A_525] {strides = array<i32>} : memref<1024xi32, #tpu.memory_space<vmem>>, vector<16xi32>,
    %get3A_527 = vector.shape_cast %get3A_526 : vector<16xi32> to vector<16xi32>
    %add3A_528 = arith.constant 496 : i32
    %add3A_529 = arith.addi %mul3A_0, %add3A_528 : i32
    %add3A_530 = vector.broadcast %add3A_529 : i32 to vector<16xi32>
    %add3A_531 = arith.addi %add3A_530, %iota3A : vector<16xi32>
    %mul3A_532 = arith.constant 1000 : i32
    %mul3A_533 = vector.broadcast %mul3A_532 : i32 to vector<16xi32>
    %mul3A_534 = arith.muli %add3A_531, %mul3A_533 : vector<16xi32>
    %add3A_535 = arith.addi %mul3A_534, %get3A_527 : vector<16xi32>
    %swap3A_536 = arith.constant 3 : i32
    %swap3A_537 = arith.index_cast %swap3A_536 : i32 to index
    %swap3A_538 = arith.constant 112 : index
    %swap3A_539 = tpu.vector_load %arg9[%swap3A_537, %swap3A_538] {strides = array<i32>} : memref<8x128xi32, #tpu.memory_space<vmem>>, vector<1x16xi32>,
    %swap3A_540 = vector.shape_cast %swap3A_539 : vector<1x16xi32> to vector<16xi32>
    %swap3A_541 = vector.shape_cast %add3A_535 : vector<16xi32> to vector<1x16xi32>
    tpu.vector_store %arg9[%swap3A_537, %swap3A_538], %swap3A_541 {strides = array<i32>} : memref<8x128xi32, #tpu.memory_space<vmem>>, vector<1x16xi32>,
    %get3A_542 = arith.constant 512 : index
    %get3A_543 = tpu.vector_load %arg8[%get3A_542] {strides = array<i32>} : memref<1024xi32, #tpu.memory_space<vmem>>, vector<16xi32>,
    %get3A_544 = vector.shape_cast %get3A_543 : vector<16xi32> to vector<16xi32>
    %add3A_545 = arith.constant 512 : i32
    %add3A_546 = arith.addi %mul3A_0, %add3A_545 : i32
    %add3A_547 = vector.broadcast %add3A_546 : i32 to vector<16xi32>
    %add3A_548 = arith.addi %add3A_547, %iota3A : vector<16xi32>
    %mul3A_549 = arith.constant 1000 : i32
    %mul3A_550 = vector.broadcast %mul3A_549 : i32 to vector<16xi32>
    %mul3A_551 = arith.muli %add3A_548, %mul3A_550 : vector<16xi32>
    %add3A_552 = arith.addi %mul3A_551, %get3A_544 : vector<16xi32>
    %swap3A_553 = arith.constant 4 : i32
    %swap3A_554 = arith.index_cast %swap3A_553 : i32 to index
    %swap3A_555 = arith.constant 0 : index
    %swap3A_556 = tpu.vector_load %arg9[%swap3A_554, %swap3A_555] {strides = array<i32>} : memref<8x128xi32, #tpu.memory_space<vmem>>, vector<1x16xi32>,
    %swap3A_557 = vector.shape_cast %swap3A_556 : vector<1x16xi32> to vector<16xi32>
    %swap3A_558 = vector.shape_cast %add3A_552 : vector<16xi32> to vector<1x16xi32>
    tpu.vector_store %arg9[%swap3A_554, %swap3A_555], %swap3A_558 {strides = array<i32>} : memref<8x128xi32, #tpu.memory_space<vmem>>, vector<1x16xi32>,
    %get3A_559 = arith.constant 528 : index
    %get3A_560 = tpu.vector_load %arg8[%get3A_559] {strides = array<i32>} : memref<1024xi32, #tpu.memory_space<vmem>>, vector<16xi32>,
    %get3A_561 = vector.shape_cast %get3A_560 : vector<16xi32> to vector<16xi32>
    %add3A_562 = arith.constant 528 : i32
    %add3A_563 = arith.addi %mul3A_0, %add3A_562 : i32
    %add3A_564 = vector.broadcast %add3A_563 : i32 to vector<16xi32>
    %add3A_565 = arith.addi %add3A_564, %iota3A : vector<16xi32>
    %mul3A_566 = arith.constant 1000 : i32
    %mul3A_567 = vector.broadcast %mul3A_566 : i32 to vector<16xi32>
    %mul3A_568 = arith.muli %add3A_565, %mul3A_567 : vector<16xi32>
    %add3A_569 = arith.addi %mul3A_568, %get3A_561 : vector<16xi32>
    %swap3A_570 = arith.constant 4 : i32
    %swap3A_571 = arith.index_cast %swap3A_570 : i32 to index
    %swap3A_572 = arith.constant 16 : index
    %swap3A_573 = tpu.vector_load %arg9[%swap3A_571, %swap3A_572] {strides = array<i32>} : memref<8x128xi32, #tpu.memory_space<vmem>>, vector<1x16xi32>,
    %swap3A_574 = vector.shape_cast %swap3A_573 : vector<1x16xi32> to vector<16xi32>
    %swap3A_575 = vector.shape_cast %add3A_569 : vector<16xi32> to vector<1x16xi32>
    tpu.vector_store %arg9[%swap3A_571, %swap3A_572], %swap3A_575 {strides = array<i32>} : memref<8x128xi32, #tpu.memory_space<vmem>>, vector<1x16xi32>,
    %get3A_576 = arith.constant 544 : index
    %get3A_577 = tpu.vector_load %arg8[%get3A_576] {strides = array<i32>} : memref<1024xi32, #tpu.memory_space<vmem>>, vector<16xi32>,
    %get3A_578 = vector.shape_cast %get3A_577 : vector<16xi32> to vector<16xi32>
    %add3A_579 = arith.constant 544 : i32
    %add3A_580 = arith.addi %mul3A_0, %add3A_579 : i32
    %add3A_581 = vector.broadcast %add3A_580 : i32 to vector<16xi32>
    %add3A_582 = arith.addi %add3A_581, %iota3A : vector<16xi32>
    %mul3A_583 = arith.constant 1000 : i32
    %mul3A_584 = vector.broadcast %mul3A_583 : i32 to vector<16xi32>
    %mul3A_585 = arith.muli %add3A_582, %mul3A_584 : vector<16xi32>
    %add3A_586 = arith.addi %mul3A_585, %get3A_578 : vector<16xi32>
    %swap3A_587 = arith.constant 4 : i32
    %swap3A_588 = arith.index_cast %swap3A_587 : i32 to index
    %swap3A_589 = arith.constant 32 : index
    %swap3A_590 = tpu.vector_load %arg9[%swap3A_588, %swap3A_589] {strides = array<i32>} : memref<8x128xi32, #tpu.memory_space<vmem>>, vector<1x16xi32>,
    %swap3A_591 = vector.shape_cast %swap3A_590 : vector<1x16xi32> to vector<16xi32>
    %swap3A_592 = vector.shape_cast %add3A_586 : vector<16xi32> to vector<1x16xi32>
    tpu.vector_store %arg9[%swap3A_588, %swap3A_589], %swap3A_592 {strides = array<i32>} : memref<8x128xi32, #tpu.memory_space<vmem>>, vector<1x16xi32>,
    %get3A_593 = arith.constant 560 : index
    %get3A_594 = tpu.vector_load %arg8[%get3A_593] {strides = array<i32>} : memref<1024xi32, #tpu.memory_space<vmem>>, vector<16xi32>,
    %get3A_595 = vector.shape_cast %get3A_594 : vector<16xi32> to vector<16xi32>
    %add3A_596 = arith.constant 560 : i32
    %add3A_597 = arith.addi %mul3A_0, %add3A_596 : i32
    %add3A_598 = vector.broadcast %add3A_597 : i32 to vector<16xi32>
    %add3A_599 = arith.addi %add3A_598, %iota3A : vector<16xi32>
    %mul3A_600 = arith.constant 1000 : i32
    %mul3A_601 = vector.broadcast %mul3A_600 : i32 to vector<16xi32>
    %mul3A_602 = arith.muli %add3A_599, %mul3A_601 : vector<16xi32>
    %add3A_603 = arith.addi %mul3A_602, %get3A_595 : vector<16xi32>
    %swap3A_604 = arith.constant 4 : i32
    %swap3A_605 = arith.index_cast %swap3A_604 : i32 to index
    %swap3A_606 = arith.constant 48 : index
    %swap3A_607 = tpu.vector_load %arg9[%swap3A_605, %swap3A_606] {strides = array<i32>} : memref<8x128xi32, #tpu.memory_space<vmem>>, vector<1x16xi32>,
    %swap3A_608 = vector.shape_cast %swap3A_607 : vector<1x16xi32> to vector<16xi32>
    %swap3A_609 = vector.shape_cast %add3A_603 : vector<16xi32> to vector<1x16xi32>
    tpu.vector_store %arg9[%swap3A_605, %swap3A_606], %swap3A_609 {strides = array<i32>} : memref<8x128xi32, #tpu.memory_space<vmem>>, vector<1x16xi32>,
    %get3A_610 = arith.constant 576 : index
    %get3A_611 = tpu.vector_load %arg8[%get3A_610] {strides = array<i32>} : memref<1024xi32, #tpu.memory_space<vmem>>, vector<16xi32>,
    %get3A_612 = vector.shape_cast %get3A_611 : vector<16xi32> to vector<16xi32>
    %add3A_613 = arith.constant 576 : i32
    %add3A_614 = arith.addi %mul3A_0, %add3A_613 : i32
    %add3A_615 = vector.broadcast %add3A_614 : i32 to vector<16xi32>
    %add3A_616 = arith.addi %add3A_615, %iota3A : vector<16xi32>
    %mul3A_617 = arith.constant 1000 : i32
    %mul3A_618 = vector.broadcast %mul3A_617 : i32 to vector<16xi32>
    %mul3A_619 = arith.muli %add3A_616, %mul3A_618 : vector<16xi32>
    %add3A_620 = arith.addi %mul3A_619, %get3A_612 : vector<16xi32>
    %swap3A_621 = arith.constant 4 : i32
    %swap3A_622 = arith.index_cast %swap3A_621 : i32 to index
    %swap3A_623 = arith.constant 64 : index
    %swap3A_624 = tpu.vector_load %arg9[%swap3A_622, %swap3A_623] {strides = array<i32>} : memref<8x128xi32, #tpu.memory_space<vmem>>, vector<1x16xi32>,
    %swap3A_625 = vector.shape_cast %swap3A_624 : vector<1x16xi32> to vector<16xi32>
    %swap3A_626 = vector.shape_cast %add3A_620 : vector<16xi32> to vector<1x16xi32>
    tpu.vector_store %arg9[%swap3A_622, %swap3A_623], %swap3A_626 {strides = array<i32>} : memref<8x128xi32, #tpu.memory_space<vmem>>, vector<1x16xi32>,
    %get3A_627 = arith.constant 592 : index
    %get3A_628 = tpu.vector_load %arg8[%get3A_627] {strides = array<i32>} : memref<1024xi32, #tpu.memory_space<vmem>>, vector<16xi32>,
    %get3A_629 = vector.shape_cast %get3A_628 : vector<16xi32> to vector<16xi32>
    %add3A_630 = arith.constant 592 : i32
    %add3A_631 = arith.addi %mul3A_0, %add3A_630 : i32
    %add3A_632 = vector.broadcast %add3A_631 : i32 to vector<16xi32>
    %add3A_633 = arith.addi %add3A_632, %iota3A : vector<16xi32>
    %mul3A_634 = arith.constant 1000 : i32
    %mul3A_635 = vector.broadcast %mul3A_634 : i32 to vector<16xi32>
    %mul3A_636 = arith.muli %add3A_633, %mul3A_635 : vector<16xi32>
    %add3A_637 = arith.addi %mul3A_636, %get3A_629 : vector<16xi32>
    %swap3A_638 = arith.constant 4 : i32
    %swap3A_639 = arith.index_cast %swap3A_638 : i32 to index
    %swap3A_640 = arith.constant 80 : index
    %swap3A_641 = tpu.vector_load %arg9[%swap3A_639, %swap3A_640] {strides = array<i32>} : memref<8x128xi32, #tpu.memory_space<vmem>>, vector<1x16xi32>,
    %swap3A_642 = vector.shape_cast %swap3A_641 : vector<1x16xi32> to vector<16xi32>
    %swap3A_643 = vector.shape_cast %add3A_637 : vector<16xi32> to vector<1x16xi32>
    tpu.vector_store %arg9[%swap3A_639, %swap3A_640], %swap3A_643 {strides = array<i32>} : memref<8x128xi32, #tpu.memory_space<vmem>>, vector<1x16xi32>,
    %get3A_644 = arith.constant 608 : index
    %get3A_645 = tpu.vector_load %arg8[%get3A_644] {strides = array<i32>} : memref<1024xi32, #tpu.memory_space<vmem>>, vector<16xi32>,
    %get3A_646 = vector.shape_cast %get3A_645 : vector<16xi32> to vector<16xi32>
    %add3A_647 = arith.constant 608 : i32
    %add3A_648 = arith.addi %mul3A_0, %add3A_647 : i32
    %add3A_649 = vector.broadcast %add3A_648 : i32 to vector<16xi32>
    %add3A_650 = arith.addi %add3A_649, %iota3A : vector<16xi32>
    %mul3A_651 = arith.constant 1000 : i32
    %mul3A_652 = vector.broadcast %mul3A_651 : i32 to vector<16xi32>
    %mul3A_653 = arith.muli %add3A_650, %mul3A_652 : vector<16xi32>
    %add3A_654 = arith.addi %mul3A_653, %get3A_646 : vector<16xi32>
    %swap3A_655 = arith.constant 4 : i32
    %swap3A_656 = arith.index_cast %swap3A_655 : i32 to index
    %swap3A_657 = arith.constant 96 : index
    %swap3A_658 = tpu.vector_load %arg9[%swap3A_656, %swap3A_657] {strides = array<i32>} : memref<8x128xi32, #tpu.memory_space<vmem>>, vector<1x16xi32>,
    %swap3A_659 = vector.shape_cast %swap3A_658 : vector<1x16xi32> to vector<16xi32>
    %swap3A_660 = vector.shape_cast %add3A_654 : vector<16xi32> to vector<1x16xi32>
    tpu.vector_store %arg9[%swap3A_656, %swap3A_657], %swap3A_660 {strides = array<i32>} : memref<8x128xi32, #tpu.memory_space<vmem>>, vector<1x16xi32>,
    %get3A_661 = arith.constant 624 : index
    %get3A_662 = tpu.vector_load %arg8[%get3A_661] {strides = array<i32>} : memref<1024xi32, #tpu.memory_space<vmem>>, vector<16xi32>,
    %get3A_663 = vector.shape_cast %get3A_662 : vector<16xi32> to vector<16xi32>
    %add3A_664 = arith.constant 624 : i32
    %add3A_665 = arith.addi %mul3A_0, %add3A_664 : i32
    %add3A_666 = vector.broadcast %add3A_665 : i32 to vector<16xi32>
    %add3A_667 = arith.addi %add3A_666, %iota3A : vector<16xi32>
    %mul3A_668 = arith.constant 1000 : i32
    %mul3A_669 = vector.broadcast %mul3A_668 : i32 to vector<16xi32>
    %mul3A_670 = arith.muli %add3A_667, %mul3A_669 : vector<16xi32>
    %add3A_671 = arith.addi %mul3A_670, %get3A_663 : vector<16xi32>
    %swap3A_672 = arith.constant 4 : i32
    %swap3A_673 = arith.index_cast %swap3A_672 : i32 to index
    %swap3A_674 = arith.constant 112 : index
    %swap3A_675 = tpu.vector_load %arg9[%swap3A_673, %swap3A_674] {strides = array<i32>} : memref<8x128xi32, #tpu.memory_space<vmem>>, vector<1x16xi32>,
    %swap3A_676 = vector.shape_cast %swap3A_675 : vector<1x16xi32> to vector<16xi32>
    %swap3A_677 = vector.shape_cast %add3A_671 : vector<16xi32> to vector<1x16xi32>
    tpu.vector_store %arg9[%swap3A_673, %swap3A_674], %swap3A_677 {strides = array<i32>} : memref<8x128xi32, #tpu.memory_space<vmem>>, vector<1x16xi32>,
    %get3A_678 = arith.constant 640 : index
    %get3A_679 = tpu.vector_load %arg8[%get3A_678] {strides = array<i32>} : memref<1024xi32, #tpu.memory_space<vmem>>, vector<16xi32>,
    %get3A_680 = vector.shape_cast %get3A_679 : vector<16xi32> to vector<16xi32>
    %add3A_681 = arith.constant 640 : i32
    %add3A_682 = arith.addi %mul3A_0, %add3A_681 : i32
    %add3A_683 = vector.broadcast %add3A_682 : i32 to vector<16xi32>
    %add3A_684 = arith.addi %add3A_683, %iota3A : vector<16xi32>
    %mul3A_685 = arith.constant 1000 : i32
    %mul3A_686 = vector.broadcast %mul3A_685 : i32 to vector<16xi32>
    %mul3A_687 = arith.muli %add3A_684, %mul3A_686 : vector<16xi32>
    %add3A_688 = arith.addi %mul3A_687, %get3A_680 : vector<16xi32>
    %swap3A_689 = arith.constant 5 : i32
    %swap3A_690 = arith.index_cast %swap3A_689 : i32 to index
    %swap3A_691 = arith.constant 0 : index
    %swap3A_692 = tpu.vector_load %arg9[%swap3A_690, %swap3A_691] {strides = array<i32>} : memref<8x128xi32, #tpu.memory_space<vmem>>, vector<1x16xi32>,
    %swap3A_693 = vector.shape_cast %swap3A_692 : vector<1x16xi32> to vector<16xi32>
    %swap3A_694 = vector.shape_cast %add3A_688 : vector<16xi32> to vector<1x16xi32>
    tpu.vector_store %arg9[%swap3A_690, %swap3A_691], %swap3A_694 {strides = array<i32>} : memref<8x128xi32, #tpu.memory_space<vmem>>, vector<1x16xi32>,
    %get3A_695 = arith.constant 656 : index
    %get3A_696 = tpu.vector_load %arg8[%get3A_695] {strides = array<i32>} : memref<1024xi32, #tpu.memory_space<vmem>>, vector<16xi32>,
    %get3A_697 = vector.shape_cast %get3A_696 : vector<16xi32> to vector<16xi32>
    %add3A_698 = arith.constant 656 : i32
    %add3A_699 = arith.addi %mul3A_0, %add3A_698 : i32
    %add3A_700 = vector.broadcast %add3A_699 : i32 to vector<16xi32>
    %add3A_701 = arith.addi %add3A_700, %iota3A : vector<16xi32>
    %mul3A_702 = arith.constant 1000 : i32
    %mul3A_703 = vector.broadcast %mul3A_702 : i32 to vector<16xi32>
    %mul3A_704 = arith.muli %add3A_701, %mul3A_703 : vector<16xi32>
    %add3A_705 = arith.addi %mul3A_704, %get3A_697 : vector<16xi32>
    %swap3A_706 = arith.constant 5 : i32
    %swap3A_707 = arith.index_cast %swap3A_706 : i32 to index
    %swap3A_708 = arith.constant 16 : index
    %swap3A_709 = tpu.vector_load %arg9[%swap3A_707, %swap3A_708] {strides = array<i32>} : memref<8x128xi32, #tpu.memory_space<vmem>>, vector<1x16xi32>,
    %swap3A_710 = vector.shape_cast %swap3A_709 : vector<1x16xi32> to vector<16xi32>
    %swap3A_711 = vector.shape_cast %add3A_705 : vector<16xi32> to vector<1x16xi32>
    tpu.vector_store %arg9[%swap3A_707, %swap3A_708], %swap3A_711 {strides = array<i32>} : memref<8x128xi32, #tpu.memory_space<vmem>>, vector<1x16xi32>,
    %get3A_712 = arith.constant 672 : index
    %get3A_713 = tpu.vector_load %arg8[%get3A_712] {strides = array<i32>} : memref<1024xi32, #tpu.memory_space<vmem>>, vector<16xi32>,
    %get3A_714 = vector.shape_cast %get3A_713 : vector<16xi32> to vector<16xi32>
    %add3A_715 = arith.constant 672 : i32
    %add3A_716 = arith.addi %mul3A_0, %add3A_715 : i32
    %add3A_717 = vector.broadcast %add3A_716 : i32 to vector<16xi32>
    %add3A_718 = arith.addi %add3A_717, %iota3A : vector<16xi32>
    %mul3A_719 = arith.constant 1000 : i32
    %mul3A_720 = vector.broadcast %mul3A_719 : i32 to vector<16xi32>
    %mul3A_721 = arith.muli %add3A_718, %mul3A_720 : vector<16xi32>
    %add3A_722 = arith.addi %mul3A_721, %get3A_714 : vector<16xi32>
    %swap3A_723 = arith.constant 5 : i32
    %swap3A_724 = arith.index_cast %swap3A_723 : i32 to index
    %swap3A_725 = arith.constant 32 : index
    %swap3A_726 = tpu.vector_load %arg9[%swap3A_724, %swap3A_725] {strides = array<i32>} : memref<8x128xi32, #tpu.memory_space<vmem>>, vector<1x16xi32>,
    %swap3A_727 = vector.shape_cast %swap3A_726 : vector<1x16xi32> to vector<16xi32>
    %swap3A_728 = vector.shape_cast %add3A_722 : vector<16xi32> to vector<1x16xi32>
    tpu.vector_store %arg9[%swap3A_724, %swap3A_725], %swap3A_728 {strides = array<i32>} : memref<8x128xi32, #tpu.memory_space<vmem>>, vector<1x16xi32>,
    %get3A_729 = arith.constant 688 : index
    %get3A_730 = tpu.vector_load %arg8[%get3A_729] {strides = array<i32>} : memref<1024xi32, #tpu.memory_space<vmem>>, vector<16xi32>,
    %get3A_731 = vector.shape_cast %get3A_730 : vector<16xi32> to vector<16xi32>
    %add3A_732 = arith.constant 688 : i32
    %add3A_733 = arith.addi %mul3A_0, %add3A_732 : i32
    %add3A_734 = vector.broadcast %add3A_733 : i32 to vector<16xi32>
    %add3A_735 = arith.addi %add3A_734, %iota3A : vector<16xi32>
    %mul3A_736 = arith.constant 1000 : i32
    %mul3A_737 = vector.broadcast %mul3A_736 : i32 to vector<16xi32>
    %mul3A_738 = arith.muli %add3A_735, %mul3A_737 : vector<16xi32>
    %add3A_739 = arith.addi %mul3A_738, %get3A_731 : vector<16xi32>
    %swap3A_740 = arith.constant 5 : i32
    %swap3A_741 = arith.index_cast %swap3A_740 : i32 to index
    %swap3A_742 = arith.constant 48 : index
    %swap3A_743 = tpu.vector_load %arg9[%swap3A_741, %swap3A_742] {strides = array<i32>} : memref<8x128xi32, #tpu.memory_space<vmem>>, vector<1x16xi32>,
    %swap3A_744 = vector.shape_cast %swap3A_743 : vector<1x16xi32> to vector<16xi32>
    %swap3A_745 = vector.shape_cast %add3A_739 : vector<16xi32> to vector<1x16xi32>
    tpu.vector_store %arg9[%swap3A_741, %swap3A_742], %swap3A_745 {strides = array<i32>} : memref<8x128xi32, #tpu.memory_space<vmem>>, vector<1x16xi32>,
    %get3A_746 = arith.constant 704 : index
    %get3A_747 = tpu.vector_load %arg8[%get3A_746] {strides = array<i32>} : memref<1024xi32, #tpu.memory_space<vmem>>, vector<16xi32>,
    %get3A_748 = vector.shape_cast %get3A_747 : vector<16xi32> to vector<16xi32>
    %add3A_749 = arith.constant 704 : i32
    %add3A_750 = arith.addi %mul3A_0, %add3A_749 : i32
    %add3A_751 = vector.broadcast %add3A_750 : i32 to vector<16xi32>
    %add3A_752 = arith.addi %add3A_751, %iota3A : vector<16xi32>
    %mul3A_753 = arith.constant 1000 : i32
    %mul3A_754 = vector.broadcast %mul3A_753 : i32 to vector<16xi32>
    %mul3A_755 = arith.muli %add3A_752, %mul3A_754 : vector<16xi32>
    %add3A_756 = arith.addi %mul3A_755, %get3A_748 : vector<16xi32>
    %swap3A_757 = arith.constant 5 : i32
    %swap3A_758 = arith.index_cast %swap3A_757 : i32 to index
    %swap3A_759 = arith.constant 64 : index
    %swap3A_760 = tpu.vector_load %arg9[%swap3A_758, %swap3A_759] {strides = array<i32>} : memref<8x128xi32, #tpu.memory_space<vmem>>, vector<1x16xi32>,
    %swap3A_761 = vector.shape_cast %swap3A_760 : vector<1x16xi32> to vector<16xi32>
    %swap3A_762 = vector.shape_cast %add3A_756 : vector<16xi32> to vector<1x16xi32>
    tpu.vector_store %arg9[%swap3A_758, %swap3A_759], %swap3A_762 {strides = array<i32>} : memref<8x128xi32, #tpu.memory_space<vmem>>, vector<1x16xi32>,
    %get3A_763 = arith.constant 720 : index
    %get3A_764 = tpu.vector_load %arg8[%get3A_763] {strides = array<i32>} : memref<1024xi32, #tpu.memory_space<vmem>>, vector<16xi32>,
    %get3A_765 = vector.shape_cast %get3A_764 : vector<16xi32> to vector<16xi32>
    %add3A_766 = arith.constant 720 : i32
    %add3A_767 = arith.addi %mul3A_0, %add3A_766 : i32
    %add3A_768 = vector.broadcast %add3A_767 : i32 to vector<16xi32>
    %add3A_769 = arith.addi %add3A_768, %iota3A : vector<16xi32>
    %mul3A_770 = arith.constant 1000 : i32
    %mul3A_771 = vector.broadcast %mul3A_770 : i32 to vector<16xi32>
    %mul3A_772 = arith.muli %add3A_769, %mul3A_771 : vector<16xi32>
    %add3A_773 = arith.addi %mul3A_772, %get3A_765 : vector<16xi32>
    %swap3A_774 = arith.constant 5 : i32
    %swap3A_775 = arith.index_cast %swap3A_774 : i32 to index
    %swap3A_776 = arith.constant 80 : index
    %swap3A_777 = tpu.vector_load %arg9[%swap3A_775, %swap3A_776] {strides = array<i32>} : memref<8x128xi32, #tpu.memory_space<vmem>>, vector<1x16xi32>,
    %swap3A_778 = vector.shape_cast %swap3A_777 : vector<1x16xi32> to vector<16xi32>
    %swap3A_779 = vector.shape_cast %add3A_773 : vector<16xi32> to vector<1x16xi32>
    tpu.vector_store %arg9[%swap3A_775, %swap3A_776], %swap3A_779 {strides = array<i32>} : memref<8x128xi32, #tpu.memory_space<vmem>>, vector<1x16xi32>,
    %get3A_780 = arith.constant 736 : index
    %get3A_781 = tpu.vector_load %arg8[%get3A_780] {strides = array<i32>} : memref<1024xi32, #tpu.memory_space<vmem>>, vector<16xi32>,
    %get3A_782 = vector.shape_cast %get3A_781 : vector<16xi32> to vector<16xi32>
    %add3A_783 = arith.constant 736 : i32
    %add3A_784 = arith.addi %mul3A_0, %add3A_783 : i32
    %add3A_785 = vector.broadcast %add3A_784 : i32 to vector<16xi32>
    %add3A_786 = arith.addi %add3A_785, %iota3A : vector<16xi32>
    %mul3A_787 = arith.constant 1000 : i32
    %mul3A_788 = vector.broadcast %mul3A_787 : i32 to vector<16xi32>
    %mul3A_789 = arith.muli %add3A_786, %mul3A_788 : vector<16xi32>
    %add3A_790 = arith.addi %mul3A_789, %get3A_782 : vector<16xi32>
    %swap3A_791 = arith.constant 5 : i32
    %swap3A_792 = arith.index_cast %swap3A_791 : i32 to index
    %swap3A_793 = arith.constant 96 : index
    %swap3A_794 = tpu.vector_load %arg9[%swap3A_792, %swap3A_793] {strides = array<i32>} : memref<8x128xi32, #tpu.memory_space<vmem>>, vector<1x16xi32>,
    %swap3A_795 = vector.shape_cast %swap3A_794 : vector<1x16xi32> to vector<16xi32>
    %swap3A_796 = vector.shape_cast %add3A_790 : vector<16xi32> to vector<1x16xi32>
    tpu.vector_store %arg9[%swap3A_792, %swap3A_793], %swap3A_796 {strides = array<i32>} : memref<8x128xi32, #tpu.memory_space<vmem>>, vector<1x16xi32>,
    %get3A_797 = arith.constant 752 : index
    %get3A_798 = tpu.vector_load %arg8[%get3A_797] {strides = array<i32>} : memref<1024xi32, #tpu.memory_space<vmem>>, vector<16xi32>,
    %get3A_799 = vector.shape_cast %get3A_798 : vector<16xi32> to vector<16xi32>
    %add3A_800 = arith.constant 752 : i32
    %add3A_801 = arith.addi %mul3A_0, %add3A_800 : i32
    %add3A_802 = vector.broadcast %add3A_801 : i32 to vector<16xi32>
    %add3A_803 = arith.addi %add3A_802, %iota3A : vector<16xi32>
    %mul3A_804 = arith.constant 1000 : i32
    %mul3A_805 = vector.broadcast %mul3A_804 : i32 to vector<16xi32>
    %mul3A_806 = arith.muli %add3A_803, %mul3A_805 : vector<16xi32>
    %add3A_807 = arith.addi %mul3A_806, %get3A_799 : vector<16xi32>
    %swap3A_808 = arith.constant 5 : i32
    %swap3A_809 = arith.index_cast %swap3A_808 : i32 to index
    %swap3A_810 = arith.constant 112 : index
    %swap3A_811 = tpu.vector_load %arg9[%swap3A_809, %swap3A_810] {strides = array<i32>} : memref<8x128xi32, #tpu.memory_space<vmem>>, vector<1x16xi32>,
    %swap3A_812 = vector.shape_cast %swap3A_811 : vector<1x16xi32> to vector<16xi32>
    %swap3A_813 = vector.shape_cast %add3A_807 : vector<16xi32> to vector<1x16xi32>
    tpu.vector_store %arg9[%swap3A_809, %swap3A_810], %swap3A_813 {strides = array<i32>} : memref<8x128xi32, #tpu.memory_space<vmem>>, vector<1x16xi32>,
    %get3A_814 = arith.constant 768 : index
    %get3A_815 = tpu.vector_load %arg8[%get3A_814] {strides = array<i32>} : memref<1024xi32, #tpu.memory_space<vmem>>, vector<16xi32>,
    %get3A_816 = vector.shape_cast %get3A_815 : vector<16xi32> to vector<16xi32>
    %add3A_817 = arith.constant 768 : i32
    %add3A_818 = arith.addi %mul3A_0, %add3A_817 : i32
    %add3A_819 = vector.broadcast %add3A_818 : i32 to vector<16xi32>
    %add3A_820 = arith.addi %add3A_819, %iota3A : vector<16xi32>
    %mul3A_821 = arith.constant 1000 : i32
    %mul3A_822 = vector.broadcast %mul3A_821 : i32 to vector<16xi32>
    %mul3A_823 = arith.muli %add3A_820, %mul3A_822 : vector<16xi32>
    %add3A_824 = arith.addi %mul3A_823, %get3A_816 : vector<16xi32>
    %swap3A_825 = arith.constant 6 : i32
    %swap3A_826 = arith.index_cast %swap3A_825 : i32 to index
    %swap3A_827 = arith.constant 0 : index
    %swap3A_828 = tpu.vector_load %arg9[%swap3A_826, %swap3A_827] {strides = array<i32>} : memref<8x128xi32, #tpu.memory_space<vmem>>, vector<1x16xi32>,
    %swap3A_829 = vector.shape_cast %swap3A_828 : vector<1x16xi32> to vector<16xi32>
    %swap3A_830 = vector.shape_cast %add3A_824 : vector<16xi32> to vector<1x16xi32>
    tpu.vector_store %arg9[%swap3A_826, %swap3A_827], %swap3A_830 {strides = array<i32>} : memref<8x128xi32, #tpu.memory_space<vmem>>, vector<1x16xi32>,
    %get3A_831 = arith.constant 784 : index
    %get3A_832 = tpu.vector_load %arg8[%get3A_831] {strides = array<i32>} : memref<1024xi32, #tpu.memory_space<vmem>>, vector<16xi32>,
    %get3A_833 = vector.shape_cast %get3A_832 : vector<16xi32> to vector<16xi32>
    %add3A_834 = arith.constant 784 : i32
    %add3A_835 = arith.addi %mul3A_0, %add3A_834 : i32
    %add3A_836 = vector.broadcast %add3A_835 : i32 to vector<16xi32>
    %add3A_837 = arith.addi %add3A_836, %iota3A : vector<16xi32>
    %mul3A_838 = arith.constant 1000 : i32
    %mul3A_839 = vector.broadcast %mul3A_838 : i32 to vector<16xi32>
    %mul3A_840 = arith.muli %add3A_837, %mul3A_839 : vector<16xi32>
    %add3A_841 = arith.addi %mul3A_840, %get3A_833 : vector<16xi32>
    %swap3A_842 = arith.constant 6 : i32
    %swap3A_843 = arith.index_cast %swap3A_842 : i32 to index
    %swap3A_844 = arith.constant 16 : index
    %swap3A_845 = tpu.vector_load %arg9[%swap3A_843, %swap3A_844] {strides = array<i32>} : memref<8x128xi32, #tpu.memory_space<vmem>>, vector<1x16xi32>,
    %swap3A_846 = vector.shape_cast %swap3A_845 : vector<1x16xi32> to vector<16xi32>
    %swap3A_847 = vector.shape_cast %add3A_841 : vector<16xi32> to vector<1x16xi32>
    tpu.vector_store %arg9[%swap3A_843, %swap3A_844], %swap3A_847 {strides = array<i32>} : memref<8x128xi32, #tpu.memory_space<vmem>>, vector<1x16xi32>,
    %get3A_848 = arith.constant 800 : index
    %get3A_849 = tpu.vector_load %arg8[%get3A_848] {strides = array<i32>} : memref<1024xi32, #tpu.memory_space<vmem>>, vector<16xi32>,
    %get3A_850 = vector.shape_cast %get3A_849 : vector<16xi32> to vector<16xi32>
    %add3A_851 = arith.constant 800 : i32
    %add3A_852 = arith.addi %mul3A_0, %add3A_851 : i32
    %add3A_853 = vector.broadcast %add3A_852 : i32 to vector<16xi32>
    %add3A_854 = arith.addi %add3A_853, %iota3A : vector<16xi32>
    %mul3A_855 = arith.constant 1000 : i32
    %mul3A_856 = vector.broadcast %mul3A_855 : i32 to vector<16xi32>
    %mul3A_857 = arith.muli %add3A_854, %mul3A_856 : vector<16xi32>
    %add3A_858 = arith.addi %mul3A_857, %get3A_850 : vector<16xi32>
    %swap3A_859 = arith.constant 6 : i32
    %swap3A_860 = arith.index_cast %swap3A_859 : i32 to index
    %swap3A_861 = arith.constant 32 : index
    %swap3A_862 = tpu.vector_load %arg9[%swap3A_860, %swap3A_861] {strides = array<i32>} : memref<8x128xi32, #tpu.memory_space<vmem>>, vector<1x16xi32>,
    %swap3A_863 = vector.shape_cast %swap3A_862 : vector<1x16xi32> to vector<16xi32>
    %swap3A_864 = vector.shape_cast %add3A_858 : vector<16xi32> to vector<1x16xi32>
    tpu.vector_store %arg9[%swap3A_860, %swap3A_861], %swap3A_864 {strides = array<i32>} : memref<8x128xi32, #tpu.memory_space<vmem>>, vector<1x16xi32>,
    %get3A_865 = arith.constant 816 : index
    %get3A_866 = tpu.vector_load %arg8[%get3A_865] {strides = array<i32>} : memref<1024xi32, #tpu.memory_space<vmem>>, vector<16xi32>,
    %get3A_867 = vector.shape_cast %get3A_866 : vector<16xi32> to vector<16xi32>
    %add3A_868 = arith.constant 816 : i32
    %add3A_869 = arith.addi %mul3A_0, %add3A_868 : i32
    %add3A_870 = vector.broadcast %add3A_869 : i32 to vector<16xi32>
    %add3A_871 = arith.addi %add3A_870, %iota3A : vector<16xi32>
    %mul3A_872 = arith.constant 1000 : i32
    %mul3A_873 = vector.broadcast %mul3A_872 : i32 to vector<16xi32>
    %mul3A_874 = arith.muli %add3A_871, %mul3A_873 : vector<16xi32>
    %add3A_875 = arith.addi %mul3A_874, %get3A_867 : vector<16xi32>
    %swap3A_876 = arith.constant 6 : i32
    %swap3A_877 = arith.index_cast %swap3A_876 : i32 to index
    %swap3A_878 = arith.constant 48 : index
    %swap3A_879 = tpu.vector_load %arg9[%swap3A_877, %swap3A_878] {strides = array<i32>} : memref<8x128xi32, #tpu.memory_space<vmem>>, vector<1x16xi32>,
    %swap3A_880 = vector.shape_cast %swap3A_879 : vector<1x16xi32> to vector<16xi32>
    %swap3A_881 = vector.shape_cast %add3A_875 : vector<16xi32> to vector<1x16xi32>
    tpu.vector_store %arg9[%swap3A_877, %swap3A_878], %swap3A_881 {strides = array<i32>} : memref<8x128xi32, #tpu.memory_space<vmem>>, vector<1x16xi32>,
    %get3A_882 = arith.constant 832 : index
    %get3A_883 = tpu.vector_load %arg8[%get3A_882] {strides = array<i32>} : memref<1024xi32, #tpu.memory_space<vmem>>, vector<16xi32>,
    %get3A_884 = vector.shape_cast %get3A_883 : vector<16xi32> to vector<16xi32>
    %add3A_885 = arith.constant 832 : i32
    %add3A_886 = arith.addi %mul3A_0, %add3A_885 : i32
    %add3A_887 = vector.broadcast %add3A_886 : i32 to vector<16xi32>
    %add3A_888 = arith.addi %add3A_887, %iota3A : vector<16xi32>
    %mul3A_889 = arith.constant 1000 : i32
    %mul3A_890 = vector.broadcast %mul3A_889 : i32 to vector<16xi32>
    %mul3A_891 = arith.muli %add3A_888, %mul3A_890 : vector<16xi32>
    %add3A_892 = arith.addi %mul3A_891, %get3A_884 : vector<16xi32>
    %swap3A_893 = arith.constant 6 : i32
    %swap3A_894 = arith.index_cast %swap3A_893 : i32 to index
    %swap3A_895 = arith.constant 64 : index
    %swap3A_896 = tpu.vector_load %arg9[%swap3A_894, %swap3A_895] {strides = array<i32>} : memref<8x128xi32, #tpu.memory_space<vmem>>, vector<1x16xi32>,
    %swap3A_897 = vector.shape_cast %swap3A_896 : vector<1x16xi32> to vector<16xi32>
    %swap3A_898 = vector.shape_cast %add3A_892 : vector<16xi32> to vector<1x16xi32>
    tpu.vector_store %arg9[%swap3A_894, %swap3A_895], %swap3A_898 {strides = array<i32>} : memref<8x128xi32, #tpu.memory_space<vmem>>, vector<1x16xi32>,
    %get3A_899 = arith.constant 848 : index
    %get3A_900 = tpu.vector_load %arg8[%get3A_899] {strides = array<i32>} : memref<1024xi32, #tpu.memory_space<vmem>>, vector<16xi32>,
    %get3A_901 = vector.shape_cast %get3A_900 : vector<16xi32> to vector<16xi32>
    %add3A_902 = arith.constant 848 : i32
    %add3A_903 = arith.addi %mul3A_0, %add3A_902 : i32
    %add3A_904 = vector.broadcast %add3A_903 : i32 to vector<16xi32>
    %add3A_905 = arith.addi %add3A_904, %iota3A : vector<16xi32>
    %mul3A_906 = arith.constant 1000 : i32
    %mul3A_907 = vector.broadcast %mul3A_906 : i32 to vector<16xi32>
    %mul3A_908 = arith.muli %add3A_905, %mul3A_907 : vector<16xi32>
    %add3A_909 = arith.addi %mul3A_908, %get3A_901 : vector<16xi32>
    %swap3A_910 = arith.constant 6 : i32
    %swap3A_911 = arith.index_cast %swap3A_910 : i32 to index
    %swap3A_912 = arith.constant 80 : index
    %swap3A_913 = tpu.vector_load %arg9[%swap3A_911, %swap3A_912] {strides = array<i32>} : memref<8x128xi32, #tpu.memory_space<vmem>>, vector<1x16xi32>,
    %swap3A_914 = vector.shape_cast %swap3A_913 : vector<1x16xi32> to vector<16xi32>
    %swap3A_915 = vector.shape_cast %add3A_909 : vector<16xi32> to vector<1x16xi32>
    tpu.vector_store %arg9[%swap3A_911, %swap3A_912], %swap3A_915 {strides = array<i32>} : memref<8x128xi32, #tpu.memory_space<vmem>>, vector<1x16xi32>,
    %get3A_916 = arith.constant 864 : index
    %get3A_917 = tpu.vector_load %arg8[%get3A_916] {strides = array<i32>} : memref<1024xi32, #tpu.memory_space<vmem>>, vector<16xi32>,
    %get3A_918 = vector.shape_cast %get3A_917 : vector<16xi32> to vector<16xi32>
    %add3A_919 = arith.constant 864 : i32
    %add3A_920 = arith.addi %mul3A_0, %add3A_919 : i32
    %add3A_921 = vector.broadcast %add3A_920 : i32 to vector<16xi32>
    %add3A_922 = arith.addi %add3A_921, %iota3A : vector<16xi32>
    %mul3A_923 = arith.constant 1000 : i32
    %mul3A_924 = vector.broadcast %mul3A_923 : i32 to vector<16xi32>
    %mul3A_925 = arith.muli %add3A_922, %mul3A_924 : vector<16xi32>
    %add3A_926 = arith.addi %mul3A_925, %get3A_918 : vector<16xi32>
    %swap3A_927 = arith.constant 6 : i32
    %swap3A_928 = arith.index_cast %swap3A_927 : i32 to index
    %swap3A_929 = arith.constant 96 : index
    %swap3A_930 = tpu.vector_load %arg9[%swap3A_928, %swap3A_929] {strides = array<i32>} : memref<8x128xi32, #tpu.memory_space<vmem>>, vector<1x16xi32>,
    %swap3A_931 = vector.shape_cast %swap3A_930 : vector<1x16xi32> to vector<16xi32>
    %swap3A_932 = vector.shape_cast %add3A_926 : vector<16xi32> to vector<1x16xi32>
    tpu.vector_store %arg9[%swap3A_928, %swap3A_929], %swap3A_932 {strides = array<i32>} : memref<8x128xi32, #tpu.memory_space<vmem>>, vector<1x16xi32>,
    %get3A_933 = arith.constant 880 : index
    %get3A_934 = tpu.vector_load %arg8[%get3A_933] {strides = array<i32>} : memref<1024xi32, #tpu.memory_space<vmem>>, vector<16xi32>,
    %get3A_935 = vector.shape_cast %get3A_934 : vector<16xi32> to vector<16xi32>
    %add3A_936 = arith.constant 880 : i32
    %add3A_937 = arith.addi %mul3A_0, %add3A_936 : i32
    %add3A_938 = vector.broadcast %add3A_937 : i32 to vector<16xi32>
    %add3A_939 = arith.addi %add3A_938, %iota3A : vector<16xi32>
    %mul3A_940 = arith.constant 1000 : i32
    %mul3A_941 = vector.broadcast %mul3A_940 : i32 to vector<16xi32>
    %mul3A_942 = arith.muli %add3A_939, %mul3A_941 : vector<16xi32>
    %add3A_943 = arith.addi %mul3A_942, %get3A_935 : vector<16xi32>
    %swap3A_944 = arith.constant 6 : i32
    %swap3A_945 = arith.index_cast %swap3A_944 : i32 to index
    %swap3A_946 = arith.constant 112 : index
    %swap3A_947 = tpu.vector_load %arg9[%swap3A_945, %swap3A_946] {strides = array<i32>} : memref<8x128xi32, #tpu.memory_space<vmem>>, vector<1x16xi32>,
    %swap3A_948 = vector.shape_cast %swap3A_947 : vector<1x16xi32> to vector<16xi32>
    %swap3A_949 = vector.shape_cast %add3A_943 : vector<16xi32> to vector<1x16xi32>
    tpu.vector_store %arg9[%swap3A_945, %swap3A_946], %swap3A_949 {strides = array<i32>} : memref<8x128xi32, #tpu.memory_space<vmem>>, vector<1x16xi32>,
    %get3A_950 = arith.constant 896 : index
    %get3A_951 = tpu.vector_load %arg8[%get3A_950] {strides = array<i32>} : memref<1024xi32, #tpu.memory_space<vmem>>, vector<16xi32>,
    %get3A_952 = vector.shape_cast %get3A_951 : vector<16xi32> to vector<16xi32>
    %add3A_953 = arith.constant 896 : i32
    %add3A_954 = arith.addi %mul3A_0, %add3A_953 : i32
    %add3A_955 = vector.broadcast %add3A_954 : i32 to vector<16xi32>
    %add3A_956 = arith.addi %add3A_955, %iota3A : vector<16xi32>
    %mul3A_957 = arith.constant 1000 : i32
    %mul3A_958 = vector.broadcast %mul3A_957 : i32 to vector<16xi32>
    %mul3A_959 = arith.muli %add3A_956, %mul3A_958 : vector<16xi32>
    %add3A_960 = arith.addi %mul3A_959, %get3A_952 : vector<16xi32>
    %swap3A_961 = arith.constant 7 : i32
    %swap3A_962 = arith.index_cast %swap3A_961 : i32 to index
    %swap3A_963 = arith.constant 0 : index
    %swap3A_964 = tpu.vector_load %arg9[%swap3A_962, %swap3A_963] {strides = array<i32>} : memref<8x128xi32, #tpu.memory_space<vmem>>, vector<1x16xi32>,
    %swap3A_965 = vector.shape_cast %swap3A_964 : vector<1x16xi32> to vector<16xi32>
    %swap3A_966 = vector.shape_cast %add3A_960 : vector<16xi32> to vector<1x16xi32>
    tpu.vector_store %arg9[%swap3A_962, %swap3A_963], %swap3A_966 {strides = array<i32>} : memref<8x128xi32, #tpu.memory_space<vmem>>, vector<1x16xi32>,
    %get3A_967 = arith.constant 912 : index
    %get3A_968 = tpu.vector_load %arg8[%get3A_967] {strides = array<i32>} : memref<1024xi32, #tpu.memory_space<vmem>>, vector<16xi32>,
    %get3A_969 = vector.shape_cast %get3A_968 : vector<16xi32> to vector<16xi32>
    %add3A_970 = arith.constant 912 : i32
    %add3A_971 = arith.addi %mul3A_0, %add3A_970 : i32
    %add3A_972 = vector.broadcast %add3A_971 : i32 to vector<16xi32>
    %add3A_973 = arith.addi %add3A_972, %iota3A : vector<16xi32>
    %mul3A_974 = arith.constant 1000 : i32
    %mul3A_975 = vector.broadcast %mul3A_974 : i32 to vector<16xi32>
    %mul3A_976 = arith.muli %add3A_973, %mul3A_975 : vector<16xi32>
    %add3A_977 = arith.addi %mul3A_976, %get3A_969 : vector<16xi32>
    %swap3A_978 = arith.constant 7 : i32
    %swap3A_979 = arith.index_cast %swap3A_978 : i32 to index
    %swap3A_980 = arith.constant 16 : index
    %swap3A_981 = tpu.vector_load %arg9[%swap3A_979, %swap3A_980] {strides = array<i32>} : memref<8x128xi32, #tpu.memory_space<vmem>>, vector<1x16xi32>,
    %swap3A_982 = vector.shape_cast %swap3A_981 : vector<1x16xi32> to vector<16xi32>
    %swap3A_983 = vector.shape_cast %add3A_977 : vector<16xi32> to vector<1x16xi32>
    tpu.vector_store %arg9[%swap3A_979, %swap3A_980], %swap3A_983 {strides = array<i32>} : memref<8x128xi32, #tpu.memory_space<vmem>>, vector<1x16xi32>,
    %get3A_984 = arith.constant 928 : index
    %get3A_985 = tpu.vector_load %arg8[%get3A_984] {strides = array<i32>} : memref<1024xi32, #tpu.memory_space<vmem>>, vector<16xi32>,
    %get3A_986 = vector.shape_cast %get3A_985 : vector<16xi32> to vector<16xi32>
    %add3A_987 = arith.constant 928 : i32
    %add3A_988 = arith.addi %mul3A_0, %add3A_987 : i32
    %add3A_989 = vector.broadcast %add3A_988 : i32 to vector<16xi32>
    %add3A_990 = arith.addi %add3A_989, %iota3A : vector<16xi32>
    %mul3A_991 = arith.constant 1000 : i32
    %mul3A_992 = vector.broadcast %mul3A_991 : i32 to vector<16xi32>
    %mul3A_993 = arith.muli %add3A_990, %mul3A_992 : vector<16xi32>
    %add3A_994 = arith.addi %mul3A_993, %get3A_986 : vector<16xi32>
    %swap3A_995 = arith.constant 7 : i32
    %swap3A_996 = arith.index_cast %swap3A_995 : i32 to index
    %swap3A_997 = arith.constant 32 : index
    %swap3A_998 = tpu.vector_load %arg9[%swap3A_996, %swap3A_997] {strides = array<i32>} : memref<8x128xi32, #tpu.memory_space<vmem>>, vector<1x16xi32>,
    %swap3A_999 = vector.shape_cast %swap3A_998 : vector<1x16xi32> to vector<16xi32>
    %swap3A_1000 = vector.shape_cast %add3A_994 : vector<16xi32> to vector<1x16xi32>
    tpu.vector_store %arg9[%swap3A_996, %swap3A_997], %swap3A_1000 {strides = array<i32>} : memref<8x128xi32, #tpu.memory_space<vmem>>, vector<1x16xi32>,
    %get3A_1001 = arith.constant 944 : index
    %get3A_1002 = tpu.vector_load %arg8[%get3A_1001] {strides = array<i32>} : memref<1024xi32, #tpu.memory_space<vmem>>, vector<16xi32>,
    %get3A_1003 = vector.shape_cast %get3A_1002 : vector<16xi32> to vector<16xi32>
    %add3A_1004 = arith.constant 944 : i32
    %add3A_1005 = arith.addi %mul3A_0, %add3A_1004 : i32
    %add3A_1006 = vector.broadcast %add3A_1005 : i32 to vector<16xi32>
    %add3A_1007 = arith.addi %add3A_1006, %iota3A : vector<16xi32>
    %mul3A_1008 = arith.constant 1000 : i32
    %mul3A_1009 = vector.broadcast %mul3A_1008 : i32 to vector<16xi32>
    %mul3A_1010 = arith.muli %add3A_1007, %mul3A_1009 : vector<16xi32>
    %add3A_1011 = arith.addi %mul3A_1010, %get3A_1003 : vector<16xi32>
    %swap3A_1012 = arith.constant 7 : i32
    %swap3A_1013 = arith.index_cast %swap3A_1012 : i32 to index
    %swap3A_1014 = arith.constant 48 : index
    %swap3A_1015 = tpu.vector_load %arg9[%swap3A_1013, %swap3A_1014] {strides = array<i32>} : memref<8x128xi32, #tpu.memory_space<vmem>>, vector<1x16xi32>,
    %swap3A_1016 = vector.shape_cast %swap3A_1015 : vector<1x16xi32> to vector<16xi32>
    %swap3A_1017 = vector.shape_cast %add3A_1011 : vector<16xi32> to vector<1x16xi32>
    tpu.vector_store %arg9[%swap3A_1013, %swap3A_1014], %swap3A_1017 {strides = array<i32>} : memref<8x128xi32, #tpu.memory_space<vmem>>, vector<1x16xi32>,
    %get3A_1018 = arith.constant 960 : index
    %get3A_1019 = tpu.vector_load %arg8[%get3A_1018] {strides = array<i32>} : memref<1024xi32, #tpu.memory_space<vmem>>, vector<16xi32>,
    %get3A_1020 = vector.shape_cast %get3A_1019 : vector<16xi32> to vector<16xi32>
    %add3A_1021 = arith.constant 960 : i32
    %add3A_1022 = arith.addi %mul3A_0, %add3A_1021 : i32
    %add3A_1023 = vector.broadcast %add3A_1022 : i32 to vector<16xi32>
    %add3A_1024 = arith.addi %add3A_1023, %iota3A : vector<16xi32>
    %mul3A_1025 = arith.constant 1000 : i32
    %mul3A_1026 = vector.broadcast %mul3A_1025 : i32 to vector<16xi32>
    %mul3A_1027 = arith.muli %add3A_1024, %mul3A_1026 : vector<16xi32>
    %add3A_1028 = arith.addi %mul3A_1027, %get3A_1020 : vector<16xi32>
    %swap3A_1029 = arith.constant 7 : i32
    %swap3A_1030 = arith.index_cast %swap3A_1029 : i32 to index
    %swap3A_1031 = arith.constant 64 : index
    %swap3A_1032 = tpu.vector_load %arg9[%swap3A_1030, %swap3A_1031] {strides = array<i32>} : memref<8x128xi32, #tpu.memory_space<vmem>>, vector<1x16xi32>,
    %swap3A_1033 = vector.shape_cast %swap3A_1032 : vector<1x16xi32> to vector<16xi32>
    %swap3A_1034 = vector.shape_cast %add3A_1028 : vector<16xi32> to vector<1x16xi32>
    tpu.vector_store %arg9[%swap3A_1030, %swap3A_1031], %swap3A_1034 {strides = array<i32>} : memref<8x128xi32, #tpu.memory_space<vmem>>, vector<1x16xi32>,
    %get3A_1035 = arith.constant 976 : index
    %get3A_1036 = tpu.vector_load %arg8[%get3A_1035] {strides = array<i32>} : memref<1024xi32, #tpu.memory_space<vmem>>, vector<16xi32>,
    %get3A_1037 = vector.shape_cast %get3A_1036 : vector<16xi32> to vector<16xi32>
    %add3A_1038 = arith.constant 976 : i32
    %add3A_1039 = arith.addi %mul3A_0, %add3A_1038 : i32
    %add3A_1040 = vector.broadcast %add3A_1039 : i32 to vector<16xi32>
    %add3A_1041 = arith.addi %add3A_1040, %iota3A : vector<16xi32>
    %mul3A_1042 = arith.constant 1000 : i32
    %mul3A_1043 = vector.broadcast %mul3A_1042 : i32 to vector<16xi32>
    %mul3A_1044 = arith.muli %add3A_1041, %mul3A_1043 : vector<16xi32>
    %add3A_1045 = arith.addi %mul3A_1044, %get3A_1037 : vector<16xi32>
    %swap3A_1046 = arith.constant 7 : i32
    %swap3A_1047 = arith.index_cast %swap3A_1046 : i32 to index
    %swap3A_1048 = arith.constant 80 : index
    %swap3A_1049 = tpu.vector_load %arg9[%swap3A_1047, %swap3A_1048] {strides = array<i32>} : memref<8x128xi32, #tpu.memory_space<vmem>>, vector<1x16xi32>,
    %swap3A_1050 = vector.shape_cast %swap3A_1049 : vector<1x16xi32> to vector<16xi32>
    %swap3A_1051 = vector.shape_cast %add3A_1045 : vector<16xi32> to vector<1x16xi32>
    tpu.vector_store %arg9[%swap3A_1047, %swap3A_1048], %swap3A_1051 {strides = array<i32>} : memref<8x128xi32, #tpu.memory_space<vmem>>, vector<1x16xi32>,
    %get3A_1052 = arith.constant 992 : index
    %get3A_1053 = tpu.vector_load %arg8[%get3A_1052] {strides = array<i32>} : memref<1024xi32, #tpu.memory_space<vmem>>, vector<16xi32>,
    %get3A_1054 = vector.shape_cast %get3A_1053 : vector<16xi32> to vector<16xi32>
    %add3A_1055 = arith.constant 992 : i32
    %add3A_1056 = arith.addi %mul3A_0, %add3A_1055 : i32
    %add3A_1057 = vector.broadcast %add3A_1056 : i32 to vector<16xi32>
    %add3A_1058 = arith.addi %add3A_1057, %iota3A : vector<16xi32>
    %mul3A_1059 = arith.constant 1000 : i32
    %mul3A_1060 = vector.broadcast %mul3A_1059 : i32 to vector<16xi32>
    %mul3A_1061 = arith.muli %add3A_1058, %mul3A_1060 : vector<16xi32>
    %add3A_1062 = arith.addi %mul3A_1061, %get3A_1054 : vector<16xi32>
    %swap3A_1063 = arith.constant 7 : i32
    %swap3A_1064 = arith.index_cast %swap3A_1063 : i32 to index
    %swap3A_1065 = arith.constant 96 : index
    %swap3A_1066 = tpu.vector_load %arg9[%swap3A_1064, %swap3A_1065] {strides = array<i32>} : memref<8x128xi32, #tpu.memory_space<vmem>>, vector<1x16xi32>,
    %swap3A_1067 = vector.shape_cast %swap3A_1066 : vector<1x16xi32> to vector<16xi32>
    %swap3A_1068 = vector.shape_cast %add3A_1062 : vector<16xi32> to vector<1x16xi32>
    tpu.vector_store %arg9[%swap3A_1064, %swap3A_1065], %swap3A_1068 {strides = array<i32>} : memref<8x128xi32, #tpu.memory_space<vmem>>, vector<1x16xi32>,
    %get3A_1069 = arith.constant 1008 : index
    %get3A_1070 = tpu.vector_load %arg8[%get3A_1069] {strides = array<i32>} : memref<1024xi32, #tpu.memory_space<vmem>>, vector<16xi32>,
    %get3A_1071 = vector.shape_cast %get3A_1070 : vector<16xi32> to vector<16xi32>
    %add3A_1072 = arith.constant 1008 : i32
    %add3A_1073 = arith.addi %mul3A_0, %add3A_1072 : i32
    %add3A_1074 = vector.broadcast %add3A_1073 : i32 to vector<16xi32>
    %add3A_1075 = arith.addi %add3A_1074, %iota3A : vector<16xi32>
    %mul3A_1076 = arith.constant 1000 : i32
    %mul3A_1077 = vector.broadcast %mul3A_1076 : i32 to vector<16xi32>
    %mul3A_1078 = arith.muli %add3A_1075, %mul3A_1077 : vector<16xi32>
    %add3A_1079 = arith.addi %mul3A_1078, %get3A_1071 : vector<16xi32>
    %swap3A_1080 = arith.constant 7 : i32
    %swap3A_1081 = arith.index_cast %swap3A_1080 : i32 to index
    %swap3A_1082 = arith.constant 112 : index
    %swap3A_1083 = tpu.vector_load %arg9[%swap3A_1081, %swap3A_1082] {strides = array<i32>} : memref<8x128xi32, #tpu.memory_space<vmem>>, vector<1x16xi32>,
    %swap3A_1084 = vector.shape_cast %swap3A_1083 : vector<1x16xi32> to vector<16xi32>
    %swap3A_1085 = vector.shape_cast %add3A_1079 : vector<16xi32> to vector<1x16xi32>
    tpu.vector_store %arg9[%swap3A_1081, %swap3A_1082], %swap3A_1085 {strides = array<i32>} : memref<8x128xi32, #tpu.memory_space<vmem>>, vector<1x16xi32>,
    %dma_start3A = arith.constant 0 : i32
    %dma_start3A_1086 = arith.constant 0 : i32
    %dma_start3A_1087 = arith.constant 0 : i32
    %dma_start3A_1088 = tpu.memref_slice %arg10[%dma_start3A_1086, %dma_start3A_1087] : memref<8x128xf32, #tpu.memory_space<vmem>> -> memref<1x128xf32, #tpu.memory_space<vmem>>
    %dma_start3A_1089 = tpu.memref_squeeze %dma_start3A_1088 : memref<1x128xf32, #tpu.memory_space<vmem>> -> memref<128xf32, #tpu.memory_space<vmem>>
    %dma_start3A_1090 = arith.constant 0 : i32
    %dma_start3A_1091 = tpu.memref_slice %arg9[%dma_start3A, %dma_start3A_1090] : memref<8x128xi32, #tpu.memory_space<vmem>> -> memref<1x128xi32, #tpu.memory_space<vmem>>
    %dma_start3A_1092 = tpu.memref_squeeze %dma_start3A_1091 : memref<1x128xi32, #tpu.memory_space<vmem>> -> memref<128xi32, #tpu.memory_space<vmem>>
    %dma_start3A_1093 = arith.constant 0 : i32
    %dma_start3A_1094 = tpu.memref_slice %arg2[%dma_start3A_1093] : memref<16384000xf32, #tpu.memory_space<hbm>> -> memref<16384000xf32, #tpu.memory_space<hbm>>
    tpu.enqueue_indirect_dma source(%dma_start3A_1094 : memref<16384000xf32, #tpu.memory_space<hbm>>) target(%dma_start3A_1089 : memref<128xf32, #tpu.memory_space<vmem>>) offsets(%dma_start3A_1092 : memref<128xi32, #tpu.memory_space<vmem>>) semaphore(%arg15 : memref<!tpu.dma_semaphore, #tpu.memory_space<semaphore_mem>>)
    %dma_wait3A = arith.constant 0 : i32
    %dma_wait3A_1095 = arith.constant 0 : i32
    %dma_wait3A_1096 = arith.constant 0 : i32
    %dma_wait3A_1097 = tpu.memref_slice %arg10[%dma_wait3A_1095, %dma_wait3A_1096] : memref<8x128xf32, #tpu.memory_space<vmem>> -> memref<1x128xf32, #tpu.memory_space<vmem>>
    %dma_wait3A_1098 = tpu.memref_squeeze %dma_wait3A_1097 : memref<1x128xf32, #tpu.memory_space<vmem>> -> memref<128xf32, #tpu.memory_space<vmem>>
    %dma_wait3A_1099 = arith.constant 0 : i32
    %dma_wait3A_1100 = tpu.memref_slice %arg9[%dma_wait3A, %dma_wait3A_1099] : memref<8x128xi32, #tpu.memory_space<vmem>> -> memref<1x128xi32, #tpu.memory_space<vmem>>
    %dma_wait3A_1101 = tpu.memref_squeeze %dma_wait3A_1100 : memref<1x128xi32, #tpu.memory_space<vmem>> -> memref<128xi32, #tpu.memory_space<vmem>>
    %dma_wait3A_1102 = arith.constant 0 : i32
    %dma_wait3A_1103 = tpu.memref_slice %arg2[%dma_wait3A_1102] : memref<16384000xf32, #tpu.memory_space<hbm>> -> memref<16384000xf32, #tpu.memory_space<hbm>>
    tpu.wait_indirect_dma semaphore(%arg15 : memref<!tpu.dma_semaphore, #tpu.memory_space<semaphore_mem>>) src(%dma_wait3A_1103 : memref<16384000xf32, #tpu.memory_space<hbm>>) dst(%dma_wait3A_1098 : memref<128xf32, #tpu.memory_space<vmem>>)
    %dma_start3A_1104 = arith.constant 1 : i32
    %dma_start3A_1105 = arith.constant 1 : i32
    %dma_start3A_1106 = arith.constant 0 : i32
    %dma_start3A_1107 = tpu.memref_slice %arg10[%dma_start3A_1105, %dma_start3A_1106] : memref<8x128xf32, #tpu.memory_space<vmem>> -> memref<1x128xf32, #tpu.memory_space<vmem>>
    %dma_start3A_1108 = tpu.memref_squeeze %dma_start3A_1107 : memref<1x128xf32, #tpu.memory_space<vmem>> -> memref<128xf32, #tpu.memory_space<vmem>>
    %dma_start3A_1109 = arith.constant 0 : i32
    %dma_start3A_1110 = tpu.memref_slice %arg9[%dma_start3A_1104, %dma_start3A_1109] : memref<8x128xi32, #tpu.memory_space<vmem>> -> memref<1x128xi32, #tpu.memory_space<vmem>>
    %dma_start3A_1111 = tpu.memref_squeeze %dma_start3A_1110 : memref<1x128xi32, #tpu.memory_space<vmem>> -> memref<128xi32, #tpu.memory_space<vmem>>
    %dma_start3A_1112 = arith.constant 0 : i32
    %dma_start3A_1113 = tpu.memref_slice %arg2[%dma_start3A_1112] : memref<16384000xf32, #tpu.memory_space<hbm>> -> memref<16384000xf32, #tpu.memory_space<hbm>>
    tpu.enqueue_indirect_dma source(%dma_start3A_1113 : memref<16384000xf32, #tpu.memory_space<hbm>>) target(%dma_start3A_1108 : memref<128xf32, #tpu.memory_space<vmem>>) offsets(%dma_start3A_1111 : memref<128xi32, #tpu.memory_space<vmem>>) semaphore(%arg15 : memref<!tpu.dma_semaphore, #tpu.memory_space<semaphore_mem>>)
    %dma_wait3A_1114 = arith.constant 1 : i32
    %dma_wait3A_1115 = arith.constant 1 : i32
    %dma_wait3A_1116 = arith.constant 0 : i32
    %dma_wait3A_1117 = tpu.memref_slice %arg10[%dma_wait3A_1115, %dma_wait3A_1116] : memref<8x128xf32, #tpu.memory_space<vmem>> -> memref<1x128xf32, #tpu.memory_space<vmem>>
    %dma_wait3A_1118 = tpu.memref_squeeze %dma_wait3A_1117 : memref<1x128xf32, #tpu.memory_space<vmem>> -> memref<128xf32, #tpu.memory_space<vmem>>
    %dma_wait3A_1119 = arith.constant 0 : i32
    %dma_wait3A_1120 = tpu.memref_slice %arg9[%dma_wait3A_1114, %dma_wait3A_1119] : memref<8x128xi32, #tpu.memory_space<vmem>> -> memref<1x128xi32, #tpu.memory_space<vmem>>
    %dma_wait3A_1121 = tpu.memref_squeeze %dma_wait3A_1120 : memref<1x128xi32, #tpu.memory_space<vmem>> -> memref<128xi32, #tpu.memory_space<vmem>>
    %dma_wait3A_1122 = arith.constant 0 : i32
    %dma_wait3A_1123 = tpu.memref_slice %arg2[%dma_wait3A_1122] : memref<16384000xf32, #tpu.memory_space<hbm>> -> memref<16384000xf32, #tpu.memory_space<hbm>>
    tpu.wait_indirect_dma semaphore(%arg15 : memref<!tpu.dma_semaphore, #tpu.memory_space<semaphore_mem>>) src(%dma_wait3A_1123 : memref<16384000xf32, #tpu.memory_space<hbm>>) dst(%dma_wait3A_1118 : memref<128xf32, #tpu.memory_space<vmem>>)
    %dma_start3A_1124 = arith.constant 2 : i32
    %dma_start3A_1125 = arith.constant 2 : i32
    %dma_start3A_1126 = arith.constant 0 : i32
    %dma_start3A_1127 = tpu.memref_slice %arg10[%dma_start3A_1125, %dma_start3A_1126] : memref<8x128xf32, #tpu.memory_space<vmem>> -> memref<1x128xf32, #tpu.memory_space<vmem>>
    %dma_start3A_1128 = tpu.memref_squeeze %dma_start3A_1127 : memref<1x128xf32, #tpu.memory_space<vmem>> -> memref<128xf32, #tpu.memory_space<vmem>>
    %dma_start3A_1129 = arith.constant 0 : i32
    %dma_start3A_1130 = tpu.memref_slice %arg9[%dma_start3A_1124, %dma_start3A_1129] : memref<8x128xi32, #tpu.memory_space<vmem>> -> memref<1x128xi32, #tpu.memory_space<vmem>>
    %dma_start3A_1131 = tpu.memref_squeeze %dma_start3A_1130 : memref<1x128xi32, #tpu.memory_space<vmem>> -> memref<128xi32, #tpu.memory_space<vmem>>
    %dma_start3A_1132 = arith.constant 0 : i32
    %dma_start3A_1133 = tpu.memref_slice %arg2[%dma_start3A_1132] : memref<16384000xf32, #tpu.memory_space<hbm>> -> memref<16384000xf32, #tpu.memory_space<hbm>>
    tpu.enqueue_indirect_dma source(%dma_start3A_1133 : memref<16384000xf32, #tpu.memory_space<hbm>>) target(%dma_start3A_1128 : memref<128xf32, #tpu.memory_space<vmem>>) offsets(%dma_start3A_1131 : memref<128xi32, #tpu.memory_space<vmem>>) semaphore(%arg15 : memref<!tpu.dma_semaphore, #tpu.memory_space<semaphore_mem>>)
    %dma_wait3A_1134 = arith.constant 2 : i32
    %dma_wait3A_1135 = arith.constant 2 : i32
    %dma_wait3A_1136 = arith.constant 0 : i32
    %dma_wait3A_1137 = tpu.memref_slice %arg10[%dma_wait3A_1135, %dma_wait3A_1136] : memref<8x128xf32, #tpu.memory_space<vmem>> -> memref<1x128xf32, #tpu.memory_space<vmem>>
    %dma_wait3A_1138 = tpu.memref_squeeze %dma_wait3A_1137 : memref<1x128xf32, #tpu.memory_space<vmem>> -> memref<128xf32, #tpu.memory_space<vmem>>
    %dma_wait3A_1139 = arith.constant 0 : i32
    %dma_wait3A_1140 = tpu.memref_slice %arg9[%dma_wait3A_1134, %dma_wait3A_1139] : memref<8x128xi32, #tpu.memory_space<vmem>> -> memref<1x128xi32, #tpu.memory_space<vmem>>
    %dma_wait3A_1141 = tpu.memref_squeeze %dma_wait3A_1140 : memref<1x128xi32, #tpu.memory_space<vmem>> -> memref<128xi32, #tpu.memory_space<vmem>>
    %dma_wait3A_1142 = arith.constant 0 : i32
    %dma_wait3A_1143 = tpu.memref_slice %arg2[%dma_wait3A_1142] : memref<16384000xf32, #tpu.memory_space<hbm>> -> memref<16384000xf32, #tpu.memory_space<hbm>>
    tpu.wait_indirect_dma semaphore(%arg15 : memref<!tpu.dma_semaphore, #tpu.memory_space<semaphore_mem>>) src(%dma_wait3A_1143 : memref<16384000xf32, #tpu.memory_space<hbm>>) dst(%dma_wait3A_1138 : memref<128xf32, #tpu.memory_space<vmem>>)
    %dma_start3A_1144 = arith.constant 3 : i32
    %dma_start3A_1145 = arith.constant 3 : i32
    %dma_start3A_1146 = arith.constant 0 : i32
    %dma_start3A_1147 = tpu.memref_slice %arg10[%dma_start3A_1145, %dma_start3A_1146] : memref<8x128xf32, #tpu.memory_space<vmem>> -> memref<1x128xf32, #tpu.memory_space<vmem>>
    %dma_start3A_1148 = tpu.memref_squeeze %dma_start3A_1147 : memref<1x128xf32, #tpu.memory_space<vmem>> -> memref<128xf32, #tpu.memory_space<vmem>>
    %dma_start3A_1149 = arith.constant 0 : i32
    %dma_start3A_1150 = tpu.memref_slice %arg9[%dma_start3A_1144, %dma_start3A_1149] : memref<8x128xi32, #tpu.memory_space<vmem>> -> memref<1x128xi32, #tpu.memory_space<vmem>>
    %dma_start3A_1151 = tpu.memref_squeeze %dma_start3A_1150 : memref<1x128xi32, #tpu.memory_space<vmem>> -> memref<128xi32, #tpu.memory_space<vmem>>
    %dma_start3A_1152 = arith.constant 0 : i32
    %dma_start3A_1153 = tpu.memref_slice %arg2[%dma_start3A_1152] : memref<16384000xf32, #tpu.memory_space<hbm>> -> memref<16384000xf32, #tpu.memory_space<hbm>>
    tpu.enqueue_indirect_dma source(%dma_start3A_1153 : memref<16384000xf32, #tpu.memory_space<hbm>>) target(%dma_start3A_1148 : memref<128xf32, #tpu.memory_space<vmem>>) offsets(%dma_start3A_1151 : memref<128xi32, #tpu.memory_space<vmem>>) semaphore(%arg15 : memref<!tpu.dma_semaphore, #tpu.memory_space<semaphore_mem>>)
    %dma_wait3A_1154 = arith.constant 3 : i32
    %dma_wait3A_1155 = arith.constant 3 : i32
    %dma_wait3A_1156 = arith.constant 0 : i32
    %dma_wait3A_1157 = tpu.memref_slice %arg10[%dma_wait3A_1155, %dma_wait3A_1156] : memref<8x128xf32, #tpu.memory_space<vmem>> -> memref<1x128xf32, #tpu.memory_space<vmem>>
    %dma_wait3A_1158 = tpu.memref_squeeze %dma_wait3A_1157 : memref<1x128xf32, #tpu.memory_space<vmem>> -> memref<128xf32, #tpu.memory_space<vmem>>
    %dma_wait3A_1159 = arith.constant 0 : i32
    %dma_wait3A_1160 = tpu.memref_slice %arg9[%dma_wait3A_1154, %dma_wait3A_1159] : memref<8x128xi32, #tpu.memory_space<vmem>> -> memref<1x128xi32, #tpu.memory_space<vmem>>
    %dma_wait3A_1161 = tpu.memref_squeeze %dma_wait3A_1160 : memref<1x128xi32, #tpu.memory_space<vmem>> -> memref<128xi32, #tpu.memory_space<vmem>>
    %dma_wait3A_1162 = arith.constant 0 : i32
    %dma_wait3A_1163 = tpu.memref_slice %arg2[%dma_wait3A_1162] : memref<16384000xf32, #tpu.memory_space<hbm>> -> memref<16384000xf32, #tpu.memory_space<hbm>>
    tpu.wait_indirect_dma semaphore(%arg15 : memref<!tpu.dma_semaphore, #tpu.memory_space<semaphore_mem>>) src(%dma_wait3A_1163 : memref<16384000xf32, #tpu.memory_space<hbm>>) dst(%dma_wait3A_1158 : memref<128xf32, #tpu.memory_space<vmem>>)
    %dma_start3A_1164 = arith.constant 4 : i32
    %dma_start3A_1165 = arith.constant 4 : i32
    %dma_start3A_1166 = arith.constant 0 : i32
    %dma_start3A_1167 = tpu.memref_slice %arg10[%dma_start3A_1165, %dma_start3A_1166] : memref<8x128xf32, #tpu.memory_space<vmem>> -> memref<1x128xf32, #tpu.memory_space<vmem>>
    %dma_start3A_1168 = tpu.memref_squeeze %dma_start3A_1167 : memref<1x128xf32, #tpu.memory_space<vmem>> -> memref<128xf32, #tpu.memory_space<vmem>>
    %dma_start3A_1169 = arith.constant 0 : i32
    %dma_start3A_1170 = tpu.memref_slice %arg9[%dma_start3A_1164, %dma_start3A_1169] : memref<8x128xi32, #tpu.memory_space<vmem>> -> memref<1x128xi32, #tpu.memory_space<vmem>>
    %dma_start3A_1171 = tpu.memref_squeeze %dma_start3A_1170 : memref<1x128xi32, #tpu.memory_space<vmem>> -> memref<128xi32, #tpu.memory_space<vmem>>
    %dma_start3A_1172 = arith.constant 0 : i32
    %dma_start3A_1173 = tpu.memref_slice %arg2[%dma_start3A_1172] : memref<16384000xf32, #tpu.memory_space<hbm>> -> memref<16384000xf32, #tpu.memory_space<hbm>>
    tpu.enqueue_indirect_dma source(%dma_start3A_1173 : memref<16384000xf32, #tpu.memory_space<hbm>>) target(%dma_start3A_1168 : memref<128xf32, #tpu.memory_space<vmem>>) offsets(%dma_start3A_1171 : memref<128xi32, #tpu.memory_space<vmem>>) semaphore(%arg15 : memref<!tpu.dma_semaphore, #tpu.memory_space<semaphore_mem>>)
    %dma_wait3A_1174 = arith.constant 4 : i32
    %dma_wait3A_1175 = arith.constant 4 : i32
    %dma_wait3A_1176 = arith.constant 0 : i32
    %dma_wait3A_1177 = tpu.memref_slice %arg10[%dma_wait3A_1175, %dma_wait3A_1176] : memref<8x128xf32, #tpu.memory_space<vmem>> -> memref<1x128xf32, #tpu.memory_space<vmem>>
    %dma_wait3A_1178 = tpu.memref_squeeze %dma_wait3A_1177 : memref<1x128xf32, #tpu.memory_space<vmem>> -> memref<128xf32, #tpu.memory_space<vmem>>
    %dma_wait3A_1179 = arith.constant 0 : i32
    %dma_wait3A_1180 = tpu.memref_slice %arg9[%dma_wait3A_1174, %dma_wait3A_1179] : memref<8x128xi32, #tpu.memory_space<vmem>> -> memref<1x128xi32, #tpu.memory_space<vmem>>
    %dma_wait3A_1181 = tpu.memref_squeeze %dma_wait3A_1180 : memref<1x128xi32, #tpu.memory_space<vmem>> -> memref<128xi32, #tpu.memory_space<vmem>>
    %dma_wait3A_1182 = arith.constant 0 : i32
    %dma_wait3A_1183 = tpu.memref_slice %arg2[%dma_wait3A_1182] : memref<16384000xf32, #tpu.memory_space<hbm>> -> memref<16384000xf32, #tpu.memory_space<hbm>>
    tpu.wait_indirect_dma semaphore(%arg15 : memref<!tpu.dma_semaphore, #tpu.memory_space<semaphore_mem>>) src(%dma_wait3A_1183 : memref<16384000xf32, #tpu.memory_space<hbm>>) dst(%dma_wait3A_1178 : memref<128xf32, #tpu.memory_space<vmem>>)
    %dma_start3A_1184 = arith.constant 5 : i32
    %dma_start3A_1185 = arith.constant 5 : i32
    %dma_start3A_1186 = arith.constant 0 : i32
    %dma_start3A_1187 = tpu.memref_slice %arg10[%dma_start3A_1185, %dma_start3A_1186] : memref<8x128xf32, #tpu.memory_space<vmem>> -> memref<1x128xf32, #tpu.memory_space<vmem>>
    %dma_start3A_1188 = tpu.memref_squeeze %dma_start3A_1187 : memref<1x128xf32, #tpu.memory_space<vmem>> -> memref<128xf32, #tpu.memory_space<vmem>>
    %dma_start3A_1189 = arith.constant 0 : i32
    %dma_start3A_1190 = tpu.memref_slice %arg9[%dma_start3A_1184, %dma_start3A_1189] : memref<8x128xi32, #tpu.memory_space<vmem>> -> memref<1x128xi32, #tpu.memory_space<vmem>>
    %dma_start3A_1191 = tpu.memref_squeeze %dma_start3A_1190 : memref<1x128xi32, #tpu.memory_space<vmem>> -> memref<128xi32, #tpu.memory_space<vmem>>
    %dma_start3A_1192 = arith.constant 0 : i32
    %dma_start3A_1193 = tpu.memref_slice %arg2[%dma_start3A_1192] : memref<16384000xf32, #tpu.memory_space<hbm>> -> memref<16384000xf32, #tpu.memory_space<hbm>>
    tpu.enqueue_indirect_dma source(%dma_start3A_1193 : memref<16384000xf32, #tpu.memory_space<hbm>>) target(%dma_start3A_1188 : memref<128xf32, #tpu.memory_space<vmem>>) offsets(%dma_start3A_1191 : memref<128xi32, #tpu.memory_space<vmem>>) semaphore(%arg15 : memref<!tpu.dma_semaphore, #tpu.memory_space<semaphore_mem>>)
    %dma_wait3A_1194 = arith.constant 5 : i32
    %dma_wait3A_1195 = arith.constant 5 : i32
    %dma_wait3A_1196 = arith.constant 0 : i32
    %dma_wait3A_1197 = tpu.memref_slice %arg10[%dma_wait3A_1195, %dma_wait3A_1196] : memref<8x128xf32, #tpu.memory_space<vmem>> -> memref<1x128xf32, #tpu.memory_space<vmem>>
    %dma_wait3A_1198 = tpu.memref_squeeze %dma_wait3A_1197 : memref<1x128xf32, #tpu.memory_space<vmem>> -> memref<128xf32, #tpu.memory_space<vmem>>
    %dma_wait3A_1199 = arith.constant 0 : i32
    %dma_wait3A_1200 = tpu.memref_slice %arg9[%dma_wait3A_1194, %dma_wait3A_1199] : memref<8x128xi32, #tpu.memory_space<vmem>> -> memref<1x128xi32, #tpu.memory_space<vmem>>
    %dma_wait3A_1201 = tpu.memref_squeeze %dma_wait3A_1200 : memref<1x128xi32, #tpu.memory_space<vmem>> -> memref<128xi32, #tpu.memory_space<vmem>>
    %dma_wait3A_1202 = arith.constant 0 : i32
    %dma_wait3A_1203 = tpu.memref_slice %arg2[%dma_wait3A_1202] : memref<16384000xf32, #tpu.memory_space<hbm>> -> memref<16384000xf32, #tpu.memory_space<hbm>>
    tpu.wait_indirect_dma semaphore(%arg15 : memref<!tpu.dma_semaphore, #tpu.memory_space<semaphore_mem>>) src(%dma_wait3A_1203 : memref<16384000xf32, #tpu.memory_space<hbm>>) dst(%dma_wait3A_1198 : memref<128xf32, #tpu.memory_space<vmem>>)
    %dma_start3A_1204 = arith.constant 6 : i32
    %dma_start3A_1205 = arith.constant 6 : i32
    %dma_start3A_1206 = arith.constant 0 : i32
    %dma_start3A_1207 = tpu.memref_slice %arg10[%dma_start3A_1205, %dma_start3A_1206] : memref<8x128xf32, #tpu.memory_space<vmem>> -> memref<1x128xf32, #tpu.memory_space<vmem>>
    %dma_start3A_1208 = tpu.memref_squeeze %dma_start3A_1207 : memref<1x128xf32, #tpu.memory_space<vmem>> -> memref<128xf32, #tpu.memory_space<vmem>>
    %dma_start3A_1209 = arith.constant 0 : i32
    %dma_start3A_1210 = tpu.memref_slice %arg9[%dma_start3A_1204, %dma_start3A_1209] : memref<8x128xi32, #tpu.memory_space<vmem>> -> memref<1x128xi32, #tpu.memory_space<vmem>>
    %dma_start3A_1211 = tpu.memref_squeeze %dma_start3A_1210 : memref<1x128xi32, #tpu.memory_space<vmem>> -> memref<128xi32, #tpu.memory_space<vmem>>
    %dma_start3A_1212 = arith.constant 0 : i32
    %dma_start3A_1213 = tpu.memref_slice %arg2[%dma_start3A_1212] : memref<16384000xf32, #tpu.memory_space<hbm>> -> memref<16384000xf32, #tpu.memory_space<hbm>>
    tpu.enqueue_indirect_dma source(%dma_start3A_1213 : memref<16384000xf32, #tpu.memory_space<hbm>>) target(%dma_start3A_1208 : memref<128xf32, #tpu.memory_space<vmem>>) offsets(%dma_start3A_1211 : memref<128xi32, #tpu.memory_space<vmem>>) semaphore(%arg15 : memref<!tpu.dma_semaphore, #tpu.memory_space<semaphore_mem>>)
    %dma_wait3A_1214 = arith.constant 6 : i32
    %dma_wait3A_1215 = arith.constant 6 : i32
    %dma_wait3A_1216 = arith.constant 0 : i32
    %dma_wait3A_1217 = tpu.memref_slice %arg10[%dma_wait3A_1215, %dma_wait3A_1216] : memref<8x128xf32, #tpu.memory_space<vmem>> -> memref<1x128xf32, #tpu.memory_space<vmem>>
    %dma_wait3A_1218 = tpu.memref_squeeze %dma_wait3A_1217 : memref<1x128xf32, #tpu.memory_space<vmem>> -> memref<128xf32, #tpu.memory_space<vmem>>
    %dma_wait3A_1219 = arith.constant 0 : i32
    %dma_wait3A_1220 = tpu.memref_slice %arg9[%dma_wait3A_1214, %dma_wait3A_1219] : memref<8x128xi32, #tpu.memory_space<vmem>> -> memref<1x128xi32, #tpu.memory_space<vmem>>
    %dma_wait3A_1221 = tpu.memref_squeeze %dma_wait3A_1220 : memref<1x128xi32, #tpu.memory_space<vmem>> -> memref<128xi32, #tpu.memory_space<vmem>>
    %dma_wait3A_1222 = arith.constant 0 : i32
    %dma_wait3A_1223 = tpu.memref_slice %arg2[%dma_wait3A_1222] : memref<16384000xf32, #tpu.memory_space<hbm>> -> memref<16384000xf32, #tpu.memory_space<hbm>>
    tpu.wait_indirect_dma semaphore(%arg15 : memref<!tpu.dma_semaphore, #tpu.memory_space<semaphore_mem>>) src(%dma_wait3A_1223 : memref<16384000xf32, #tpu.memory_space<hbm>>) dst(%dma_wait3A_1218 : memref<128xf32, #tpu.memory_space<vmem>>)
    %dma_start3A_1224 = arith.constant 7 : i32
    %dma_start3A_1225 = arith.constant 7 : i32
    %dma_start3A_1226 = arith.constant 0 : i32
    %dma_start3A_1227 = tpu.memref_slice %arg10[%dma_start3A_1225, %dma_start3A_1226] : memref<8x128xf32, #tpu.memory_space<vmem>> -> memref<1x128xf32, #tpu.memory_space<vmem>>
    %dma_start3A_1228 = tpu.memref_squeeze %dma_start3A_1227 : memref<1x128xf32, #tpu.memory_space<vmem>> -> memref<128xf32, #tpu.memory_space<vmem>>
    %dma_start3A_1229 = arith.constant 0 : i32
    %dma_start3A_1230 = tpu.memref_slice %arg9[%dma_start3A_1224, %dma_start3A_1229] : memref<8x128xi32, #tpu.memory_space<vmem>> -> memref<1x128xi32, #tpu.memory_space<vmem>>
    %dma_start3A_1231 = tpu.memref_squeeze %dma_start3A_1230 : memref<1x128xi32, #tpu.memory_space<vmem>> -> memref<128xi32, #tpu.memory_space<vmem>>
    %dma_start3A_1232 = arith.constant 0 : i32
    %dma_start3A_1233 = tpu.memref_slice %arg2[%dma_start3A_1232] : memref<16384000xf32, #tpu.memory_space<hbm>> -> memref<16384000xf32, #tpu.memory_space<hbm>>
    tpu.enqueue_indirect_dma source(%dma_start3A_1233 : memref<16384000xf32, #tpu.memory_space<hbm>>) target(%dma_start3A_1228 : memref<128xf32, #tpu.memory_space<vmem>>) offsets(%dma_start3A_1231 : memref<128xi32, #tpu.memory_space<vmem>>) semaphore(%arg15 : memref<!tpu.dma_semaphore, #tpu.memory_space<semaphore_mem>>)
    %dma_wait3A_1234 = arith.constant 7 : i32
    %dma_wait3A_1235 = arith.constant 7 : i32
    %dma_wait3A_1236 = arith.constant 0 : i32
    %dma_wait3A_1237 = tpu.memref_slice %arg10[%dma_wait3A_1235, %dma_wait3A_1236] : memref<8x128xf32, #tpu.memory_space<vmem>> -> memref<1x128xf32, #tpu.memory_space<vmem>>
    %dma_wait3A_1238 = tpu.memref_squeeze %dma_wait3A_1237 : memref<1x128xf32, #tpu.memory_space<vmem>> -> memref<128xf32, #tpu.memory_space<vmem>>
    %dma_wait3A_1239 = arith.constant 0 : i32
    %dma_wait3A_1240 = tpu.memref_slice %arg9[%dma_wait3A_1234, %dma_wait3A_1239] : memref<8x128xi32, #tpu.memory_space<vmem>> -> memref<1x128xi32, #tpu.memory_space<vmem>>
    %dma_wait3A_1241 = tpu.memref_squeeze %dma_wait3A_1240 : memref<1x128xi32, #tpu.memory_space<vmem>> -> memref<128xi32, #tpu.memory_space<vmem>>
    %dma_wait3A_1242 = arith.constant 0 : i32
    %dma_wait3A_1243 = tpu.memref_slice %arg2[%dma_wait3A_1242] : memref<16384000xf32, #tpu.memory_space<hbm>> -> memref<16384000xf32, #tpu.memory_space<hbm>>
    tpu.wait_indirect_dma semaphore(%arg15 : memref<!tpu.dma_semaphore, #tpu.memory_space<semaphore_mem>>) src(%dma_wait3A_1243 : memref<16384000xf32, #tpu.memory_space<hbm>>) dst(%dma_wait3A_1238 : memref<128xf32, #tpu.memory_space<vmem>>)
    %broadcast_in_dim3A = arith.constant 0.000000e+00 : f32
    %broadcast_in_dim3A_1244 = vector.broadcast %broadcast_in_dim3A : f32 to vector<16xf32>
    %get3A_1245 = arith.constant 0 : i32
    %get3A_1246 = arith.index_cast %get3A_1245 : i32 to index
    %get3A_1247 = arith.constant 0 : index
    %get3A_1248 = tpu.vector_load %arg10[%get3A_1246, %get3A_1247] {strides = array<i32>} : memref<8x128xf32, #tpu.memory_space<vmem>>, vector<1x16xf32>,
    %get3A_1249 = vector.shape_cast %get3A_1248 : vector<1x16xf32> to vector<16xf32>
    %get3A_1250 = arith.constant 0 : index
    %get3A_1251 = tpu.vector_load %arg11[%get3A_1250] {strides = array<i32>} : memref<1024xf32, #tpu.memory_space<vmem>>, vector<16xf32>,
    %get3A_1252 = vector.shape_cast %get3A_1251 : vector<16xf32> to vector<16xf32>
    %get3A_1253 = arith.constant 0 : index
    %get3A_1254 = tpu.vector_load %arg12[%get3A_1253] {strides = array<i32>} : memref<1024xf32, #tpu.memory_space<vmem>>, vector<16xf32>,
    %get3A_1255 = vector.shape_cast %get3A_1254 : vector<16xf32> to vector<16xf32>
    %neg3A = arith.constant 0.000000e+00 : f32
    %neg3A_1256 = vector.broadcast %neg3A : f32 to vector<16xf32>
    %neg3A_1257 = arith.subf %neg3A_1256, %get3A_1252 : vector<16xf32>
    %sub3A = arith.constant 0.899999976 : f32
    %sub3A_1258 = vector.broadcast %sub3A : f32 to vector<16xf32>
    %sub3A_1259 = arith.subf %neg3A_1257, %sub3A_1258 : vector<16xf32>
    %div3A = arith.divf %get3A_1249, %get3A_1255 : vector<16xf32>
    %mul3A_1260 = arith.mulf %sub3A_1259, %div3A : vector<16xf32>
    %add3A_1261 = arith.addf %broadcast_in_dim3A_1244, %mul3A_1260 : vector<16xf32>
    %get3A_1262 = arith.constant 0 : i32
    %get3A_1263 = arith.index_cast %get3A_1262 : i32 to index
    %get3A_1264 = arith.constant 16 : index
    %get3A_1265 = tpu.vector_load %arg10[%get3A_1263, %get3A_1264] {strides = array<i32>} : memref<8x128xf32, #tpu.memory_space<vmem>>, vector<1x16xf32>,
    %get3A_1266 = vector.shape_cast %get3A_1265 : vector<1x16xf32> to vector<16xf32>
    %get3A_1267 = arith.constant 16 : index
    %get3A_1268 = tpu.vector_load %arg11[%get3A_1267] {strides = array<i32>} : memref<1024xf32, #tpu.memory_space<vmem>>, vector<16xf32>,
    %get3A_1269 = vector.shape_cast %get3A_1268 : vector<16xf32> to vector<16xf32>
    %get3A_1270 = arith.constant 16 : index
    %get3A_1271 = tpu.vector_load %arg12[%get3A_1270] {strides = array<i32>} : memref<1024xf32, #tpu.memory_space<vmem>>, vector<16xf32>,
    %get3A_1272 = vector.shape_cast %get3A_1271 : vector<16xf32> to vector<16xf32>
    %neg3A_1273 = arith.constant 0.000000e+00 : f32
    %neg3A_1274 = vector.broadcast %neg3A_1273 : f32 to vector<16xf32>
    %neg3A_1275 = arith.subf %neg3A_1274, %get3A_1269 : vector<16xf32>
    %sub3A_1276 = arith.constant 0.899999976 : f32
    %sub3A_1277 = vector.broadcast %sub3A_1276 : f32 to vector<16xf32>
    %sub3A_1278 = arith.subf %neg3A_1275, %sub3A_1277 : vector<16xf32>
    %div3A_1279 = arith.divf %get3A_1266, %get3A_1272 : vector<16xf32>
    %mul3A_1280 = arith.mulf %sub3A_1278, %div3A_1279 : vector<16xf32>
    %add3A_1281 = arith.addf %add3A_1261, %mul3A_1280 : vector<16xf32>
    %get3A_1282 = arith.constant 0 : i32
    %get3A_1283 = arith.index_cast %get3A_1282 : i32 to index
    %get3A_1284 = arith.constant 32 : index
    %get3A_1285 = tpu.vector_load %arg10[%get3A_1283, %get3A_1284] {strides = array<i32>} : memref<8x128xf32, #tpu.memory_space<vmem>>, vector<1x16xf32>,
    %get3A_1286 = vector.shape_cast %get3A_1285 : vector<1x16xf32> to vector<16xf32>
    %get3A_1287 = arith.constant 32 : index
    %get3A_1288 = tpu.vector_load %arg11[%get3A_1287] {strides = array<i32>} : memref<1024xf32, #tpu.memory_space<vmem>>, vector<16xf32>,
    %get3A_1289 = vector.shape_cast %get3A_1288 : vector<16xf32> to vector<16xf32>
    %get3A_1290 = arith.constant 32 : index
    %get3A_1291 = tpu.vector_load %arg12[%get3A_1290] {strides = array<i32>} : memref<1024xf32, #tpu.memory_space<vmem>>, vector<16xf32>,
    %get3A_1292 = vector.shape_cast %get3A_1291 : vector<16xf32> to vector<16xf32>
    %neg3A_1293 = arith.constant 0.000000e+00 : f32
    %neg3A_1294 = vector.broadcast %neg3A_1293 : f32 to vector<16xf32>
    %neg3A_1295 = arith.subf %neg3A_1294, %get3A_1289 : vector<16xf32>
    %sub3A_1296 = arith.constant 0.899999976 : f32
    %sub3A_1297 = vector.broadcast %sub3A_1296 : f32 to vector<16xf32>
    %sub3A_1298 = arith.subf %neg3A_1295, %sub3A_1297 : vector<16xf32>
    %div3A_1299 = arith.divf %get3A_1286, %get3A_1292 : vector<16xf32>
    %mul3A_1300 = arith.mulf %sub3A_1298, %div3A_1299 : vector<16xf32>
    %add3A_1301 = arith.addf %add3A_1281, %mul3A_1300 : vector<16xf32>
    %get3A_1302 = arith.constant 0 : i32
    %get3A_1303 = arith.index_cast %get3A_1302 : i32 to index
    %get3A_1304 = arith.constant 48 : index
    %get3A_1305 = tpu.vector_load %arg10[%get3A_1303, %get3A_1304] {strides = array<i32>} : memref<8x128xf32, #tpu.memory_space<vmem>>, vector<1x16xf32>,
    %get3A_1306 = vector.shape_cast %get3A_1305 : vector<1x16xf32> to vector<16xf32>
    %get3A_1307 = arith.constant 48 : index
    %get3A_1308 = tpu.vector_load %arg11[%get3A_1307] {strides = array<i32>} : memref<1024xf32, #tpu.memory_space<vmem>>, vector<16xf32>,
    %get3A_1309 = vector.shape_cast %get3A_1308 : vector<16xf32> to vector<16xf32>
    %get3A_1310 = arith.constant 48 : index
    %get3A_1311 = tpu.vector_load %arg12[%get3A_1310] {strides = array<i32>} : memref<1024xf32, #tpu.memory_space<vmem>>, vector<16xf32>,
    %get3A_1312 = vector.shape_cast %get3A_1311 : vector<16xf32> to vector<16xf32>
    %neg3A_1313 = arith.constant 0.000000e+00 : f32
    %neg3A_1314 = vector.broadcast %neg3A_1313 : f32 to vector<16xf32>
    %neg3A_1315 = arith.subf %neg3A_1314, %get3A_1309 : vector<16xf32>
    %sub3A_1316 = arith.constant 0.899999976 : f32
    %sub3A_1317 = vector.broadcast %sub3A_1316 : f32 to vector<16xf32>
    %sub3A_1318 = arith.subf %neg3A_1315, %sub3A_1317 : vector<16xf32>
    %div3A_1319 = arith.divf %get3A_1306, %get3A_1312 : vector<16xf32>
    %mul3A_1320 = arith.mulf %sub3A_1318, %div3A_1319 : vector<16xf32>
    %add3A_1321 = arith.addf %add3A_1301, %mul3A_1320 : vector<16xf32>
    %get3A_1322 = arith.constant 0 : i32
    %get3A_1323 = arith.index_cast %get3A_1322 : i32 to index
    %get3A_1324 = arith.constant 64 : index
    %get3A_1325 = tpu.vector_load %arg10[%get3A_1323, %get3A_1324] {strides = array<i32>} : memref<8x128xf32, #tpu.memory_space<vmem>>, vector<1x16xf32>,
    %get3A_1326 = vector.shape_cast %get3A_1325 : vector<1x16xf32> to vector<16xf32>
    %get3A_1327 = arith.constant 64 : index
    %get3A_1328 = tpu.vector_load %arg11[%get3A_1327] {strides = array<i32>} : memref<1024xf32, #tpu.memory_space<vmem>>, vector<16xf32>,
    %get3A_1329 = vector.shape_cast %get3A_1328 : vector<16xf32> to vector<16xf32>
    %get3A_1330 = arith.constant 64 : index
    %get3A_1331 = tpu.vector_load %arg12[%get3A_1330] {strides = array<i32>} : memref<1024xf32, #tpu.memory_space<vmem>>, vector<16xf32>,
    %get3A_1332 = vector.shape_cast %get3A_1331 : vector<16xf32> to vector<16xf32>
    %neg3A_1333 = arith.constant 0.000000e+00 : f32
    %neg3A_1334 = vector.broadcast %neg3A_1333 : f32 to vector<16xf32>
    %neg3A_1335 = arith.subf %neg3A_1334, %get3A_1329 : vector<16xf32>
    %sub3A_1336 = arith.constant 0.899999976 : f32
    %sub3A_1337 = vector.broadcast %sub3A_1336 : f32 to vector<16xf32>
    %sub3A_1338 = arith.subf %neg3A_1335, %sub3A_1337 : vector<16xf32>
    %div3A_1339 = arith.divf %get3A_1326, %get3A_1332 : vector<16xf32>
    %mul3A_1340 = arith.mulf %sub3A_1338, %div3A_1339 : vector<16xf32>
    %add3A_1341 = arith.addf %add3A_1321, %mul3A_1340 : vector<16xf32>
    %get3A_1342 = arith.constant 0 : i32
    %get3A_1343 = arith.index_cast %get3A_1342 : i32 to index
    %get3A_1344 = arith.constant 80 : index
    %get3A_1345 = tpu.vector_load %arg10[%get3A_1343, %get3A_1344] {strides = array<i32>} : memref<8x128xf32, #tpu.memory_space<vmem>>, vector<1x16xf32>,
    %get3A_1346 = vector.shape_cast %get3A_1345 : vector<1x16xf32> to vector<16xf32>
    %get3A_1347 = arith.constant 80 : index
    %get3A_1348 = tpu.vector_load %arg11[%get3A_1347] {strides = array<i32>} : memref<1024xf32, #tpu.memory_space<vmem>>, vector<16xf32>,
    %get3A_1349 = vector.shape_cast %get3A_1348 : vector<16xf32> to vector<16xf32>
    %get3A_1350 = arith.constant 80 : index
    %get3A_1351 = tpu.vector_load %arg12[%get3A_1350] {strides = array<i32>} : memref<1024xf32, #tpu.memory_space<vmem>>, vector<16xf32>,
    %get3A_1352 = vector.shape_cast %get3A_1351 : vector<16xf32> to vector<16xf32>
    %neg3A_1353 = arith.constant 0.000000e+00 : f32
    %neg3A_1354 = vector.broadcast %neg3A_1353 : f32 to vector<16xf32>
    %neg3A_1355 = arith.subf %neg3A_1354, %get3A_1349 : vector<16xf32>
    %sub3A_1356 = arith.constant 0.899999976 : f32
    %sub3A_1357 = vector.broadcast %sub3A_1356 : f32 to vector<16xf32>
    %sub3A_1358 = arith.subf %neg3A_1355, %sub3A_1357 : vector<16xf32>
    %div3A_1359 = arith.divf %get3A_1346, %get3A_1352 : vector<16xf32>
    %mul3A_1360 = arith.mulf %sub3A_1358, %div3A_1359 : vector<16xf32>
    %add3A_1361 = arith.addf %add3A_1341, %mul3A_1360 : vector<16xf32>
    %get3A_1362 = arith.constant 0 : i32
    %get3A_1363 = arith.index_cast %get3A_1362 : i32 to index
    %get3A_1364 = arith.constant 96 : index
    %get3A_1365 = tpu.vector_load %arg10[%get3A_1363, %get3A_1364] {strides = array<i32>} : memref<8x128xf32, #tpu.memory_space<vmem>>, vector<1x16xf32>,
    %get3A_1366 = vector.shape_cast %get3A_1365 : vector<1x16xf32> to vector<16xf32>
    %get3A_1367 = arith.constant 96 : index
    %get3A_1368 = tpu.vector_load %arg11[%get3A_1367] {strides = array<i32>} : memref<1024xf32, #tpu.memory_space<vmem>>, vector<16xf32>,
    %get3A_1369 = vector.shape_cast %get3A_1368 : vector<16xf32> to vector<16xf32>
    %get3A_1370 = arith.constant 96 : index
    %get3A_1371 = tpu.vector_load %arg12[%get3A_1370] {strides = array<i32>} : memref<1024xf32, #tpu.memory_space<vmem>>, vector<16xf32>,
    %get3A_1372 = vector.shape_cast %get3A_1371 : vector<16xf32> to vector<16xf32>
    %neg3A_1373 = arith.constant 0.000000e+00 : f32
    %neg3A_1374 = vector.broadcast %neg3A_1373 : f32 to vector<16xf32>
    %neg3A_1375 = arith.subf %neg3A_1374, %get3A_1369 : vector<16xf32>
    %sub3A_1376 = arith.constant 0.899999976 : f32
    %sub3A_1377 = vector.broadcast %sub3A_1376 : f32 to vector<16xf32>
    %sub3A_1378 = arith.subf %neg3A_1375, %sub3A_1377 : vector<16xf32>
    %div3A_1379 = arith.divf %get3A_1366, %get3A_1372 : vector<16xf32>
    %mul3A_1380 = arith.mulf %sub3A_1378, %div3A_1379 : vector<16xf32>
    %add3A_1381 = arith.addf %add3A_1361, %mul3A_1380 : vector<16xf32>
    %get3A_1382 = arith.constant 0 : i32
    %get3A_1383 = arith.index_cast %get3A_1382 : i32 to index
    %get3A_1384 = arith.constant 112 : index
    %get3A_1385 = tpu.vector_load %arg10[%get3A_1383, %get3A_1384] {strides = array<i32>} : memref<8x128xf32, #tpu.memory_space<vmem>>, vector<1x16xf32>,
    %get3A_1386 = vector.shape_cast %get3A_1385 : vector<1x16xf32> to vector<16xf32>
    %get3A_1387 = arith.constant 112 : index
    %get3A_1388 = tpu.vector_load %arg11[%get3A_1387] {strides = array<i32>} : memref<1024xf32, #tpu.memory_space<vmem>>, vector<16xf32>,
    %get3A_1389 = vector.shape_cast %get3A_1388 : vector<16xf32> to vector<16xf32>
    %get3A_1390 = arith.constant 112 : index
    %get3A_1391 = tpu.vector_load %arg12[%get3A_1390] {strides = array<i32>} : memref<1024xf32, #tpu.memory_space<vmem>>, vector<16xf32>,
    %get3A_1392 = vector.shape_cast %get3A_1391 : vector<16xf32> to vector<16xf32>
    %neg3A_1393 = arith.constant 0.000000e+00 : f32
    %neg3A_1394 = vector.broadcast %neg3A_1393 : f32 to vector<16xf32>
    %neg3A_1395 = arith.subf %neg3A_1394, %get3A_1389 : vector<16xf32>
    %sub3A_1396 = arith.constant 0.899999976 : f32
    %sub3A_1397 = vector.broadcast %sub3A_1396 : f32 to vector<16xf32>
    %sub3A_1398 = arith.subf %neg3A_1395, %sub3A_1397 : vector<16xf32>
    %div3A_1399 = arith.divf %get3A_1386, %get3A_1392 : vector<16xf32>
    %mul3A_1400 = arith.mulf %sub3A_1398, %div3A_1399 : vector<16xf32>
    %add3A_1401 = arith.addf %add3A_1381, %mul3A_1400 : vector<16xf32>
    %get3A_1402 = arith.constant 1 : i32
    %get3A_1403 = arith.index_cast %get3A_1402 : i32 to index
    %get3A_1404 = arith.constant 0 : index
    %get3A_1405 = tpu.vector_load %arg10[%get3A_1403, %get3A_1404] {strides = array<i32>} : memref<8x128xf32, #tpu.memory_space<vmem>>, vector<1x16xf32>,
    %get3A_1406 = vector.shape_cast %get3A_1405 : vector<1x16xf32> to vector<16xf32>
    %get3A_1407 = arith.constant 128 : index
    %get3A_1408 = tpu.vector_load %arg11[%get3A_1407] {strides = array<i32>} : memref<1024xf32, #tpu.memory_space<vmem>>, vector<16xf32>,
    %get3A_1409 = vector.shape_cast %get3A_1408 : vector<16xf32> to vector<16xf32>
    %get3A_1410 = arith.constant 128 : index
    %get3A_1411 = tpu.vector_load %arg12[%get3A_1410] {strides = array<i32>} : memref<1024xf32, #tpu.memory_space<vmem>>, vector<16xf32>,
    %get3A_1412 = vector.shape_cast %get3A_1411 : vector<16xf32> to vector<16xf32>
    %neg3A_1413 = arith.constant 0.000000e+00 : f32
    %neg3A_1414 = vector.broadcast %neg3A_1413 : f32 to vector<16xf32>
    %neg3A_1415 = arith.subf %neg3A_1414, %get3A_1409 : vector<16xf32>
    %sub3A_1416 = arith.constant 0.899999976 : f32
    %sub3A_1417 = vector.broadcast %sub3A_1416 : f32 to vector<16xf32>
    %sub3A_1418 = arith.subf %neg3A_1415, %sub3A_1417 : vector<16xf32>
    %div3A_1419 = arith.divf %get3A_1406, %get3A_1412 : vector<16xf32>
    %mul3A_1420 = arith.mulf %sub3A_1418, %div3A_1419 : vector<16xf32>
    %add3A_1421 = arith.addf %add3A_1401, %mul3A_1420 : vector<16xf32>
    %get3A_1422 = arith.constant 1 : i32
    %get3A_1423 = arith.index_cast %get3A_1422 : i32 to index
    %get3A_1424 = arith.constant 16 : index
    %get3A_1425 = tpu.vector_load %arg10[%get3A_1423, %get3A_1424] {strides = array<i32>} : memref<8x128xf32, #tpu.memory_space<vmem>>, vector<1x16xf32>,
    %get3A_1426 = vector.shape_cast %get3A_1425 : vector<1x16xf32> to vector<16xf32>
    %get3A_1427 = arith.constant 144 : index
    %get3A_1428 = tpu.vector_load %arg11[%get3A_1427] {strides = array<i32>} : memref<1024xf32, #tpu.memory_space<vmem>>, vector<16xf32>,
    %get3A_1429 = vector.shape_cast %get3A_1428 : vector<16xf32> to vector<16xf32>
    %get3A_1430 = arith.constant 144 : index
    %get3A_1431 = tpu.vector_load %arg12[%get3A_1430] {strides = array<i32>} : memref<1024xf32, #tpu.memory_space<vmem>>, vector<16xf32>,
    %get3A_1432 = vector.shape_cast %get3A_1431 : vector<16xf32> to vector<16xf32>
    %neg3A_1433 = arith.constant 0.000000e+00 : f32
    %neg3A_1434 = vector.broadcast %neg3A_1433 : f32 to vector<16xf32>
    %neg3A_1435 = arith.subf %neg3A_1434, %get3A_1429 : vector<16xf32>
    %sub3A_1436 = arith.constant 0.899999976 : f32
    %sub3A_1437 = vector.broadcast %sub3A_1436 : f32 to vector<16xf32>
    %sub3A_1438 = arith.subf %neg3A_1435, %sub3A_1437 : vector<16xf32>
    %div3A_1439 = arith.divf %get3A_1426, %get3A_1432 : vector<16xf32>
    %mul3A_1440 = arith.mulf %sub3A_1438, %div3A_1439 : vector<16xf32>
    %add3A_1441 = arith.addf %add3A_1421, %mul3A_1440 : vector<16xf32>
    %get3A_1442 = arith.constant 1 : i32
    %get3A_1443 = arith.index_cast %get3A_1442 : i32 to index
    %get3A_1444 = arith.constant 32 : index
    %get3A_1445 = tpu.vector_load %arg10[%get3A_1443, %get3A_1444] {strides = array<i32>} : memref<8x128xf32, #tpu.memory_space<vmem>>, vector<1x16xf32>,
    %get3A_1446 = vector.shape_cast %get3A_1445 : vector<1x16xf32> to vector<16xf32>
    %get3A_1447 = arith.constant 160 : index
    %get3A_1448 = tpu.vector_load %arg11[%get3A_1447] {strides = array<i32>} : memref<1024xf32, #tpu.memory_space<vmem>>, vector<16xf32>,
    %get3A_1449 = vector.shape_cast %get3A_1448 : vector<16xf32> to vector<16xf32>
    %get3A_1450 = arith.constant 160 : index
    %get3A_1451 = tpu.vector_load %arg12[%get3A_1450] {strides = array<i32>} : memref<1024xf32, #tpu.memory_space<vmem>>, vector<16xf32>,
    %get3A_1452 = vector.shape_cast %get3A_1451 : vector<16xf32> to vector<16xf32>
    %neg3A_1453 = arith.constant 0.000000e+00 : f32
    %neg3A_1454 = vector.broadcast %neg3A_1453 : f32 to vector<16xf32>
    %neg3A_1455 = arith.subf %neg3A_1454, %get3A_1449 : vector<16xf32>
    %sub3A_1456 = arith.constant 0.899999976 : f32
    %sub3A_1457 = vector.broadcast %sub3A_1456 : f32 to vector<16xf32>
    %sub3A_1458 = arith.subf %neg3A_1455, %sub3A_1457 : vector<16xf32>
    %div3A_1459 = arith.divf %get3A_1446, %get3A_1452 : vector<16xf32>
    %mul3A_1460 = arith.mulf %sub3A_1458, %div3A_1459 : vector<16xf32>
    %add3A_1461 = arith.addf %add3A_1441, %mul3A_1460 : vector<16xf32>
    %get3A_1462 = arith.constant 1 : i32
    %get3A_1463 = arith.index_cast %get3A_1462 : i32 to index
    %get3A_1464 = arith.constant 48 : index
    %get3A_1465 = tpu.vector_load %arg10[%get3A_1463, %get3A_1464] {strides = array<i32>} : memref<8x128xf32, #tpu.memory_space<vmem>>, vector<1x16xf32>,
    %get3A_1466 = vector.shape_cast %get3A_1465 : vector<1x16xf32> to vector<16xf32>
    %get3A_1467 = arith.constant 176 : index
    %get3A_1468 = tpu.vector_load %arg11[%get3A_1467] {strides = array<i32>} : memref<1024xf32, #tpu.memory_space<vmem>>, vector<16xf32>,
    %get3A_1469 = vector.shape_cast %get3A_1468 : vector<16xf32> to vector<16xf32>
    %get3A_1470 = arith.constant 176 : index
    %get3A_1471 = tpu.vector_load %arg12[%get3A_1470] {strides = array<i32>} : memref<1024xf32, #tpu.memory_space<vmem>>, vector<16xf32>,
    %get3A_1472 = vector.shape_cast %get3A_1471 : vector<16xf32> to vector<16xf32>
    %neg3A_1473 = arith.constant 0.000000e+00 : f32
    %neg3A_1474 = vector.broadcast %neg3A_1473 : f32 to vector<16xf32>
    %neg3A_1475 = arith.subf %neg3A_1474, %get3A_1469 : vector<16xf32>
    %sub3A_1476 = arith.constant 0.899999976 : f32
    %sub3A_1477 = vector.broadcast %sub3A_1476 : f32 to vector<16xf32>
    %sub3A_1478 = arith.subf %neg3A_1475, %sub3A_1477 : vector<16xf32>
    %div3A_1479 = arith.divf %get3A_1466, %get3A_1472 : vector<16xf32>
    %mul3A_1480 = arith.mulf %sub3A_1478, %div3A_1479 : vector<16xf32>
    %add3A_1481 = arith.addf %add3A_1461, %mul3A_1480 : vector<16xf32>
    %get3A_1482 = arith.constant 1 : i32
    %get3A_1483 = arith.index_cast %get3A_1482 : i32 to index
    %get3A_1484 = arith.constant 64 : index
    %get3A_1485 = tpu.vector_load %arg10[%get3A_1483, %get3A_1484] {strides = array<i32>} : memref<8x128xf32, #tpu.memory_space<vmem>>, vector<1x16xf32>,
    %get3A_1486 = vector.shape_cast %get3A_1485 : vector<1x16xf32> to vector<16xf32>
    %get3A_1487 = arith.constant 192 : index
    %get3A_1488 = tpu.vector_load %arg11[%get3A_1487] {strides = array<i32>} : memref<1024xf32, #tpu.memory_space<vmem>>, vector<16xf32>,
    %get3A_1489 = vector.shape_cast %get3A_1488 : vector<16xf32> to vector<16xf32>
    %get3A_1490 = arith.constant 192 : index
    %get3A_1491 = tpu.vector_load %arg12[%get3A_1490] {strides = array<i32>} : memref<1024xf32, #tpu.memory_space<vmem>>, vector<16xf32>,
    %get3A_1492 = vector.shape_cast %get3A_1491 : vector<16xf32> to vector<16xf32>
    %neg3A_1493 = arith.constant 0.000000e+00 : f32
    %neg3A_1494 = vector.broadcast %neg3A_1493 : f32 to vector<16xf32>
    %neg3A_1495 = arith.subf %neg3A_1494, %get3A_1489 : vector<16xf32>
    %sub3A_1496 = arith.constant 0.899999976 : f32
    %sub3A_1497 = vector.broadcast %sub3A_1496 : f32 to vector<16xf32>
    %sub3A_1498 = arith.subf %neg3A_1495, %sub3A_1497 : vector<16xf32>
    %div3A_1499 = arith.divf %get3A_1486, %get3A_1492 : vector<16xf32>
    %mul3A_1500 = arith.mulf %sub3A_1498, %div3A_1499 : vector<16xf32>
    %add3A_1501 = arith.addf %add3A_1481, %mul3A_1500 : vector<16xf32>
    %get3A_1502 = arith.constant 1 : i32
    %get3A_1503 = arith.index_cast %get3A_1502 : i32 to index
    %get3A_1504 = arith.constant 80 : index
    %get3A_1505 = tpu.vector_load %arg10[%get3A_1503, %get3A_1504] {strides = array<i32>} : memref<8x128xf32, #tpu.memory_space<vmem>>, vector<1x16xf32>,
    %get3A_1506 = vector.shape_cast %get3A_1505 : vector<1x16xf32> to vector<16xf32>
    %get3A_1507 = arith.constant 208 : index
    %get3A_1508 = tpu.vector_load %arg11[%get3A_1507] {strides = array<i32>} : memref<1024xf32, #tpu.memory_space<vmem>>, vector<16xf32>,
    %get3A_1509 = vector.shape_cast %get3A_1508 : vector<16xf32> to vector<16xf32>
    %get3A_1510 = arith.constant 208 : index
    %get3A_1511 = tpu.vector_load %arg12[%get3A_1510] {strides = array<i32>} : memref<1024xf32, #tpu.memory_space<vmem>>, vector<16xf32>,
    %get3A_1512 = vector.shape_cast %get3A_1511 : vector<16xf32> to vector<16xf32>
    %neg3A_1513 = arith.constant 0.000000e+00 : f32
    %neg3A_1514 = vector.broadcast %neg3A_1513 : f32 to vector<16xf32>
    %neg3A_1515 = arith.subf %neg3A_1514, %get3A_1509 : vector<16xf32>
    %sub3A_1516 = arith.constant 0.899999976 : f32
    %sub3A_1517 = vector.broadcast %sub3A_1516 : f32 to vector<16xf32>
    %sub3A_1518 = arith.subf %neg3A_1515, %sub3A_1517 : vector<16xf32>
    %div3A_1519 = arith.divf %get3A_1506, %get3A_1512 : vector<16xf32>
    %mul3A_1520 = arith.mulf %sub3A_1518, %div3A_1519 : vector<16xf32>
    %add3A_1521 = arith.addf %add3A_1501, %mul3A_1520 : vector<16xf32>
    %get3A_1522 = arith.constant 1 : i32
    %get3A_1523 = arith.index_cast %get3A_1522 : i32 to index
    %get3A_1524 = arith.constant 96 : index
    %get3A_1525 = tpu.vector_load %arg10[%get3A_1523, %get3A_1524] {strides = array<i32>} : memref<8x128xf32, #tpu.memory_space<vmem>>, vector<1x16xf32>,
    %get3A_1526 = vector.shape_cast %get3A_1525 : vector<1x16xf32> to vector<16xf32>
    %get3A_1527 = arith.constant 224 : index
    %get3A_1528 = tpu.vector_load %arg11[%get3A_1527] {strides = array<i32>} : memref<1024xf32, #tpu.memory_space<vmem>>, vector<16xf32>,
    %get3A_1529 = vector.shape_cast %get3A_1528 : vector<16xf32> to vector<16xf32>
    %get3A_1530 = arith.constant 224 : index
    %get3A_1531 = tpu.vector_load %arg12[%get3A_1530] {strides = array<i32>} : memref<1024xf32, #tpu.memory_space<vmem>>, vector<16xf32>,
    %get3A_1532 = vector.shape_cast %get3A_1531 : vector<16xf32> to vector<16xf32>
    %neg3A_1533 = arith.constant 0.000000e+00 : f32
    %neg3A_1534 = vector.broadcast %neg3A_1533 : f32 to vector<16xf32>
    %neg3A_1535 = arith.subf %neg3A_1534, %get3A_1529 : vector<16xf32>
    %sub3A_1536 = arith.constant 0.899999976 : f32
    %sub3A_1537 = vector.broadcast %sub3A_1536 : f32 to vector<16xf32>
    %sub3A_1538 = arith.subf %neg3A_1535, %sub3A_1537 : vector<16xf32>
    %div3A_1539 = arith.divf %get3A_1526, %get3A_1532 : vector<16xf32>
    %mul3A_1540 = arith.mulf %sub3A_1538, %div3A_1539 : vector<16xf32>
    %add3A_1541 = arith.addf %add3A_1521, %mul3A_1540 : vector<16xf32>
    %get3A_1542 = arith.constant 1 : i32
    %get3A_1543 = arith.index_cast %get3A_1542 : i32 to index
    %get3A_1544 = arith.constant 112 : index
    %get3A_1545 = tpu.vector_load %arg10[%get3A_1543, %get3A_1544] {strides = array<i32>} : memref<8x128xf32, #tpu.memory_space<vmem>>, vector<1x16xf32>,
    %get3A_1546 = vector.shape_cast %get3A_1545 : vector<1x16xf32> to vector<16xf32>
    %get3A_1547 = arith.constant 240 : index
    %get3A_1548 = tpu.vector_load %arg11[%get3A_1547] {strides = array<i32>} : memref<1024xf32, #tpu.memory_space<vmem>>, vector<16xf32>,
    %get3A_1549 = vector.shape_cast %get3A_1548 : vector<16xf32> to vector<16xf32>
    %get3A_1550 = arith.constant 240 : index
    %get3A_1551 = tpu.vector_load %arg12[%get3A_1550] {strides = array<i32>} : memref<1024xf32, #tpu.memory_space<vmem>>, vector<16xf32>,
    %get3A_1552 = vector.shape_cast %get3A_1551 : vector<16xf32> to vector<16xf32>
    %neg3A_1553 = arith.constant 0.000000e+00 : f32
    %neg3A_1554 = vector.broadcast %neg3A_1553 : f32 to vector<16xf32>
    %neg3A_1555 = arith.subf %neg3A_1554, %get3A_1549 : vector<16xf32>
    %sub3A_1556 = arith.constant 0.899999976 : f32
    %sub3A_1557 = vector.broadcast %sub3A_1556 : f32 to vector<16xf32>
    %sub3A_1558 = arith.subf %neg3A_1555, %sub3A_1557 : vector<16xf32>
    %div3A_1559 = arith.divf %get3A_1546, %get3A_1552 : vector<16xf32>
    %mul3A_1560 = arith.mulf %sub3A_1558, %div3A_1559 : vector<16xf32>
    %add3A_1561 = arith.addf %add3A_1541, %mul3A_1560 : vector<16xf32>
    %get3A_1562 = arith.constant 2 : i32
    %get3A_1563 = arith.index_cast %get3A_1562 : i32 to index
    %get3A_1564 = arith.constant 0 : index
    %get3A_1565 = tpu.vector_load %arg10[%get3A_1563, %get3A_1564] {strides = array<i32>} : memref<8x128xf32, #tpu.memory_space<vmem>>, vector<1x16xf32>,
    %get3A_1566 = vector.shape_cast %get3A_1565 : vector<1x16xf32> to vector<16xf32>
    %get3A_1567 = arith.constant 256 : index
    %get3A_1568 = tpu.vector_load %arg11[%get3A_1567] {strides = array<i32>} : memref<1024xf32, #tpu.memory_space<vmem>>, vector<16xf32>,
    %get3A_1569 = vector.shape_cast %get3A_1568 : vector<16xf32> to vector<16xf32>
    %get3A_1570 = arith.constant 256 : index
    %get3A_1571 = tpu.vector_load %arg12[%get3A_1570] {strides = array<i32>} : memref<1024xf32, #tpu.memory_space<vmem>>, vector<16xf32>,
    %get3A_1572 = vector.shape_cast %get3A_1571 : vector<16xf32> to vector<16xf32>
    %neg3A_1573 = arith.constant 0.000000e+00 : f32
    %neg3A_1574 = vector.broadcast %neg3A_1573 : f32 to vector<16xf32>
    %neg3A_1575 = arith.subf %neg3A_1574, %get3A_1569 : vector<16xf32>
    %sub3A_1576 = arith.constant 0.899999976 : f32
    %sub3A_1577 = vector.broadcast %sub3A_1576 : f32 to vector<16xf32>
    %sub3A_1578 = arith.subf %neg3A_1575, %sub3A_1577 : vector<16xf32>
    %div3A_1579 = arith.divf %get3A_1566, %get3A_1572 : vector<16xf32>
    %mul3A_1580 = arith.mulf %sub3A_1578, %div3A_1579 : vector<16xf32>
    %add3A_1581 = arith.addf %add3A_1561, %mul3A_1580 : vector<16xf32>
    %get3A_1582 = arith.constant 2 : i32
    %get3A_1583 = arith.index_cast %get3A_1582 : i32 to index
    %get3A_1584 = arith.constant 16 : index
    %get3A_1585 = tpu.vector_load %arg10[%get3A_1583, %get3A_1584] {strides = array<i32>} : memref<8x128xf32, #tpu.memory_space<vmem>>, vector<1x16xf32>,
    %get3A_1586 = vector.shape_cast %get3A_1585 : vector<1x16xf32> to vector<16xf32>
    %get3A_1587 = arith.constant 272 : index
    %get3A_1588 = tpu.vector_load %arg11[%get3A_1587] {strides = array<i32>} : memref<1024xf32, #tpu.memory_space<vmem>>, vector<16xf32>,
    %get3A_1589 = vector.shape_cast %get3A_1588 : vector<16xf32> to vector<16xf32>
    %get3A_1590 = arith.constant 272 : index
    %get3A_1591 = tpu.vector_load %arg12[%get3A_1590] {strides = array<i32>} : memref<1024xf32, #tpu.memory_space<vmem>>, vector<16xf32>,
    %get3A_1592 = vector.shape_cast %get3A_1591 : vector<16xf32> to vector<16xf32>
    %neg3A_1593 = arith.constant 0.000000e+00 : f32
    %neg3A_1594 = vector.broadcast %neg3A_1593 : f32 to vector<16xf32>
    %neg3A_1595 = arith.subf %neg3A_1594, %get3A_1589 : vector<16xf32>
    %sub3A_1596 = arith.constant 0.899999976 : f32
    %sub3A_1597 = vector.broadcast %sub3A_1596 : f32 to vector<16xf32>
    %sub3A_1598 = arith.subf %neg3A_1595, %sub3A_1597 : vector<16xf32>
    %div3A_1599 = arith.divf %get3A_1586, %get3A_1592 : vector<16xf32>
    %mul3A_1600 = arith.mulf %sub3A_1598, %div3A_1599 : vector<16xf32>
    %add3A_1601 = arith.addf %add3A_1581, %mul3A_1600 : vector<16xf32>
    %get3A_1602 = arith.constant 2 : i32
    %get3A_1603 = arith.index_cast %get3A_1602 : i32 to index
    %get3A_1604 = arith.constant 32 : index
    %get3A_1605 = tpu.vector_load %arg10[%get3A_1603, %get3A_1604] {strides = array<i32>} : memref<8x128xf32, #tpu.memory_space<vmem>>, vector<1x16xf32>,
    %get3A_1606 = vector.shape_cast %get3A_1605 : vector<1x16xf32> to vector<16xf32>
    %get3A_1607 = arith.constant 288 : index
    %get3A_1608 = tpu.vector_load %arg11[%get3A_1607] {strides = array<i32>} : memref<1024xf32, #tpu.memory_space<vmem>>, vector<16xf32>,
    %get3A_1609 = vector.shape_cast %get3A_1608 : vector<16xf32> to vector<16xf32>
    %get3A_1610 = arith.constant 288 : index
    %get3A_1611 = tpu.vector_load %arg12[%get3A_1610] {strides = array<i32>} : memref<1024xf32, #tpu.memory_space<vmem>>, vector<16xf32>,
    %get3A_1612 = vector.shape_cast %get3A_1611 : vector<16xf32> to vector<16xf32>
    %neg3A_1613 = arith.constant 0.000000e+00 : f32
    %neg3A_1614 = vector.broadcast %neg3A_1613 : f32 to vector<16xf32>
    %neg3A_1615 = arith.subf %neg3A_1614, %get3A_1609 : vector<16xf32>
    %sub3A_1616 = arith.constant 0.899999976 : f32
    %sub3A_1617 = vector.broadcast %sub3A_1616 : f32 to vector<16xf32>
    %sub3A_1618 = arith.subf %neg3A_1615, %sub3A_1617 : vector<16xf32>
    %div3A_1619 = arith.divf %get3A_1606, %get3A_1612 : vector<16xf32>
    %mul3A_1620 = arith.mulf %sub3A_1618, %div3A_1619 : vector<16xf32>
    %add3A_1621 = arith.addf %add3A_1601, %mul3A_1620 : vector<16xf32>
    %get3A_1622 = arith.constant 2 : i32
    %get3A_1623 = arith.index_cast %get3A_1622 : i32 to index
    %get3A_1624 = arith.constant 48 : index
    %get3A_1625 = tpu.vector_load %arg10[%get3A_1623, %get3A_1624] {strides = array<i32>} : memref<8x128xf32, #tpu.memory_space<vmem>>, vector<1x16xf32>,
    %get3A_1626 = vector.shape_cast %get3A_1625 : vector<1x16xf32> to vector<16xf32>
    %get3A_1627 = arith.constant 304 : index
    %get3A_1628 = tpu.vector_load %arg11[%get3A_1627] {strides = array<i32>} : memref<1024xf32, #tpu.memory_space<vmem>>, vector<16xf32>,
    %get3A_1629 = vector.shape_cast %get3A_1628 : vector<16xf32> to vector<16xf32>
    %get3A_1630 = arith.constant 304 : index
    %get3A_1631 = tpu.vector_load %arg12[%get3A_1630] {strides = array<i32>} : memref<1024xf32, #tpu.memory_space<vmem>>, vector<16xf32>,
    %get3A_1632 = vector.shape_cast %get3A_1631 : vector<16xf32> to vector<16xf32>
    %neg3A_1633 = arith.constant 0.000000e+00 : f32
    %neg3A_1634 = vector.broadcast %neg3A_1633 : f32 to vector<16xf32>
    %neg3A_1635 = arith.subf %neg3A_1634, %get3A_1629 : vector<16xf32>
    %sub3A_1636 = arith.constant 0.899999976 : f32
    %sub3A_1637 = vector.broadcast %sub3A_1636 : f32 to vector<16xf32>
    %sub3A_1638 = arith.subf %neg3A_1635, %sub3A_1637 : vector<16xf32>
    %div3A_1639 = arith.divf %get3A_1626, %get3A_1632 : vector<16xf32>
    %mul3A_1640 = arith.mulf %sub3A_1638, %div3A_1639 : vector<16xf32>
    %add3A_1641 = arith.addf %add3A_1621, %mul3A_1640 : vector<16xf32>
    %get3A_1642 = arith.constant 2 : i32
    %get3A_1643 = arith.index_cast %get3A_1642 : i32 to index
    %get3A_1644 = arith.constant 64 : index
    %get3A_1645 = tpu.vector_load %arg10[%get3A_1643, %get3A_1644] {strides = array<i32>} : memref<8x128xf32, #tpu.memory_space<vmem>>, vector<1x16xf32>,
    %get3A_1646 = vector.shape_cast %get3A_1645 : vector<1x16xf32> to vector<16xf32>
    %get3A_1647 = arith.constant 320 : index
    %get3A_1648 = tpu.vector_load %arg11[%get3A_1647] {strides = array<i32>} : memref<1024xf32, #tpu.memory_space<vmem>>, vector<16xf32>,
    %get3A_1649 = vector.shape_cast %get3A_1648 : vector<16xf32> to vector<16xf32>
    %get3A_1650 = arith.constant 320 : index
    %get3A_1651 = tpu.vector_load %arg12[%get3A_1650] {strides = array<i32>} : memref<1024xf32, #tpu.memory_space<vmem>>, vector<16xf32>,
    %get3A_1652 = vector.shape_cast %get3A_1651 : vector<16xf32> to vector<16xf32>
    %neg3A_1653 = arith.constant 0.000000e+00 : f32
    %neg3A_1654 = vector.broadcast %neg3A_1653 : f32 to vector<16xf32>
    %neg3A_1655 = arith.subf %neg3A_1654, %get3A_1649 : vector<16xf32>
    %sub3A_1656 = arith.constant 0.899999976 : f32
    %sub3A_1657 = vector.broadcast %sub3A_1656 : f32 to vector<16xf32>
    %sub3A_1658 = arith.subf %neg3A_1655, %sub3A_1657 : vector<16xf32>
    %div3A_1659 = arith.divf %get3A_1646, %get3A_1652 : vector<16xf32>
    %mul3A_1660 = arith.mulf %sub3A_1658, %div3A_1659 : vector<16xf32>
    %add3A_1661 = arith.addf %add3A_1641, %mul3A_1660 : vector<16xf32>
    %get3A_1662 = arith.constant 2 : i32
    %get3A_1663 = arith.index_cast %get3A_1662 : i32 to index
    %get3A_1664 = arith.constant 80 : index
    %get3A_1665 = tpu.vector_load %arg10[%get3A_1663, %get3A_1664] {strides = array<i32>} : memref<8x128xf32, #tpu.memory_space<vmem>>, vector<1x16xf32>,
    %get3A_1666 = vector.shape_cast %get3A_1665 : vector<1x16xf32> to vector<16xf32>
    %get3A_1667 = arith.constant 336 : index
    %get3A_1668 = tpu.vector_load %arg11[%get3A_1667] {strides = array<i32>} : memref<1024xf32, #tpu.memory_space<vmem>>, vector<16xf32>,
    %get3A_1669 = vector.shape_cast %get3A_1668 : vector<16xf32> to vector<16xf32>
    %get3A_1670 = arith.constant 336 : index
    %get3A_1671 = tpu.vector_load %arg12[%get3A_1670] {strides = array<i32>} : memref<1024xf32, #tpu.memory_space<vmem>>, vector<16xf32>,
    %get3A_1672 = vector.shape_cast %get3A_1671 : vector<16xf32> to vector<16xf32>
    %neg3A_1673 = arith.constant 0.000000e+00 : f32
    %neg3A_1674 = vector.broadcast %neg3A_1673 : f32 to vector<16xf32>
    %neg3A_1675 = arith.subf %neg3A_1674, %get3A_1669 : vector<16xf32>
    %sub3A_1676 = arith.constant 0.899999976 : f32
    %sub3A_1677 = vector.broadcast %sub3A_1676 : f32 to vector<16xf32>
    %sub3A_1678 = arith.subf %neg3A_1675, %sub3A_1677 : vector<16xf32>
    %div3A_1679 = arith.divf %get3A_1666, %get3A_1672 : vector<16xf32>
    %mul3A_1680 = arith.mulf %sub3A_1678, %div3A_1679 : vector<16xf32>
    %add3A_1681 = arith.addf %add3A_1661, %mul3A_1680 : vector<16xf32>
    %get3A_1682 = arith.constant 2 : i32
    %get3A_1683 = arith.index_cast %get3A_1682 : i32 to index
    %get3A_1684 = arith.constant 96 : index
    %get3A_1685 = tpu.vector_load %arg10[%get3A_1683, %get3A_1684] {strides = array<i32>} : memref<8x128xf32, #tpu.memory_space<vmem>>, vector<1x16xf32>,
    %get3A_1686 = vector.shape_cast %get3A_1685 : vector<1x16xf32> to vector<16xf32>
    %get3A_1687 = arith.constant 352 : index
    %get3A_1688 = tpu.vector_load %arg11[%get3A_1687] {strides = array<i32>} : memref<1024xf32, #tpu.memory_space<vmem>>, vector<16xf32>,
    %get3A_1689 = vector.shape_cast %get3A_1688 : vector<16xf32> to vector<16xf32>
    %get3A_1690 = arith.constant 352 : index
    %get3A_1691 = tpu.vector_load %arg12[%get3A_1690] {strides = array<i32>} : memref<1024xf32, #tpu.memory_space<vmem>>, vector<16xf32>,
    %get3A_1692 = vector.shape_cast %get3A_1691 : vector<16xf32> to vector<16xf32>
    %neg3A_1693 = arith.constant 0.000000e+00 : f32
    %neg3A_1694 = vector.broadcast %neg3A_1693 : f32 to vector<16xf32>
    %neg3A_1695 = arith.subf %neg3A_1694, %get3A_1689 : vector<16xf32>
    %sub3A_1696 = arith.constant 0.899999976 : f32
    %sub3A_1697 = vector.broadcast %sub3A_1696 : f32 to vector<16xf32>
    %sub3A_1698 = arith.subf %neg3A_1695, %sub3A_1697 : vector<16xf32>
    %div3A_1699 = arith.divf %get3A_1686, %get3A_1692 : vector<16xf32>
    %mul3A_1700 = arith.mulf %sub3A_1698, %div3A_1699 : vector<16xf32>
    %add3A_1701 = arith.addf %add3A_1681, %mul3A_1700 : vector<16xf32>
    %get3A_1702 = arith.constant 2 : i32
    %get3A_1703 = arith.index_cast %get3A_1702 : i32 to index
    %get3A_1704 = arith.constant 112 : index
    %get3A_1705 = tpu.vector_load %arg10[%get3A_1703, %get3A_1704] {strides = array<i32>} : memref<8x128xf32, #tpu.memory_space<vmem>>, vector<1x16xf32>,
    %get3A_1706 = vector.shape_cast %get3A_1705 : vector<1x16xf32> to vector<16xf32>
    %get3A_1707 = arith.constant 368 : index
    %get3A_1708 = tpu.vector_load %arg11[%get3A_1707] {strides = array<i32>} : memref<1024xf32, #tpu.memory_space<vmem>>, vector<16xf32>,
    %get3A_1709 = vector.shape_cast %get3A_1708 : vector<16xf32> to vector<16xf32>
    %get3A_1710 = arith.constant 368 : index
    %get3A_1711 = tpu.vector_load %arg12[%get3A_1710] {strides = array<i32>} : memref<1024xf32, #tpu.memory_space<vmem>>, vector<16xf32>,
    %get3A_1712 = vector.shape_cast %get3A_1711 : vector<16xf32> to vector<16xf32>
    %neg3A_1713 = arith.constant 0.000000e+00 : f32
    %neg3A_1714 = vector.broadcast %neg3A_1713 : f32 to vector<16xf32>
    %neg3A_1715 = arith.subf %neg3A_1714, %get3A_1709 : vector<16xf32>
    %sub3A_1716 = arith.constant 0.899999976 : f32
    %sub3A_1717 = vector.broadcast %sub3A_1716 : f32 to vector<16xf32>
    %sub3A_1718 = arith.subf %neg3A_1715, %sub3A_1717 : vector<16xf32>
    %div3A_1719 = arith.divf %get3A_1706, %get3A_1712 : vector<16xf32>
    %mul3A_1720 = arith.mulf %sub3A_1718, %div3A_1719 : vector<16xf32>
    %add3A_1721 = arith.addf %add3A_1701, %mul3A_1720 : vector<16xf32>
    %get3A_1722 = arith.constant 3 : i32
    %get3A_1723 = arith.index_cast %get3A_1722 : i32 to index
    %get3A_1724 = arith.constant 0 : index
    %get3A_1725 = tpu.vector_load %arg10[%get3A_1723, %get3A_1724] {strides = array<i32>} : memref<8x128xf32, #tpu.memory_space<vmem>>, vector<1x16xf32>,
    %get3A_1726 = vector.shape_cast %get3A_1725 : vector<1x16xf32> to vector<16xf32>
    %get3A_1727 = arith.constant 384 : index
    %get3A_1728 = tpu.vector_load %arg11[%get3A_1727] {strides = array<i32>} : memref<1024xf32, #tpu.memory_space<vmem>>, vector<16xf32>,
    %get3A_1729 = vector.shape_cast %get3A_1728 : vector<16xf32> to vector<16xf32>
    %get3A_1730 = arith.constant 384 : index
    %get3A_1731 = tpu.vector_load %arg12[%get3A_1730] {strides = array<i32>} : memref<1024xf32, #tpu.memory_space<vmem>>, vector<16xf32>,
    %get3A_1732 = vector.shape_cast %get3A_1731 : vector<16xf32> to vector<16xf32>
    %neg3A_1733 = arith.constant 0.000000e+00 : f32
    %neg3A_1734 = vector.broadcast %neg3A_1733 : f32 to vector<16xf32>
    %neg3A_1735 = arith.subf %neg3A_1734, %get3A_1729 : vector<16xf32>
    %sub3A_1736 = arith.constant 0.899999976 : f32
    %sub3A_1737 = vector.broadcast %sub3A_1736 : f32 to vector<16xf32>
    %sub3A_1738 = arith.subf %neg3A_1735, %sub3A_1737 : vector<16xf32>
    %div3A_1739 = arith.divf %get3A_1726, %get3A_1732 : vector<16xf32>
    %mul3A_1740 = arith.mulf %sub3A_1738, %div3A_1739 : vector<16xf32>
    %add3A_1741 = arith.addf %add3A_1721, %mul3A_1740 : vector<16xf32>
    %get3A_1742 = arith.constant 3 : i32
    %get3A_1743 = arith.index_cast %get3A_1742 : i32 to index
    %get3A_1744 = arith.constant 16 : index
    %get3A_1745 = tpu.vector_load %arg10[%get3A_1743, %get3A_1744] {strides = array<i32>} : memref<8x128xf32, #tpu.memory_space<vmem>>, vector<1x16xf32>,
    %get3A_1746 = vector.shape_cast %get3A_1745 : vector<1x16xf32> to vector<16xf32>
    %get3A_1747 = arith.constant 400 : index
    %get3A_1748 = tpu.vector_load %arg11[%get3A_1747] {strides = array<i32>} : memref<1024xf32, #tpu.memory_space<vmem>>, vector<16xf32>,
    %get3A_1749 = vector.shape_cast %get3A_1748 : vector<16xf32> to vector<16xf32>
    %get3A_1750 = arith.constant 400 : index
    %get3A_1751 = tpu.vector_load %arg12[%get3A_1750] {strides = array<i32>} : memref<1024xf32, #tpu.memory_space<vmem>>, vector<16xf32>,
    %get3A_1752 = vector.shape_cast %get3A_1751 : vector<16xf32> to vector<16xf32>
    %neg3A_1753 = arith.constant 0.000000e+00 : f32
    %neg3A_1754 = vector.broadcast %neg3A_1753 : f32 to vector<16xf32>
    %neg3A_1755 = arith.subf %neg3A_1754, %get3A_1749 : vector<16xf32>
    %sub3A_1756 = arith.constant 0.899999976 : f32
    %sub3A_1757 = vector.broadcast %sub3A_1756 : f32 to vector<16xf32>
    %sub3A_1758 = arith.subf %neg3A_1755, %sub3A_1757 : vector<16xf32>
    %div3A_1759 = arith.divf %get3A_1746, %get3A_1752 : vector<16xf32>
    %mul3A_1760 = arith.mulf %sub3A_1758, %div3A_1759 : vector<16xf32>
    %add3A_1761 = arith.addf %add3A_1741, %mul3A_1760 : vector<16xf32>
    %get3A_1762 = arith.constant 3 : i32
    %get3A_1763 = arith.index_cast %get3A_1762 : i32 to index
    %get3A_1764 = arith.constant 32 : index
    %get3A_1765 = tpu.vector_load %arg10[%get3A_1763, %get3A_1764] {strides = array<i32>} : memref<8x128xf32, #tpu.memory_space<vmem>>, vector<1x16xf32>,
    %get3A_1766 = vector.shape_cast %get3A_1765 : vector<1x16xf32> to vector<16xf32>
    %get3A_1767 = arith.constant 416 : index
    %get3A_1768 = tpu.vector_load %arg11[%get3A_1767] {strides = array<i32>} : memref<1024xf32, #tpu.memory_space<vmem>>, vector<16xf32>,
    %get3A_1769 = vector.shape_cast %get3A_1768 : vector<16xf32> to vector<16xf32>
    %get3A_1770 = arith.constant 416 : index
    %get3A_1771 = tpu.vector_load %arg12[%get3A_1770] {strides = array<i32>} : memref<1024xf32, #tpu.memory_space<vmem>>, vector<16xf32>,
    %get3A_1772 = vector.shape_cast %get3A_1771 : vector<16xf32> to vector<16xf32>
    %neg3A_1773 = arith.constant 0.000000e+00 : f32
    %neg3A_1774 = vector.broadcast %neg3A_1773 : f32 to vector<16xf32>
    %neg3A_1775 = arith.subf %neg3A_1774, %get3A_1769 : vector<16xf32>
    %sub3A_1776 = arith.constant 0.899999976 : f32
    %sub3A_1777 = vector.broadcast %sub3A_1776 : f32 to vector<16xf32>
    %sub3A_1778 = arith.subf %neg3A_1775, %sub3A_1777 : vector<16xf32>
    %div3A_1779 = arith.divf %get3A_1766, %get3A_1772 : vector<16xf32>
    %mul3A_1780 = arith.mulf %sub3A_1778, %div3A_1779 : vector<16xf32>
    %add3A_1781 = arith.addf %add3A_1761, %mul3A_1780 : vector<16xf32>
    %get3A_1782 = arith.constant 3 : i32
    %get3A_1783 = arith.index_cast %get3A_1782 : i32 to index
    %get3A_1784 = arith.constant 48 : index
    %get3A_1785 = tpu.vector_load %arg10[%get3A_1783, %get3A_1784] {strides = array<i32>} : memref<8x128xf32, #tpu.memory_space<vmem>>, vector<1x16xf32>,
    %get3A_1786 = vector.shape_cast %get3A_1785 : vector<1x16xf32> to vector<16xf32>
    %get3A_1787 = arith.constant 432 : index
    %get3A_1788 = tpu.vector_load %arg11[%get3A_1787] {strides = array<i32>} : memref<1024xf32, #tpu.memory_space<vmem>>, vector<16xf32>,
    %get3A_1789 = vector.shape_cast %get3A_1788 : vector<16xf32> to vector<16xf32>
    %get3A_1790 = arith.constant 432 : index
    %get3A_1791 = tpu.vector_load %arg12[%get3A_1790] {strides = array<i32>} : memref<1024xf32, #tpu.memory_space<vmem>>, vector<16xf32>,
    %get3A_1792 = vector.shape_cast %get3A_1791 : vector<16xf32> to vector<16xf32>
    %neg3A_1793 = arith.constant 0.000000e+00 : f32
    %neg3A_1794 = vector.broadcast %neg3A_1793 : f32 to vector<16xf32>
    %neg3A_1795 = arith.subf %neg3A_1794, %get3A_1789 : vector<16xf32>
    %sub3A_1796 = arith.constant 0.899999976 : f32
    %sub3A_1797 = vector.broadcast %sub3A_1796 : f32 to vector<16xf32>
    %sub3A_1798 = arith.subf %neg3A_1795, %sub3A_1797 : vector<16xf32>
    %div3A_1799 = arith.divf %get3A_1786, %get3A_1792 : vector<16xf32>
    %mul3A_1800 = arith.mulf %sub3A_1798, %div3A_1799 : vector<16xf32>
    %add3A_1801 = arith.addf %add3A_1781, %mul3A_1800 : vector<16xf32>
    %get3A_1802 = arith.constant 3 : i32
    %get3A_1803 = arith.index_cast %get3A_1802 : i32 to index
    %get3A_1804 = arith.constant 64 : index
    %get3A_1805 = tpu.vector_load %arg10[%get3A_1803, %get3A_1804] {strides = array<i32>} : memref<8x128xf32, #tpu.memory_space<vmem>>, vector<1x16xf32>,
    %get3A_1806 = vector.shape_cast %get3A_1805 : vector<1x16xf32> to vector<16xf32>
    %get3A_1807 = arith.constant 448 : index
    %get3A_1808 = tpu.vector_load %arg11[%get3A_1807] {strides = array<i32>} : memref<1024xf32, #tpu.memory_space<vmem>>, vector<16xf32>,
    %get3A_1809 = vector.shape_cast %get3A_1808 : vector<16xf32> to vector<16xf32>
    %get3A_1810 = arith.constant 448 : index
    %get3A_1811 = tpu.vector_load %arg12[%get3A_1810] {strides = array<i32>} : memref<1024xf32, #tpu.memory_space<vmem>>, vector<16xf32>,
    %get3A_1812 = vector.shape_cast %get3A_1811 : vector<16xf32> to vector<16xf32>
    %neg3A_1813 = arith.constant 0.000000e+00 : f32
    %neg3A_1814 = vector.broadcast %neg3A_1813 : f32 to vector<16xf32>
    %neg3A_1815 = arith.subf %neg3A_1814, %get3A_1809 : vector<16xf32>
    %sub3A_1816 = arith.constant 0.899999976 : f32
    %sub3A_1817 = vector.broadcast %sub3A_1816 : f32 to vector<16xf32>
    %sub3A_1818 = arith.subf %neg3A_1815, %sub3A_1817 : vector<16xf32>
    %div3A_1819 = arith.divf %get3A_1806, %get3A_1812 : vector<16xf32>
    %mul3A_1820 = arith.mulf %sub3A_1818, %div3A_1819 : vector<16xf32>
    %add3A_1821 = arith.addf %add3A_1801, %mul3A_1820 : vector<16xf32>
    %get3A_1822 = arith.constant 3 : i32
    %get3A_1823 = arith.index_cast %get3A_1822 : i32 to index
    %get3A_1824 = arith.constant 80 : index
    %get3A_1825 = tpu.vector_load %arg10[%get3A_1823, %get3A_1824] {strides = array<i32>} : memref<8x128xf32, #tpu.memory_space<vmem>>, vector<1x16xf32>,
    %get3A_1826 = vector.shape_cast %get3A_1825 : vector<1x16xf32> to vector<16xf32>
    %get3A_1827 = arith.constant 464 : index
    %get3A_1828 = tpu.vector_load %arg11[%get3A_1827] {strides = array<i32>} : memref<1024xf32, #tpu.memory_space<vmem>>, vector<16xf32>,
    %get3A_1829 = vector.shape_cast %get3A_1828 : vector<16xf32> to vector<16xf32>
    %get3A_1830 = arith.constant 464 : index
    %get3A_1831 = tpu.vector_load %arg12[%get3A_1830] {strides = array<i32>} : memref<1024xf32, #tpu.memory_space<vmem>>, vector<16xf32>,
    %get3A_1832 = vector.shape_cast %get3A_1831 : vector<16xf32> to vector<16xf32>
    %neg3A_1833 = arith.constant 0.000000e+00 : f32
    %neg3A_1834 = vector.broadcast %neg3A_1833 : f32 to vector<16xf32>
    %neg3A_1835 = arith.subf %neg3A_1834, %get3A_1829 : vector<16xf32>
    %sub3A_1836 = arith.constant 0.899999976 : f32
    %sub3A_1837 = vector.broadcast %sub3A_1836 : f32 to vector<16xf32>
    %sub3A_1838 = arith.subf %neg3A_1835, %sub3A_1837 : vector<16xf32>
    %div3A_1839 = arith.divf %get3A_1826, %get3A_1832 : vector<16xf32>
    %mul3A_1840 = arith.mulf %sub3A_1838, %div3A_1839 : vector<16xf32>
    %add3A_1841 = arith.addf %add3A_1821, %mul3A_1840 : vector<16xf32>
    %get3A_1842 = arith.constant 3 : i32
    %get3A_1843 = arith.index_cast %get3A_1842 : i32 to index
    %get3A_1844 = arith.constant 96 : index
    %get3A_1845 = tpu.vector_load %arg10[%get3A_1843, %get3A_1844] {strides = array<i32>} : memref<8x128xf32, #tpu.memory_space<vmem>>, vector<1x16xf32>,
    %get3A_1846 = vector.shape_cast %get3A_1845 : vector<1x16xf32> to vector<16xf32>
    %get3A_1847 = arith.constant 480 : index
    %get3A_1848 = tpu.vector_load %arg11[%get3A_1847] {strides = array<i32>} : memref<1024xf32, #tpu.memory_space<vmem>>, vector<16xf32>,
    %get3A_1849 = vector.shape_cast %get3A_1848 : vector<16xf32> to vector<16xf32>
    %get3A_1850 = arith.constant 480 : index
    %get3A_1851 = tpu.vector_load %arg12[%get3A_1850] {strides = array<i32>} : memref<1024xf32, #tpu.memory_space<vmem>>, vector<16xf32>,
    %get3A_1852 = vector.shape_cast %get3A_1851 : vector<16xf32> to vector<16xf32>
    %neg3A_1853 = arith.constant 0.000000e+00 : f32
    %neg3A_1854 = vector.broadcast %neg3A_1853 : f32 to vector<16xf32>
    %neg3A_1855 = arith.subf %neg3A_1854, %get3A_1849 : vector<16xf32>
    %sub3A_1856 = arith.constant 0.899999976 : f32
    %sub3A_1857 = vector.broadcast %sub3A_1856 : f32 to vector<16xf32>
    %sub3A_1858 = arith.subf %neg3A_1855, %sub3A_1857 : vector<16xf32>
    %div3A_1859 = arith.divf %get3A_1846, %get3A_1852 : vector<16xf32>
    %mul3A_1860 = arith.mulf %sub3A_1858, %div3A_1859 : vector<16xf32>
    %add3A_1861 = arith.addf %add3A_1841, %mul3A_1860 : vector<16xf32>
    %get3A_1862 = arith.constant 3 : i32
    %get3A_1863 = arith.index_cast %get3A_1862 : i32 to index
    %get3A_1864 = arith.constant 112 : index
    %get3A_1865 = tpu.vector_load %arg10[%get3A_1863, %get3A_1864] {strides = array<i32>} : memref<8x128xf32, #tpu.memory_space<vmem>>, vector<1x16xf32>,
    %get3A_1866 = vector.shape_cast %get3A_1865 : vector<1x16xf32> to vector<16xf32>
    %get3A_1867 = arith.constant 496 : index
    %get3A_1868 = tpu.vector_load %arg11[%get3A_1867] {strides = array<i32>} : memref<1024xf32, #tpu.memory_space<vmem>>, vector<16xf32>,
    %get3A_1869 = vector.shape_cast %get3A_1868 : vector<16xf32> to vector<16xf32>
    %get3A_1870 = arith.constant 496 : index
    %get3A_1871 = tpu.vector_load %arg12[%get3A_1870] {strides = array<i32>} : memref<1024xf32, #tpu.memory_space<vmem>>, vector<16xf32>,
    %get3A_1872 = vector.shape_cast %get3A_1871 : vector<16xf32> to vector<16xf32>
    %neg3A_1873 = arith.constant 0.000000e+00 : f32
    %neg3A_1874 = vector.broadcast %neg3A_1873 : f32 to vector<16xf32>
    %neg3A_1875 = arith.subf %neg3A_1874, %get3A_1869 : vector<16xf32>
    %sub3A_1876 = arith.constant 0.899999976 : f32
    %sub3A_1877 = vector.broadcast %sub3A_1876 : f32 to vector<16xf32>
    %sub3A_1878 = arith.subf %neg3A_1875, %sub3A_1877 : vector<16xf32>
    %div3A_1879 = arith.divf %get3A_1866, %get3A_1872 : vector<16xf32>
    %mul3A_1880 = arith.mulf %sub3A_1878, %div3A_1879 : vector<16xf32>
    %add3A_1881 = arith.addf %add3A_1861, %mul3A_1880 : vector<16xf32>
    %get3A_1882 = arith.constant 4 : i32
    %get3A_1883 = arith.index_cast %get3A_1882 : i32 to index
    %get3A_1884 = arith.constant 0 : index
    %get3A_1885 = tpu.vector_load %arg10[%get3A_1883, %get3A_1884] {strides = array<i32>} : memref<8x128xf32, #tpu.memory_space<vmem>>, vector<1x16xf32>,
    %get3A_1886 = vector.shape_cast %get3A_1885 : vector<1x16xf32> to vector<16xf32>
    %get3A_1887 = arith.constant 512 : index
    %get3A_1888 = tpu.vector_load %arg11[%get3A_1887] {strides = array<i32>} : memref<1024xf32, #tpu.memory_space<vmem>>, vector<16xf32>,
    %get3A_1889 = vector.shape_cast %get3A_1888 : vector<16xf32> to vector<16xf32>
    %get3A_1890 = arith.constant 512 : index
    %get3A_1891 = tpu.vector_load %arg12[%get3A_1890] {strides = array<i32>} : memref<1024xf32, #tpu.memory_space<vmem>>, vector<16xf32>,
    %get3A_1892 = vector.shape_cast %get3A_1891 : vector<16xf32> to vector<16xf32>
    %neg3A_1893 = arith.constant 0.000000e+00 : f32
    %neg3A_1894 = vector.broadcast %neg3A_1893 : f32 to vector<16xf32>
    %neg3A_1895 = arith.subf %neg3A_1894, %get3A_1889 : vector<16xf32>
    %sub3A_1896 = arith.constant 0.899999976 : f32
    %sub3A_1897 = vector.broadcast %sub3A_1896 : f32 to vector<16xf32>
    %sub3A_1898 = arith.subf %neg3A_1895, %sub3A_1897 : vector<16xf32>
    %div3A_1899 = arith.divf %get3A_1886, %get3A_1892 : vector<16xf32>
    %mul3A_1900 = arith.mulf %sub3A_1898, %div3A_1899 : vector<16xf32>
    %add3A_1901 = arith.addf %add3A_1881, %mul3A_1900 : vector<16xf32>
    %get3A_1902 = arith.constant 4 : i32
    %get3A_1903 = arith.index_cast %get3A_1902 : i32 to index
    %get3A_1904 = arith.constant 16 : index
    %get3A_1905 = tpu.vector_load %arg10[%get3A_1903, %get3A_1904] {strides = array<i32>} : memref<8x128xf32, #tpu.memory_space<vmem>>, vector<1x16xf32>,
    %get3A_1906 = vector.shape_cast %get3A_1905 : vector<1x16xf32> to vector<16xf32>
    %get3A_1907 = arith.constant 528 : index
    %get3A_1908 = tpu.vector_load %arg11[%get3A_1907] {strides = array<i32>} : memref<1024xf32, #tpu.memory_space<vmem>>, vector<16xf32>,
    %get3A_1909 = vector.shape_cast %get3A_1908 : vector<16xf32> to vector<16xf32>
    %get3A_1910 = arith.constant 528 : index
    %get3A_1911 = tpu.vector_load %arg12[%get3A_1910] {strides = array<i32>} : memref<1024xf32, #tpu.memory_space<vmem>>, vector<16xf32>,
    %get3A_1912 = vector.shape_cast %get3A_1911 : vector<16xf32> to vector<16xf32>
    %neg3A_1913 = arith.constant 0.000000e+00 : f32
    %neg3A_1914 = vector.broadcast %neg3A_1913 : f32 to vector<16xf32>
    %neg3A_1915 = arith.subf %neg3A_1914, %get3A_1909 : vector<16xf32>
    %sub3A_1916 = arith.constant 0.899999976 : f32
    %sub3A_1917 = vector.broadcast %sub3A_1916 : f32 to vector<16xf32>
    %sub3A_1918 = arith.subf %neg3A_1915, %sub3A_1917 : vector<16xf32>
    %div3A_1919 = arith.divf %get3A_1906, %get3A_1912 : vector<16xf32>
    %mul3A_1920 = arith.mulf %sub3A_1918, %div3A_1919 : vector<16xf32>
    %add3A_1921 = arith.addf %add3A_1901, %mul3A_1920 : vector<16xf32>
    %get3A_1922 = arith.constant 4 : i32
    %get3A_1923 = arith.index_cast %get3A_1922 : i32 to index
    %get3A_1924 = arith.constant 32 : index
    %get3A_1925 = tpu.vector_load %arg10[%get3A_1923, %get3A_1924] {strides = array<i32>} : memref<8x128xf32, #tpu.memory_space<vmem>>, vector<1x16xf32>,
    %get3A_1926 = vector.shape_cast %get3A_1925 : vector<1x16xf32> to vector<16xf32>
    %get3A_1927 = arith.constant 544 : index
    %get3A_1928 = tpu.vector_load %arg11[%get3A_1927] {strides = array<i32>} : memref<1024xf32, #tpu.memory_space<vmem>>, vector<16xf32>,
    %get3A_1929 = vector.shape_cast %get3A_1928 : vector<16xf32> to vector<16xf32>
    %get3A_1930 = arith.constant 544 : index
    %get3A_1931 = tpu.vector_load %arg12[%get3A_1930] {strides = array<i32>} : memref<1024xf32, #tpu.memory_space<vmem>>, vector<16xf32>,
    %get3A_1932 = vector.shape_cast %get3A_1931 : vector<16xf32> to vector<16xf32>
    %neg3A_1933 = arith.constant 0.000000e+00 : f32
    %neg3A_1934 = vector.broadcast %neg3A_1933 : f32 to vector<16xf32>
    %neg3A_1935 = arith.subf %neg3A_1934, %get3A_1929 : vector<16xf32>
    %sub3A_1936 = arith.constant 0.899999976 : f32
    %sub3A_1937 = vector.broadcast %sub3A_1936 : f32 to vector<16xf32>
    %sub3A_1938 = arith.subf %neg3A_1935, %sub3A_1937 : vector<16xf32>
    %div3A_1939 = arith.divf %get3A_1926, %get3A_1932 : vector<16xf32>
    %mul3A_1940 = arith.mulf %sub3A_1938, %div3A_1939 : vector<16xf32>
    %add3A_1941 = arith.addf %add3A_1921, %mul3A_1940 : vector<16xf32>
    %get3A_1942 = arith.constant 4 : i32
    %get3A_1943 = arith.index_cast %get3A_1942 : i32 to index
    %get3A_1944 = arith.constant 48 : index
    %get3A_1945 = tpu.vector_load %arg10[%get3A_1943, %get3A_1944] {strides = array<i32>} : memref<8x128xf32, #tpu.memory_space<vmem>>, vector<1x16xf32>,
    %get3A_1946 = vector.shape_cast %get3A_1945 : vector<1x16xf32> to vector<16xf32>
    %get3A_1947 = arith.constant 560 : index
    %get3A_1948 = tpu.vector_load %arg11[%get3A_1947] {strides = array<i32>} : memref<1024xf32, #tpu.memory_space<vmem>>, vector<16xf32>,
    %get3A_1949 = vector.shape_cast %get3A_1948 : vector<16xf32> to vector<16xf32>
    %get3A_1950 = arith.constant 560 : index
    %get3A_1951 = tpu.vector_load %arg12[%get3A_1950] {strides = array<i32>} : memref<1024xf32, #tpu.memory_space<vmem>>, vector<16xf32>,
    %get3A_1952 = vector.shape_cast %get3A_1951 : vector<16xf32> to vector<16xf32>
    %neg3A_1953 = arith.constant 0.000000e+00 : f32
    %neg3A_1954 = vector.broadcast %neg3A_1953 : f32 to vector<16xf32>
    %neg3A_1955 = arith.subf %neg3A_1954, %get3A_1949 : vector<16xf32>
    %sub3A_1956 = arith.constant 0.899999976 : f32
    %sub3A_1957 = vector.broadcast %sub3A_1956 : f32 to vector<16xf32>
    %sub3A_1958 = arith.subf %neg3A_1955, %sub3A_1957 : vector<16xf32>
    %div3A_1959 = arith.divf %get3A_1946, %get3A_1952 : vector<16xf32>
    %mul3A_1960 = arith.mulf %sub3A_1958, %div3A_1959 : vector<16xf32>
    %add3A_1961 = arith.addf %add3A_1941, %mul3A_1960 : vector<16xf32>
    %get3A_1962 = arith.constant 4 : i32
    %get3A_1963 = arith.index_cast %get3A_1962 : i32 to index
    %get3A_1964 = arith.constant 64 : index
    %get3A_1965 = tpu.vector_load %arg10[%get3A_1963, %get3A_1964] {strides = array<i32>} : memref<8x128xf32, #tpu.memory_space<vmem>>, vector<1x16xf32>,
    %get3A_1966 = vector.shape_cast %get3A_1965 : vector<1x16xf32> to vector<16xf32>
    %get3A_1967 = arith.constant 576 : index
    %get3A_1968 = tpu.vector_load %arg11[%get3A_1967] {strides = array<i32>} : memref<1024xf32, #tpu.memory_space<vmem>>, vector<16xf32>,
    %get3A_1969 = vector.shape_cast %get3A_1968 : vector<16xf32> to vector<16xf32>
    %get3A_1970 = arith.constant 576 : index
    %get3A_1971 = tpu.vector_load %arg12[%get3A_1970] {strides = array<i32>} : memref<1024xf32, #tpu.memory_space<vmem>>, vector<16xf32>,
    %get3A_1972 = vector.shape_cast %get3A_1971 : vector<16xf32> to vector<16xf32>
    %neg3A_1973 = arith.constant 0.000000e+00 : f32
    %neg3A_1974 = vector.broadcast %neg3A_1973 : f32 to vector<16xf32>
    %neg3A_1975 = arith.subf %neg3A_1974, %get3A_1969 : vector<16xf32>
    %sub3A_1976 = arith.constant 0.899999976 : f32
    %sub3A_1977 = vector.broadcast %sub3A_1976 : f32 to vector<16xf32>
    %sub3A_1978 = arith.subf %neg3A_1975, %sub3A_1977 : vector<16xf32>
    %div3A_1979 = arith.divf %get3A_1966, %get3A_1972 : vector<16xf32>
    %mul3A_1980 = arith.mulf %sub3A_1978, %div3A_1979 : vector<16xf32>
    %add3A_1981 = arith.addf %add3A_1961, %mul3A_1980 : vector<16xf32>
    %get3A_1982 = arith.constant 4 : i32
    %get3A_1983 = arith.index_cast %get3A_1982 : i32 to index
    %get3A_1984 = arith.constant 80 : index
    %get3A_1985 = tpu.vector_load %arg10[%get3A_1983, %get3A_1984] {strides = array<i32>} : memref<8x128xf32, #tpu.memory_space<vmem>>, vector<1x16xf32>,
    %get3A_1986 = vector.shape_cast %get3A_1985 : vector<1x16xf32> to vector<16xf32>
    %get3A_1987 = arith.constant 592 : index
    %get3A_1988 = tpu.vector_load %arg11[%get3A_1987] {strides = array<i32>} : memref<1024xf32, #tpu.memory_space<vmem>>, vector<16xf32>,
    %get3A_1989 = vector.shape_cast %get3A_1988 : vector<16xf32> to vector<16xf32>
    %get3A_1990 = arith.constant 592 : index
    %get3A_1991 = tpu.vector_load %arg12[%get3A_1990] {strides = array<i32>} : memref<1024xf32, #tpu.memory_space<vmem>>, vector<16xf32>,
    %get3A_1992 = vector.shape_cast %get3A_1991 : vector<16xf32> to vector<16xf32>
    %neg3A_1993 = arith.constant 0.000000e+00 : f32
    %neg3A_1994 = vector.broadcast %neg3A_1993 : f32 to vector<16xf32>
    %neg3A_1995 = arith.subf %neg3A_1994, %get3A_1989 : vector<16xf32>
    %sub3A_1996 = arith.constant 0.899999976 : f32
    %sub3A_1997 = vector.broadcast %sub3A_1996 : f32 to vector<16xf32>
    %sub3A_1998 = arith.subf %neg3A_1995, %sub3A_1997 : vector<16xf32>
    %div3A_1999 = arith.divf %get3A_1986, %get3A_1992 : vector<16xf32>
    %mul3A_2000 = arith.mulf %sub3A_1998, %div3A_1999 : vector<16xf32>
    %add3A_2001 = arith.addf %add3A_1981, %mul3A_2000 : vector<16xf32>
    %get3A_2002 = arith.constant 4 : i32
    %get3A_2003 = arith.index_cast %get3A_2002 : i32 to index
    %get3A_2004 = arith.constant 96 : index
    %get3A_2005 = tpu.vector_load %arg10[%get3A_2003, %get3A_2004] {strides = array<i32>} : memref<8x128xf32, #tpu.memory_space<vmem>>, vector<1x16xf32>,
    %get3A_2006 = vector.shape_cast %get3A_2005 : vector<1x16xf32> to vector<16xf32>
    %get3A_2007 = arith.constant 608 : index
    %get3A_2008 = tpu.vector_load %arg11[%get3A_2007] {strides = array<i32>} : memref<1024xf32, #tpu.memory_space<vmem>>, vector<16xf32>,
    %get3A_2009 = vector.shape_cast %get3A_2008 : vector<16xf32> to vector<16xf32>
    %get3A_2010 = arith.constant 608 : index
    %get3A_2011 = tpu.vector_load %arg12[%get3A_2010] {strides = array<i32>} : memref<1024xf32, #tpu.memory_space<vmem>>, vector<16xf32>,
    %get3A_2012 = vector.shape_cast %get3A_2011 : vector<16xf32> to vector<16xf32>
    %neg3A_2013 = arith.constant 0.000000e+00 : f32
    %neg3A_2014 = vector.broadcast %neg3A_2013 : f32 to vector<16xf32>
    %neg3A_2015 = arith.subf %neg3A_2014, %get3A_2009 : vector<16xf32>
    %sub3A_2016 = arith.constant 0.899999976 : f32
    %sub3A_2017 = vector.broadcast %sub3A_2016 : f32 to vector<16xf32>
    %sub3A_2018 = arith.subf %neg3A_2015, %sub3A_2017 : vector<16xf32>
    %div3A_2019 = arith.divf %get3A_2006, %get3A_2012 : vector<16xf32>
    %mul3A_2020 = arith.mulf %sub3A_2018, %div3A_2019 : vector<16xf32>
    %add3A_2021 = arith.addf %add3A_2001, %mul3A_2020 : vector<16xf32>
    %get3A_2022 = arith.constant 4 : i32
    %get3A_2023 = arith.index_cast %get3A_2022 : i32 to index
    %get3A_2024 = arith.constant 112 : index
    %get3A_2025 = tpu.vector_load %arg10[%get3A_2023, %get3A_2024] {strides = array<i32>} : memref<8x128xf32, #tpu.memory_space<vmem>>, vector<1x16xf32>,
    %get3A_2026 = vector.shape_cast %get3A_2025 : vector<1x16xf32> to vector<16xf32>
    %get3A_2027 = arith.constant 624 : index
    %get3A_2028 = tpu.vector_load %arg11[%get3A_2027] {strides = array<i32>} : memref<1024xf32, #tpu.memory_space<vmem>>, vector<16xf32>,
    %get3A_2029 = vector.shape_cast %get3A_2028 : vector<16xf32> to vector<16xf32>
    %get3A_2030 = arith.constant 624 : index
    %get3A_2031 = tpu.vector_load %arg12[%get3A_2030] {strides = array<i32>} : memref<1024xf32, #tpu.memory_space<vmem>>, vector<16xf32>,
    %get3A_2032 = vector.shape_cast %get3A_2031 : vector<16xf32> to vector<16xf32>
    %neg3A_2033 = arith.constant 0.000000e+00 : f32
    %neg3A_2034 = vector.broadcast %neg3A_2033 : f32 to vector<16xf32>
    %neg3A_2035 = arith.subf %neg3A_2034, %get3A_2029 : vector<16xf32>
    %sub3A_2036 = arith.constant 0.899999976 : f32
    %sub3A_2037 = vector.broadcast %sub3A_2036 : f32 to vector<16xf32>
    %sub3A_2038 = arith.subf %neg3A_2035, %sub3A_2037 : vector<16xf32>
    %div3A_2039 = arith.divf %get3A_2026, %get3A_2032 : vector<16xf32>
    %mul3A_2040 = arith.mulf %sub3A_2038, %div3A_2039 : vector<16xf32>
    %add3A_2041 = arith.addf %add3A_2021, %mul3A_2040 : vector<16xf32>
    %get3A_2042 = arith.constant 5 : i32
    %get3A_2043 = arith.index_cast %get3A_2042 : i32 to index
    %get3A_2044 = arith.constant 0 : index
    %get3A_2045 = tpu.vector_load %arg10[%get3A_2043, %get3A_2044] {strides = array<i32>} : memref<8x128xf32, #tpu.memory_space<vmem>>, vector<1x16xf32>,
    %get3A_2046 = vector.shape_cast %get3A_2045 : vector<1x16xf32> to vector<16xf32>
    %get3A_2047 = arith.constant 640 : index
    %get3A_2048 = tpu.vector_load %arg11[%get3A_2047] {strides = array<i32>} : memref<1024xf32, #tpu.memory_space<vmem>>, vector<16xf32>,
    %get3A_2049 = vector.shape_cast %get3A_2048 : vector<16xf32> to vector<16xf32>
    %get3A_2050 = arith.constant 640 : index
    %get3A_2051 = tpu.vector_load %arg12[%get3A_2050] {strides = array<i32>} : memref<1024xf32, #tpu.memory_space<vmem>>, vector<16xf32>,
    %get3A_2052 = vector.shape_cast %get3A_2051 : vector<16xf32> to vector<16xf32>
    %neg3A_2053 = arith.constant 0.000000e+00 : f32
    %neg3A_2054 = vector.broadcast %neg3A_2053 : f32 to vector<16xf32>
    %neg3A_2055 = arith.subf %neg3A_2054, %get3A_2049 : vector<16xf32>
    %sub3A_2056 = arith.constant 0.899999976 : f32
    %sub3A_2057 = vector.broadcast %sub3A_2056 : f32 to vector<16xf32>
    %sub3A_2058 = arith.subf %neg3A_2055, %sub3A_2057 : vector<16xf32>
    %div3A_2059 = arith.divf %get3A_2046, %get3A_2052 : vector<16xf32>
    %mul3A_2060 = arith.mulf %sub3A_2058, %div3A_2059 : vector<16xf32>
    %add3A_2061 = arith.addf %add3A_2041, %mul3A_2060 : vector<16xf32>
    %get3A_2062 = arith.constant 5 : i32
    %get3A_2063 = arith.index_cast %get3A_2062 : i32 to index
    %get3A_2064 = arith.constant 16 : index
    %get3A_2065 = tpu.vector_load %arg10[%get3A_2063, %get3A_2064] {strides = array<i32>} : memref<8x128xf32, #tpu.memory_space<vmem>>, vector<1x16xf32>,
    %get3A_2066 = vector.shape_cast %get3A_2065 : vector<1x16xf32> to vector<16xf32>
    %get3A_2067 = arith.constant 656 : index
    %get3A_2068 = tpu.vector_load %arg11[%get3A_2067] {strides = array<i32>} : memref<1024xf32, #tpu.memory_space<vmem>>, vector<16xf32>,
    %get3A_2069 = vector.shape_cast %get3A_2068 : vector<16xf32> to vector<16xf32>
    %get3A_2070 = arith.constant 656 : index
    %get3A_2071 = tpu.vector_load %arg12[%get3A_2070] {strides = array<i32>} : memref<1024xf32, #tpu.memory_space<vmem>>, vector<16xf32>,
    %get3A_2072 = vector.shape_cast %get3A_2071 : vector<16xf32> to vector<16xf32>
    %neg3A_2073 = arith.constant 0.000000e+00 : f32
    %neg3A_2074 = vector.broadcast %neg3A_2073 : f32 to vector<16xf32>
    %neg3A_2075 = arith.subf %neg3A_2074, %get3A_2069 : vector<16xf32>
    %sub3A_2076 = arith.constant 0.899999976 : f32
    %sub3A_2077 = vector.broadcast %sub3A_2076 : f32 to vector<16xf32>
    %sub3A_2078 = arith.subf %neg3A_2075, %sub3A_2077 : vector<16xf32>
    %div3A_2079 = arith.divf %get3A_2066, %get3A_2072 : vector<16xf32>
    %mul3A_2080 = arith.mulf %sub3A_2078, %div3A_2079 : vector<16xf32>
    %add3A_2081 = arith.addf %add3A_2061, %mul3A_2080 : vector<16xf32>
    %get3A_2082 = arith.constant 5 : i32
    %get3A_2083 = arith.index_cast %get3A_2082 : i32 to index
    %get3A_2084 = arith.constant 32 : index
    %get3A_2085 = tpu.vector_load %arg10[%get3A_2083, %get3A_2084] {strides = array<i32>} : memref<8x128xf32, #tpu.memory_space<vmem>>, vector<1x16xf32>,
    %get3A_2086 = vector.shape_cast %get3A_2085 : vector<1x16xf32> to vector<16xf32>
    %get3A_2087 = arith.constant 672 : index
    %get3A_2088 = tpu.vector_load %arg11[%get3A_2087] {strides = array<i32>} : memref<1024xf32, #tpu.memory_space<vmem>>, vector<16xf32>,
    %get3A_2089 = vector.shape_cast %get3A_2088 : vector<16xf32> to vector<16xf32>
    %get3A_2090 = arith.constant 672 : index
    %get3A_2091 = tpu.vector_load %arg12[%get3A_2090] {strides = array<i32>} : memref<1024xf32, #tpu.memory_space<vmem>>, vector<16xf32>,
    %get3A_2092 = vector.shape_cast %get3A_2091 : vector<16xf32> to vector<16xf32>
    %neg3A_2093 = arith.constant 0.000000e+00 : f32
    %neg3A_2094 = vector.broadcast %neg3A_2093 : f32 to vector<16xf32>
    %neg3A_2095 = arith.subf %neg3A_2094, %get3A_2089 : vector<16xf32>
    %sub3A_2096 = arith.constant 0.899999976 : f32
    %sub3A_2097 = vector.broadcast %sub3A_2096 : f32 to vector<16xf32>
    %sub3A_2098 = arith.subf %neg3A_2095, %sub3A_2097 : vector<16xf32>
    %div3A_2099 = arith.divf %get3A_2086, %get3A_2092 : vector<16xf32>
    %mul3A_2100 = arith.mulf %sub3A_2098, %div3A_2099 : vector<16xf32>
    %add3A_2101 = arith.addf %add3A_2081, %mul3A_2100 : vector<16xf32>
    %get3A_2102 = arith.constant 5 : i32
    %get3A_2103 = arith.index_cast %get3A_2102 : i32 to index
    %get3A_2104 = arith.constant 48 : index
    %get3A_2105 = tpu.vector_load %arg10[%get3A_2103, %get3A_2104] {strides = array<i32>} : memref<8x128xf32, #tpu.memory_space<vmem>>, vector<1x16xf32>,
    %get3A_2106 = vector.shape_cast %get3A_2105 : vector<1x16xf32> to vector<16xf32>
    %get3A_2107 = arith.constant 688 : index
    %get3A_2108 = tpu.vector_load %arg11[%get3A_2107] {strides = array<i32>} : memref<1024xf32, #tpu.memory_space<vmem>>, vector<16xf32>,
    %get3A_2109 = vector.shape_cast %get3A_2108 : vector<16xf32> to vector<16xf32>
    %get3A_2110 = arith.constant 688 : index
    %get3A_2111 = tpu.vector_load %arg12[%get3A_2110] {strides = array<i32>} : memref<1024xf32, #tpu.memory_space<vmem>>, vector<16xf32>,
    %get3A_2112 = vector.shape_cast %get3A_2111 : vector<16xf32> to vector<16xf32>
    %neg3A_2113 = arith.constant 0.000000e+00 : f32
    %neg3A_2114 = vector.broadcast %neg3A_2113 : f32 to vector<16xf32>
    %neg3A_2115 = arith.subf %neg3A_2114, %get3A_2109 : vector<16xf32>
    %sub3A_2116 = arith.constant 0.899999976 : f32
    %sub3A_2117 = vector.broadcast %sub3A_2116 : f32 to vector<16xf32>
    %sub3A_2118 = arith.subf %neg3A_2115, %sub3A_2117 : vector<16xf32>
    %div3A_2119 = arith.divf %get3A_2106, %get3A_2112 : vector<16xf32>
    %mul3A_2120 = arith.mulf %sub3A_2118, %div3A_2119 : vector<16xf32>
    %add3A_2121 = arith.addf %add3A_2101, %mul3A_2120 : vector<16xf32>
    %get3A_2122 = arith.constant 5 : i32
    %get3A_2123 = arith.index_cast %get3A_2122 : i32 to index
    %get3A_2124 = arith.constant 64 : index
    %get3A_2125 = tpu.vector_load %arg10[%get3A_2123, %get3A_2124] {strides = array<i32>} : memref<8x128xf32, #tpu.memory_space<vmem>>, vector<1x16xf32>,
    %get3A_2126 = vector.shape_cast %get3A_2125 : vector<1x16xf32> to vector<16xf32>
    %get3A_2127 = arith.constant 704 : index
    %get3A_2128 = tpu.vector_load %arg11[%get3A_2127] {strides = array<i32>} : memref<1024xf32, #tpu.memory_space<vmem>>, vector<16xf32>,
    %get3A_2129 = vector.shape_cast %get3A_2128 : vector<16xf32> to vector<16xf32>
    %get3A_2130 = arith.constant 704 : index
    %get3A_2131 = tpu.vector_load %arg12[%get3A_2130] {strides = array<i32>} : memref<1024xf32, #tpu.memory_space<vmem>>, vector<16xf32>,
    %get3A_2132 = vector.shape_cast %get3A_2131 : vector<16xf32> to vector<16xf32>
    %neg3A_2133 = arith.constant 0.000000e+00 : f32
    %neg3A_2134 = vector.broadcast %neg3A_2133 : f32 to vector<16xf32>
    %neg3A_2135 = arith.subf %neg3A_2134, %get3A_2129 : vector<16xf32>
    %sub3A_2136 = arith.constant 0.899999976 : f32
    %sub3A_2137 = vector.broadcast %sub3A_2136 : f32 to vector<16xf32>
    %sub3A_2138 = arith.subf %neg3A_2135, %sub3A_2137 : vector<16xf32>
    %div3A_2139 = arith.divf %get3A_2126, %get3A_2132 : vector<16xf32>
    %mul3A_2140 = arith.mulf %sub3A_2138, %div3A_2139 : vector<16xf32>
    %add3A_2141 = arith.addf %add3A_2121, %mul3A_2140 : vector<16xf32>
    %get3A_2142 = arith.constant 5 : i32
    %get3A_2143 = arith.index_cast %get3A_2142 : i32 to index
    %get3A_2144 = arith.constant 80 : index
    %get3A_2145 = tpu.vector_load %arg10[%get3A_2143, %get3A_2144] {strides = array<i32>} : memref<8x128xf32, #tpu.memory_space<vmem>>, vector<1x16xf32>,
    %get3A_2146 = vector.shape_cast %get3A_2145 : vector<1x16xf32> to vector<16xf32>
    %get3A_2147 = arith.constant 720 : index
    %get3A_2148 = tpu.vector_load %arg11[%get3A_2147] {strides = array<i32>} : memref<1024xf32, #tpu.memory_space<vmem>>, vector<16xf32>,
    %get3A_2149 = vector.shape_cast %get3A_2148 : vector<16xf32> to vector<16xf32>
    %get3A_2150 = arith.constant 720 : index
    %get3A_2151 = tpu.vector_load %arg12[%get3A_2150] {strides = array<i32>} : memref<1024xf32, #tpu.memory_space<vmem>>, vector<16xf32>,
    %get3A_2152 = vector.shape_cast %get3A_2151 : vector<16xf32> to vector<16xf32>
    %neg3A_2153 = arith.constant 0.000000e+00 : f32
    %neg3A_2154 = vector.broadcast %neg3A_2153 : f32 to vector<16xf32>
    %neg3A_2155 = arith.subf %neg3A_2154, %get3A_2149 : vector<16xf32>
    %sub3A_2156 = arith.constant 0.899999976 : f32
    %sub3A_2157 = vector.broadcast %sub3A_2156 : f32 to vector<16xf32>
    %sub3A_2158 = arith.subf %neg3A_2155, %sub3A_2157 : vector<16xf32>
    %div3A_2159 = arith.divf %get3A_2146, %get3A_2152 : vector<16xf32>
    %mul3A_2160 = arith.mulf %sub3A_2158, %div3A_2159 : vector<16xf32>
    %add3A_2161 = arith.addf %add3A_2141, %mul3A_2160 : vector<16xf32>
    %get3A_2162 = arith.constant 5 : i32
    %get3A_2163 = arith.index_cast %get3A_2162 : i32 to index
    %get3A_2164 = arith.constant 96 : index
    %get3A_2165 = tpu.vector_load %arg10[%get3A_2163, %get3A_2164] {strides = array<i32>} : memref<8x128xf32, #tpu.memory_space<vmem>>, vector<1x16xf32>,
    %get3A_2166 = vector.shape_cast %get3A_2165 : vector<1x16xf32> to vector<16xf32>
    %get3A_2167 = arith.constant 736 : index
    %get3A_2168 = tpu.vector_load %arg11[%get3A_2167] {strides = array<i32>} : memref<1024xf32, #tpu.memory_space<vmem>>, vector<16xf32>,
    %get3A_2169 = vector.shape_cast %get3A_2168 : vector<16xf32> to vector<16xf32>
    %get3A_2170 = arith.constant 736 : index
    %get3A_2171 = tpu.vector_load %arg12[%get3A_2170] {strides = array<i32>} : memref<1024xf32, #tpu.memory_space<vmem>>, vector<16xf32>,
    %get3A_2172 = vector.shape_cast %get3A_2171 : vector<16xf32> to vector<16xf32>
    %neg3A_2173 = arith.constant 0.000000e+00 : f32
    %neg3A_2174 = vector.broadcast %neg3A_2173 : f32 to vector<16xf32>
    %neg3A_2175 = arith.subf %neg3A_2174, %get3A_2169 : vector<16xf32>
    %sub3A_2176 = arith.constant 0.899999976 : f32
    %sub3A_2177 = vector.broadcast %sub3A_2176 : f32 to vector<16xf32>
    %sub3A_2178 = arith.subf %neg3A_2175, %sub3A_2177 : vector<16xf32>
    %div3A_2179 = arith.divf %get3A_2166, %get3A_2172 : vector<16xf32>
    %mul3A_2180 = arith.mulf %sub3A_2178, %div3A_2179 : vector<16xf32>
    %add3A_2181 = arith.addf %add3A_2161, %mul3A_2180 : vector<16xf32>
    %get3A_2182 = arith.constant 5 : i32
    %get3A_2183 = arith.index_cast %get3A_2182 : i32 to index
    %get3A_2184 = arith.constant 112 : index
    %get3A_2185 = tpu.vector_load %arg10[%get3A_2183, %get3A_2184] {strides = array<i32>} : memref<8x128xf32, #tpu.memory_space<vmem>>, vector<1x16xf32>,
    %get3A_2186 = vector.shape_cast %get3A_2185 : vector<1x16xf32> to vector<16xf32>
    %get3A_2187 = arith.constant 752 : index
    %get3A_2188 = tpu.vector_load %arg11[%get3A_2187] {strides = array<i32>} : memref<1024xf32, #tpu.memory_space<vmem>>, vector<16xf32>,
    %get3A_2189 = vector.shape_cast %get3A_2188 : vector<16xf32> to vector<16xf32>
    %get3A_2190 = arith.constant 752 : index
    %get3A_2191 = tpu.vector_load %arg12[%get3A_2190] {strides = array<i32>} : memref<1024xf32, #tpu.memory_space<vmem>>, vector<16xf32>,
    %get3A_2192 = vector.shape_cast %get3A_2191 : vector<16xf32> to vector<16xf32>
    %neg3A_2193 = arith.constant 0.000000e+00 : f32
    %neg3A_2194 = vector.broadcast %neg3A_2193 : f32 to vector<16xf32>
    %neg3A_2195 = arith.subf %neg3A_2194, %get3A_2189 : vector<16xf32>
    %sub3A_2196 = arith.constant 0.899999976 : f32
    %sub3A_2197 = vector.broadcast %sub3A_2196 : f32 to vector<16xf32>
    %sub3A_2198 = arith.subf %neg3A_2195, %sub3A_2197 : vector<16xf32>
    %div3A_2199 = arith.divf %get3A_2186, %get3A_2192 : vector<16xf32>
    %mul3A_2200 = arith.mulf %sub3A_2198, %div3A_2199 : vector<16xf32>
    %add3A_2201 = arith.addf %add3A_2181, %mul3A_2200 : vector<16xf32>
    %get3A_2202 = arith.constant 6 : i32
    %get3A_2203 = arith.index_cast %get3A_2202 : i32 to index
    %get3A_2204 = arith.constant 0 : index
    %get3A_2205 = tpu.vector_load %arg10[%get3A_2203, %get3A_2204] {strides = array<i32>} : memref<8x128xf32, #tpu.memory_space<vmem>>, vector<1x16xf32>,
    %get3A_2206 = vector.shape_cast %get3A_2205 : vector<1x16xf32> to vector<16xf32>
    %get3A_2207 = arith.constant 768 : index
    %get3A_2208 = tpu.vector_load %arg11[%get3A_2207] {strides = array<i32>} : memref<1024xf32, #tpu.memory_space<vmem>>, vector<16xf32>,
    %get3A_2209 = vector.shape_cast %get3A_2208 : vector<16xf32> to vector<16xf32>
    %get3A_2210 = arith.constant 768 : index
    %get3A_2211 = tpu.vector_load %arg12[%get3A_2210] {strides = array<i32>} : memref<1024xf32, #tpu.memory_space<vmem>>, vector<16xf32>,
    %get3A_2212 = vector.shape_cast %get3A_2211 : vector<16xf32> to vector<16xf32>
    %neg3A_2213 = arith.constant 0.000000e+00 : f32
    %neg3A_2214 = vector.broadcast %neg3A_2213 : f32 to vector<16xf32>
    %neg3A_2215 = arith.subf %neg3A_2214, %get3A_2209 : vector<16xf32>
    %sub3A_2216 = arith.constant 0.899999976 : f32
    %sub3A_2217 = vector.broadcast %sub3A_2216 : f32 to vector<16xf32>
    %sub3A_2218 = arith.subf %neg3A_2215, %sub3A_2217 : vector<16xf32>
    %div3A_2219 = arith.divf %get3A_2206, %get3A_2212 : vector<16xf32>
    %mul3A_2220 = arith.mulf %sub3A_2218, %div3A_2219 : vector<16xf32>
    %add3A_2221 = arith.addf %add3A_2201, %mul3A_2220 : vector<16xf32>
    %get3A_2222 = arith.constant 6 : i32
    %get3A_2223 = arith.index_cast %get3A_2222 : i32 to index
    %get3A_2224 = arith.constant 16 : index
    %get3A_2225 = tpu.vector_load %arg10[%get3A_2223, %get3A_2224] {strides = array<i32>} : memref<8x128xf32, #tpu.memory_space<vmem>>, vector<1x16xf32>,
    %get3A_2226 = vector.shape_cast %get3A_2225 : vector<1x16xf32> to vector<16xf32>
    %get3A_2227 = arith.constant 784 : index
    %get3A_2228 = tpu.vector_load %arg11[%get3A_2227] {strides = array<i32>} : memref<1024xf32, #tpu.memory_space<vmem>>, vector<16xf32>,
    %get3A_2229 = vector.shape_cast %get3A_2228 : vector<16xf32> to vector<16xf32>
    %get3A_2230 = arith.constant 784 : index
    %get3A_2231 = tpu.vector_load %arg12[%get3A_2230] {strides = array<i32>} : memref<1024xf32, #tpu.memory_space<vmem>>, vector<16xf32>,
    %get3A_2232 = vector.shape_cast %get3A_2231 : vector<16xf32> to vector<16xf32>
    %neg3A_2233 = arith.constant 0.000000e+00 : f32
    %neg3A_2234 = vector.broadcast %neg3A_2233 : f32 to vector<16xf32>
    %neg3A_2235 = arith.subf %neg3A_2234, %get3A_2229 : vector<16xf32>
    %sub3A_2236 = arith.constant 0.899999976 : f32
    %sub3A_2237 = vector.broadcast %sub3A_2236 : f32 to vector<16xf32>
    %sub3A_2238 = arith.subf %neg3A_2235, %sub3A_2237 : vector<16xf32>
    %div3A_2239 = arith.divf %get3A_2226, %get3A_2232 : vector<16xf32>
    %mul3A_2240 = arith.mulf %sub3A_2238, %div3A_2239 : vector<16xf32>
    %add3A_2241 = arith.addf %add3A_2221, %mul3A_2240 : vector<16xf32>
    %get3A_2242 = arith.constant 6 : i32
    %get3A_2243 = arith.index_cast %get3A_2242 : i32 to index
    %get3A_2244 = arith.constant 32 : index
    %get3A_2245 = tpu.vector_load %arg10[%get3A_2243, %get3A_2244] {strides = array<i32>} : memref<8x128xf32, #tpu.memory_space<vmem>>, vector<1x16xf32>,
    %get3A_2246 = vector.shape_cast %get3A_2245 : vector<1x16xf32> to vector<16xf32>
    %get3A_2247 = arith.constant 800 : index
    %get3A_2248 = tpu.vector_load %arg11[%get3A_2247] {strides = array<i32>} : memref<1024xf32, #tpu.memory_space<vmem>>, vector<16xf32>,
    %get3A_2249 = vector.shape_cast %get3A_2248 : vector<16xf32> to vector<16xf32>
    %get3A_2250 = arith.constant 800 : index
    %get3A_2251 = tpu.vector_load %arg12[%get3A_2250] {strides = array<i32>} : memref<1024xf32, #tpu.memory_space<vmem>>, vector<16xf32>,
    %get3A_2252 = vector.shape_cast %get3A_2251 : vector<16xf32> to vector<16xf32>
    %neg3A_2253 = arith.constant 0.000000e+00 : f32
    %neg3A_2254 = vector.broadcast %neg3A_2253 : f32 to vector<16xf32>
    %neg3A_2255 = arith.subf %neg3A_2254, %get3A_2249 : vector<16xf32>
    %sub3A_2256 = arith.constant 0.899999976 : f32
    %sub3A_2257 = vector.broadcast %sub3A_2256 : f32 to vector<16xf32>
    %sub3A_2258 = arith.subf %neg3A_2255, %sub3A_2257 : vector<16xf32>
    %div3A_2259 = arith.divf %get3A_2246, %get3A_2252 : vector<16xf32>
    %mul3A_2260 = arith.mulf %sub3A_2258, %div3A_2259 : vector<16xf32>
    %add3A_2261 = arith.addf %add3A_2241, %mul3A_2260 : vector<16xf32>
    %get3A_2262 = arith.constant 6 : i32
    %get3A_2263 = arith.index_cast %get3A_2262 : i32 to index
    %get3A_2264 = arith.constant 48 : index
    %get3A_2265 = tpu.vector_load %arg10[%get3A_2263, %get3A_2264] {strides = array<i32>} : memref<8x128xf32, #tpu.memory_space<vmem>>, vector<1x16xf32>,
    %get3A_2266 = vector.shape_cast %get3A_2265 : vector<1x16xf32> to vector<16xf32>
    %get3A_2267 = arith.constant 816 : index
    %get3A_2268 = tpu.vector_load %arg11[%get3A_2267] {strides = array<i32>} : memref<1024xf32, #tpu.memory_space<vmem>>, vector<16xf32>,
    %get3A_2269 = vector.shape_cast %get3A_2268 : vector<16xf32> to vector<16xf32>
    %get3A_2270 = arith.constant 816 : index
    %get3A_2271 = tpu.vector_load %arg12[%get3A_2270] {strides = array<i32>} : memref<1024xf32, #tpu.memory_space<vmem>>, vector<16xf32>,
    %get3A_2272 = vector.shape_cast %get3A_2271 : vector<16xf32> to vector<16xf32>
    %neg3A_2273 = arith.constant 0.000000e+00 : f32
    %neg3A_2274 = vector.broadcast %neg3A_2273 : f32 to vector<16xf32>
    %neg3A_2275 = arith.subf %neg3A_2274, %get3A_2269 : vector<16xf32>
    %sub3A_2276 = arith.constant 0.899999976 : f32
    %sub3A_2277 = vector.broadcast %sub3A_2276 : f32 to vector<16xf32>
    %sub3A_2278 = arith.subf %neg3A_2275, %sub3A_2277 : vector<16xf32>
    %div3A_2279 = arith.divf %get3A_2266, %get3A_2272 : vector<16xf32>
    %mul3A_2280 = arith.mulf %sub3A_2278, %div3A_2279 : vector<16xf32>
    %add3A_2281 = arith.addf %add3A_2261, %mul3A_2280 : vector<16xf32>
    %get3A_2282 = arith.constant 6 : i32
    %get3A_2283 = arith.index_cast %get3A_2282 : i32 to index
    %get3A_2284 = arith.constant 64 : index
    %get3A_2285 = tpu.vector_load %arg10[%get3A_2283, %get3A_2284] {strides = array<i32>} : memref<8x128xf32, #tpu.memory_space<vmem>>, vector<1x16xf32>,
    %get3A_2286 = vector.shape_cast %get3A_2285 : vector<1x16xf32> to vector<16xf32>
    %get3A_2287 = arith.constant 832 : index
    %get3A_2288 = tpu.vector_load %arg11[%get3A_2287] {strides = array<i32>} : memref<1024xf32, #tpu.memory_space<vmem>>, vector<16xf32>,
    %get3A_2289 = vector.shape_cast %get3A_2288 : vector<16xf32> to vector<16xf32>
    %get3A_2290 = arith.constant 832 : index
    %get3A_2291 = tpu.vector_load %arg12[%get3A_2290] {strides = array<i32>} : memref<1024xf32, #tpu.memory_space<vmem>>, vector<16xf32>,
    %get3A_2292 = vector.shape_cast %get3A_2291 : vector<16xf32> to vector<16xf32>
    %neg3A_2293 = arith.constant 0.000000e+00 : f32
    %neg3A_2294 = vector.broadcast %neg3A_2293 : f32 to vector<16xf32>
    %neg3A_2295 = arith.subf %neg3A_2294, %get3A_2289 : vector<16xf32>
    %sub3A_2296 = arith.constant 0.899999976 : f32
    %sub3A_2297 = vector.broadcast %sub3A_2296 : f32 to vector<16xf32>
    %sub3A_2298 = arith.subf %neg3A_2295, %sub3A_2297 : vector<16xf32>
    %div3A_2299 = arith.divf %get3A_2286, %get3A_2292 : vector<16xf32>
    %mul3A_2300 = arith.mulf %sub3A_2298, %div3A_2299 : vector<16xf32>
    %add3A_2301 = arith.addf %add3A_2281, %mul3A_2300 : vector<16xf32>
    %get3A_2302 = arith.constant 6 : i32
    %get3A_2303 = arith.index_cast %get3A_2302 : i32 to index
    %get3A_2304 = arith.constant 80 : index
    %get3A_2305 = tpu.vector_load %arg10[%get3A_2303, %get3A_2304] {strides = array<i32>} : memref<8x128xf32, #tpu.memory_space<vmem>>, vector<1x16xf32>,
    %get3A_2306 = vector.shape_cast %get3A_2305 : vector<1x16xf32> to vector<16xf32>
    %get3A_2307 = arith.constant 848 : index
    %get3A_2308 = tpu.vector_load %arg11[%get3A_2307] {strides = array<i32>} : memref<1024xf32, #tpu.memory_space<vmem>>, vector<16xf32>,
    %get3A_2309 = vector.shape_cast %get3A_2308 : vector<16xf32> to vector<16xf32>
    %get3A_2310 = arith.constant 848 : index
    %get3A_2311 = tpu.vector_load %arg12[%get3A_2310] {strides = array<i32>} : memref<1024xf32, #tpu.memory_space<vmem>>, vector<16xf32>,
    %get3A_2312 = vector.shape_cast %get3A_2311 : vector<16xf32> to vector<16xf32>
    %neg3A_2313 = arith.constant 0.000000e+00 : f32
    %neg3A_2314 = vector.broadcast %neg3A_2313 : f32 to vector<16xf32>
    %neg3A_2315 = arith.subf %neg3A_2314, %get3A_2309 : vector<16xf32>
    %sub3A_2316 = arith.constant 0.899999976 : f32
    %sub3A_2317 = vector.broadcast %sub3A_2316 : f32 to vector<16xf32>
    %sub3A_2318 = arith.subf %neg3A_2315, %sub3A_2317 : vector<16xf32>
    %div3A_2319 = arith.divf %get3A_2306, %get3A_2312 : vector<16xf32>
    %mul3A_2320 = arith.mulf %sub3A_2318, %div3A_2319 : vector<16xf32>
    %add3A_2321 = arith.addf %add3A_2301, %mul3A_2320 : vector<16xf32>
    %get3A_2322 = arith.constant 6 : i32
    %get3A_2323 = arith.index_cast %get3A_2322 : i32 to index
    %get3A_2324 = arith.constant 96 : index
    %get3A_2325 = tpu.vector_load %arg10[%get3A_2323, %get3A_2324] {strides = array<i32>} : memref<8x128xf32, #tpu.memory_space<vmem>>, vector<1x16xf32>,
    %get3A_2326 = vector.shape_cast %get3A_2325 : vector<1x16xf32> to vector<16xf32>
    %get3A_2327 = arith.constant 864 : index
    %get3A_2328 = tpu.vector_load %arg11[%get3A_2327] {strides = array<i32>} : memref<1024xf32, #tpu.memory_space<vmem>>, vector<16xf32>,
    %get3A_2329 = vector.shape_cast %get3A_2328 : vector<16xf32> to vector<16xf32>
    %get3A_2330 = arith.constant 864 : index
    %get3A_2331 = tpu.vector_load %arg12[%get3A_2330] {strides = array<i32>} : memref<1024xf32, #tpu.memory_space<vmem>>, vector<16xf32>,
    %get3A_2332 = vector.shape_cast %get3A_2331 : vector<16xf32> to vector<16xf32>
    %neg3A_2333 = arith.constant 0.000000e+00 : f32
    %neg3A_2334 = vector.broadcast %neg3A_2333 : f32 to vector<16xf32>
    %neg3A_2335 = arith.subf %neg3A_2334, %get3A_2329 : vector<16xf32>
    %sub3A_2336 = arith.constant 0.899999976 : f32
    %sub3A_2337 = vector.broadcast %sub3A_2336 : f32 to vector<16xf32>
    %sub3A_2338 = arith.subf %neg3A_2335, %sub3A_2337 : vector<16xf32>
    %div3A_2339 = arith.divf %get3A_2326, %get3A_2332 : vector<16xf32>
    %mul3A_2340 = arith.mulf %sub3A_2338, %div3A_2339 : vector<16xf32>
    %add3A_2341 = arith.addf %add3A_2321, %mul3A_2340 : vector<16xf32>
    %get3A_2342 = arith.constant 6 : i32
    %get3A_2343 = arith.index_cast %get3A_2342 : i32 to index
    %get3A_2344 = arith.constant 112 : index
    %get3A_2345 = tpu.vector_load %arg10[%get3A_2343, %get3A_2344] {strides = array<i32>} : memref<8x128xf32, #tpu.memory_space<vmem>>, vector<1x16xf32>,
    %get3A_2346 = vector.shape_cast %get3A_2345 : vector<1x16xf32> to vector<16xf32>
    %get3A_2347 = arith.constant 880 : index
    %get3A_2348 = tpu.vector_load %arg11[%get3A_2347] {strides = array<i32>} : memref<1024xf32, #tpu.memory_space<vmem>>, vector<16xf32>,
    %get3A_2349 = vector.shape_cast %get3A_2348 : vector<16xf32> to vector<16xf32>
    %get3A_2350 = arith.constant 880 : index
    %get3A_2351 = tpu.vector_load %arg12[%get3A_2350] {strides = array<i32>} : memref<1024xf32, #tpu.memory_space<vmem>>, vector<16xf32>,
    %get3A_2352 = vector.shape_cast %get3A_2351 : vector<16xf32> to vector<16xf32>
    %neg3A_2353 = arith.constant 0.000000e+00 : f32
    %neg3A_2354 = vector.broadcast %neg3A_2353 : f32 to vector<16xf32>
    %neg3A_2355 = arith.subf %neg3A_2354, %get3A_2349 : vector<16xf32>
    %sub3A_2356 = arith.constant 0.899999976 : f32
    %sub3A_2357 = vector.broadcast %sub3A_2356 : f32 to vector<16xf32>
    %sub3A_2358 = arith.subf %neg3A_2355, %sub3A_2357 : vector<16xf32>
    %div3A_2359 = arith.divf %get3A_2346, %get3A_2352 : vector<16xf32>
    %mul3A_2360 = arith.mulf %sub3A_2358, %div3A_2359 : vector<16xf32>
    %add3A_2361 = arith.addf %add3A_2341, %mul3A_2360 : vector<16xf32>
    %get3A_2362 = arith.constant 7 : i32
    %get3A_2363 = arith.index_cast %get3A_2362 : i32 to index
    %get3A_2364 = arith.constant 0 : index
    %get3A_2365 = tpu.vector_load %arg10[%get3A_2363, %get3A_2364] {strides = array<i32>} : memref<8x128xf32, #tpu.memory_space<vmem>>, vector<1x16xf32>,
    %get3A_2366 = vector.shape_cast %get3A_2365 : vector<1x16xf32> to vector<16xf32>
    %get3A_2367 = arith.constant 896 : index
    %get3A_2368 = tpu.vector_load %arg11[%get3A_2367] {strides = array<i32>} : memref<1024xf32, #tpu.memory_space<vmem>>, vector<16xf32>,
    %get3A_2369 = vector.shape_cast %get3A_2368 : vector<16xf32> to vector<16xf32>
    %get3A_2370 = arith.constant 896 : index
    %get3A_2371 = tpu.vector_load %arg12[%get3A_2370] {strides = array<i32>} : memref<1024xf32, #tpu.memory_space<vmem>>, vector<16xf32>,
    %get3A_2372 = vector.shape_cast %get3A_2371 : vector<16xf32> to vector<16xf32>
    %neg3A_2373 = arith.constant 0.000000e+00 : f32
    %neg3A_2374 = vector.broadcast %neg3A_2373 : f32 to vector<16xf32>
    %neg3A_2375 = arith.subf %neg3A_2374, %get3A_2369 : vector<16xf32>
    %sub3A_2376 = arith.constant 0.899999976 : f32
    %sub3A_2377 = vector.broadcast %sub3A_2376 : f32 to vector<16xf32>
    %sub3A_2378 = arith.subf %neg3A_2375, %sub3A_2377 : vector<16xf32>
    %div3A_2379 = arith.divf %get3A_2366, %get3A_2372 : vector<16xf32>
    %mul3A_2380 = arith.mulf %sub3A_2378, %div3A_2379 : vector<16xf32>
    %add3A_2381 = arith.addf %add3A_2361, %mul3A_2380 : vector<16xf32>
    %get3A_2382 = arith.constant 7 : i32
    %get3A_2383 = arith.index_cast %get3A_2382 : i32 to index
    %get3A_2384 = arith.constant 16 : index
    %get3A_2385 = tpu.vector_load %arg10[%get3A_2383, %get3A_2384] {strides = array<i32>} : memref<8x128xf32, #tpu.memory_space<vmem>>, vector<1x16xf32>,
    %get3A_2386 = vector.shape_cast %get3A_2385 : vector<1x16xf32> to vector<16xf32>
    %get3A_2387 = arith.constant 912 : index
    %get3A_2388 = tpu.vector_load %arg11[%get3A_2387] {strides = array<i32>} : memref<1024xf32, #tpu.memory_space<vmem>>, vector<16xf32>,
    %get3A_2389 = vector.shape_cast %get3A_2388 : vector<16xf32> to vector<16xf32>
    %get3A_2390 = arith.constant 912 : index
    %get3A_2391 = tpu.vector_load %arg12[%get3A_2390] {strides = array<i32>} : memref<1024xf32, #tpu.memory_space<vmem>>, vector<16xf32>,
    %get3A_2392 = vector.shape_cast %get3A_2391 : vector<16xf32> to vector<16xf32>
    %neg3A_2393 = arith.constant 0.000000e+00 : f32
    %neg3A_2394 = vector.broadcast %neg3A_2393 : f32 to vector<16xf32>
    %neg3A_2395 = arith.subf %neg3A_2394, %get3A_2389 : vector<16xf32>
    %sub3A_2396 = arith.constant 0.899999976 : f32
    %sub3A_2397 = vector.broadcast %sub3A_2396 : f32 to vector<16xf32>
    %sub3A_2398 = arith.subf %neg3A_2395, %sub3A_2397 : vector<16xf32>
    %div3A_2399 = arith.divf %get3A_2386, %get3A_2392 : vector<16xf32>
    %mul3A_2400 = arith.mulf %sub3A_2398, %div3A_2399 : vector<16xf32>
    %add3A_2401 = arith.addf %add3A_2381, %mul3A_2400 : vector<16xf32>
    %get3A_2402 = arith.constant 7 : i32
    %get3A_2403 = arith.index_cast %get3A_2402 : i32 to index
    %get3A_2404 = arith.constant 32 : index
    %get3A_2405 = tpu.vector_load %arg10[%get3A_2403, %get3A_2404] {strides = array<i32>} : memref<8x128xf32, #tpu.memory_space<vmem>>, vector<1x16xf32>,
    %get3A_2406 = vector.shape_cast %get3A_2405 : vector<1x16xf32> to vector<16xf32>
    %get3A_2407 = arith.constant 928 : index
    %get3A_2408 = tpu.vector_load %arg11[%get3A_2407] {strides = array<i32>} : memref<1024xf32, #tpu.memory_space<vmem>>, vector<16xf32>,
    %get3A_2409 = vector.shape_cast %get3A_2408 : vector<16xf32> to vector<16xf32>
    %get3A_2410 = arith.constant 928 : index
    %get3A_2411 = tpu.vector_load %arg12[%get3A_2410] {strides = array<i32>} : memref<1024xf32, #tpu.memory_space<vmem>>, vector<16xf32>,
    %get3A_2412 = vector.shape_cast %get3A_2411 : vector<16xf32> to vector<16xf32>
    %neg3A_2413 = arith.constant 0.000000e+00 : f32
    %neg3A_2414 = vector.broadcast %neg3A_2413 : f32 to vector<16xf32>
    %neg3A_2415 = arith.subf %neg3A_2414, %get3A_2409 : vector<16xf32>
    %sub3A_2416 = arith.constant 0.899999976 : f32
    %sub3A_2417 = vector.broadcast %sub3A_2416 : f32 to vector<16xf32>
    %sub3A_2418 = arith.subf %neg3A_2415, %sub3A_2417 : vector<16xf32>
    %div3A_2419 = arith.divf %get3A_2406, %get3A_2412 : vector<16xf32>
    %mul3A_2420 = arith.mulf %sub3A_2418, %div3A_2419 : vector<16xf32>
    %add3A_2421 = arith.addf %add3A_2401, %mul3A_2420 : vector<16xf32>
    %get3A_2422 = arith.constant 7 : i32
    %get3A_2423 = arith.index_cast %get3A_2422 : i32 to index
    %get3A_2424 = arith.constant 48 : index
    %get3A_2425 = tpu.vector_load %arg10[%get3A_2423, %get3A_2424] {strides = array<i32>} : memref<8x128xf32, #tpu.memory_space<vmem>>, vector<1x16xf32>,
    %get3A_2426 = vector.shape_cast %get3A_2425 : vector<1x16xf32> to vector<16xf32>
    %get3A_2427 = arith.constant 944 : index
    %get3A_2428 = tpu.vector_load %arg11[%get3A_2427] {strides = array<i32>} : memref<1024xf32, #tpu.memory_space<vmem>>, vector<16xf32>,
    %get3A_2429 = vector.shape_cast %get3A_2428 : vector<16xf32> to vector<16xf32>
    %get3A_2430 = arith.constant 944 : index
    %get3A_2431 = tpu.vector_load %arg12[%get3A_2430] {strides = array<i32>} : memref<1024xf32, #tpu.memory_space<vmem>>, vector<16xf32>,
    %get3A_2432 = vector.shape_cast %get3A_2431 : vector<16xf32> to vector<16xf32>
    %neg3A_2433 = arith.constant 0.000000e+00 : f32
    %neg3A_2434 = vector.broadcast %neg3A_2433 : f32 to vector<16xf32>
    %neg3A_2435 = arith.subf %neg3A_2434, %get3A_2429 : vector<16xf32>
    %sub3A_2436 = arith.constant 0.899999976 : f32
    %sub3A_2437 = vector.broadcast %sub3A_2436 : f32 to vector<16xf32>
    %sub3A_2438 = arith.subf %neg3A_2435, %sub3A_2437 : vector<16xf32>
    %div3A_2439 = arith.divf %get3A_2426, %get3A_2432 : vector<16xf32>
    %mul3A_2440 = arith.mulf %sub3A_2438, %div3A_2439 : vector<16xf32>
    %add3A_2441 = arith.addf %add3A_2421, %mul3A_2440 : vector<16xf32>
    %get3A_2442 = arith.constant 7 : i32
    %get3A_2443 = arith.index_cast %get3A_2442 : i32 to index
    %get3A_2444 = arith.constant 64 : index
    %get3A_2445 = tpu.vector_load %arg10[%get3A_2443, %get3A_2444] {strides = array<i32>} : memref<8x128xf32, #tpu.memory_space<vmem>>, vector<1x16xf32>,
    %get3A_2446 = vector.shape_cast %get3A_2445 : vector<1x16xf32> to vector<16xf32>
    %get3A_2447 = arith.constant 960 : index
    %get3A_2448 = tpu.vector_load %arg11[%get3A_2447] {strides = array<i32>} : memref<1024xf32, #tpu.memory_space<vmem>>, vector<16xf32>,
    %get3A_2449 = vector.shape_cast %get3A_2448 : vector<16xf32> to vector<16xf32>
    %get3A_2450 = arith.constant 960 : index
    %get3A_2451 = tpu.vector_load %arg12[%get3A_2450] {strides = array<i32>} : memref<1024xf32, #tpu.memory_space<vmem>>, vector<16xf32>,
    %get3A_2452 = vector.shape_cast %get3A_2451 : vector<16xf32> to vector<16xf32>
    %neg3A_2453 = arith.constant 0.000000e+00 : f32
    %neg3A_2454 = vector.broadcast %neg3A_2453 : f32 to vector<16xf32>
    %neg3A_2455 = arith.subf %neg3A_2454, %get3A_2449 : vector<16xf32>
    %sub3A_2456 = arith.constant 0.899999976 : f32
    %sub3A_2457 = vector.broadcast %sub3A_2456 : f32 to vector<16xf32>
    %sub3A_2458 = arith.subf %neg3A_2455, %sub3A_2457 : vector<16xf32>
    %div3A_2459 = arith.divf %get3A_2446, %get3A_2452 : vector<16xf32>
    %mul3A_2460 = arith.mulf %sub3A_2458, %div3A_2459 : vector<16xf32>
    %add3A_2461 = arith.addf %add3A_2441, %mul3A_2460 : vector<16xf32>
    %get3A_2462 = arith.constant 7 : i32
    %get3A_2463 = arith.index_cast %get3A_2462 : i32 to index
    %get3A_2464 = arith.constant 80 : index
    %get3A_2465 = tpu.vector_load %arg10[%get3A_2463, %get3A_2464] {strides = array<i32>} : memref<8x128xf32, #tpu.memory_space<vmem>>, vector<1x16xf32>,
    %get3A_2466 = vector.shape_cast %get3A_2465 : vector<1x16xf32> to vector<16xf32>
    %get3A_2467 = arith.constant 976 : index
    %get3A_2468 = tpu.vector_load %arg11[%get3A_2467] {strides = array<i32>} : memref<1024xf32, #tpu.memory_space<vmem>>, vector<16xf32>,
    %get3A_2469 = vector.shape_cast %get3A_2468 : vector<16xf32> to vector<16xf32>
    %get3A_2470 = arith.constant 976 : index
    %get3A_2471 = tpu.vector_load %arg12[%get3A_2470] {strides = array<i32>} : memref<1024xf32, #tpu.memory_space<vmem>>, vector<16xf32>,
    %get3A_2472 = vector.shape_cast %get3A_2471 : vector<16xf32> to vector<16xf32>
    %neg3A_2473 = arith.constant 0.000000e+00 : f32
    %neg3A_2474 = vector.broadcast %neg3A_2473 : f32 to vector<16xf32>
    %neg3A_2475 = arith.subf %neg3A_2474, %get3A_2469 : vector<16xf32>
    %sub3A_2476 = arith.constant 0.899999976 : f32
    %sub3A_2477 = vector.broadcast %sub3A_2476 : f32 to vector<16xf32>
    %sub3A_2478 = arith.subf %neg3A_2475, %sub3A_2477 : vector<16xf32>
    %div3A_2479 = arith.divf %get3A_2466, %get3A_2472 : vector<16xf32>
    %mul3A_2480 = arith.mulf %sub3A_2478, %div3A_2479 : vector<16xf32>
    %add3A_2481 = arith.addf %add3A_2461, %mul3A_2480 : vector<16xf32>
    %get3A_2482 = arith.constant 7 : i32
    %get3A_2483 = arith.index_cast %get3A_2482 : i32 to index
    %get3A_2484 = arith.constant 96 : index
    %get3A_2485 = tpu.vector_load %arg10[%get3A_2483, %get3A_2484] {strides = array<i32>} : memref<8x128xf32, #tpu.memory_space<vmem>>, vector<1x16xf32>,
    %get3A_2486 = vector.shape_cast %get3A_2485 : vector<1x16xf32> to vector<16xf32>
    %get3A_2487 = arith.constant 992 : index
    %get3A_2488 = tpu.vector_load %arg11[%get3A_2487] {strides = array<i32>} : memref<1024xf32, #tpu.memory_space<vmem>>, vector<16xf32>,
    %get3A_2489 = vector.shape_cast %get3A_2488 : vector<16xf32> to vector<16xf32>
    %get3A_2490 = arith.constant 992 : index
    %get3A_2491 = tpu.vector_load %arg12[%get3A_2490] {strides = array<i32>} : memref<1024xf32, #tpu.memory_space<vmem>>, vector<16xf32>,
    %get3A_2492 = vector.shape_cast %get3A_2491 : vector<16xf32> to vector<16xf32>
    %neg3A_2493 = arith.constant 0.000000e+00 : f32
    %neg3A_2494 = vector.broadcast %neg3A_2493 : f32 to vector<16xf32>
    %neg3A_2495 = arith.subf %neg3A_2494, %get3A_2489 : vector<16xf32>
    %sub3A_2496 = arith.constant 0.899999976 : f32
    %sub3A_2497 = vector.broadcast %sub3A_2496 : f32 to vector<16xf32>
    %sub3A_2498 = arith.subf %neg3A_2495, %sub3A_2497 : vector<16xf32>
    %div3A_2499 = arith.divf %get3A_2486, %get3A_2492 : vector<16xf32>
    %mul3A_2500 = arith.mulf %sub3A_2498, %div3A_2499 : vector<16xf32>
    %add3A_2501 = arith.addf %add3A_2481, %mul3A_2500 : vector<16xf32>
    %get3A_2502 = arith.constant 7 : i32
    %get3A_2503 = arith.index_cast %get3A_2502 : i32 to index
    %get3A_2504 = arith.constant 112 : index
    %get3A_2505 = tpu.vector_load %arg10[%get3A_2503, %get3A_2504] {strides = array<i32>} : memref<8x128xf32, #tpu.memory_space<vmem>>, vector<1x16xf32>,
    %get3A_2506 = vector.shape_cast %get3A_2505 : vector<1x16xf32> to vector<16xf32>
    %get3A_2507 = arith.constant 1008 : index
    %get3A_2508 = tpu.vector_load %arg11[%get3A_2507] {strides = array<i32>} : memref<1024xf32, #tpu.memory_space<vmem>>, vector<16xf32>,
    %get3A_2509 = vector.shape_cast %get3A_2508 : vector<16xf32> to vector<16xf32>
    %get3A_2510 = arith.constant 1008 : index
    %get3A_2511 = tpu.vector_load %arg12[%get3A_2510] {strides = array<i32>} : memref<1024xf32, #tpu.memory_space<vmem>>, vector<16xf32>,
    %get3A_2512 = vector.shape_cast %get3A_2511 : vector<16xf32> to vector<16xf32>
    %neg3A_2513 = arith.constant 0.000000e+00 : f32
    %neg3A_2514 = vector.broadcast %neg3A_2513 : f32 to vector<16xf32>
    %neg3A_2515 = arith.subf %neg3A_2514, %get3A_2509 : vector<16xf32>
    %sub3A_2516 = arith.constant 0.899999976 : f32
    %sub3A_2517 = vector.broadcast %sub3A_2516 : f32 to vector<16xf32>
    %sub3A_2518 = arith.subf %neg3A_2515, %sub3A_2517 : vector<16xf32>
    %div3A_2519 = arith.divf %get3A_2506, %get3A_2512 : vector<16xf32>
    %mul3A_2520 = arith.mulf %sub3A_2518, %div3A_2519 : vector<16xf32>
    %add3A_2521 = arith.addf %add3A_2501, %mul3A_2520 : vector<16xf32>
    %swap3A_2522 = arith.constant 0 : index
    %swap3A_2523 = tpu.vector_load %arg13[%swap3A_2522] {strides = array<i32>} : memref<16xf32, #tpu.memory_space<vmem>>, vector<16xf32>,
    %swap3A_2524 = vector.shape_cast %swap3A_2523 : vector<16xf32> to vector<16xf32>
    %swap3A_2525 = vector.shape_cast %add3A_2521 : vector<16xf32> to vector<16xf32>
    tpu.vector_store %arg13[%swap3A_2522], %swap3A_2525 {strides = array<i32>} : memref<16xf32, #tpu.memory_space<vmem>>, vector<16xf32>,
    "tpu.region"() ({
      %run_scoped3A = tpu.sem_alloc : memref<!tpu.dma_semaphore, #tpu.memory_space<semaphore_mem>>
      %dma_start3A_2528 = arith.constant 0 : i32
      %dma_start3A_2529 = tpu.memref_slice %arg6[%arg1, %dma_start3A_2528] : memref<16x16xf32, #tpu.memory_space<hbm>> -> memref<1x16xf32, #tpu.memory_space<hbm>>
      %dma_start3A_2530 = tpu.memref_squeeze %dma_start3A_2529 : memref<1x16xf32, #tpu.memory_space<hbm>> -> memref<16xf32, #tpu.memory_space<hbm>>
      %dma_start3A_2531 = arith.constant 0 : i32
      %dma_start3A_2532 = tpu.memref_slice %arg6[%arg1, %dma_start3A_2531] : memref<16x16xf32, #tpu.memory_space<hbm>> -> memref<1x16xf32, #tpu.memory_space<hbm>>
      %dma_start3A_2533 = tpu.memref_squeeze %dma_start3A_2532 : memref<1x16xf32, #tpu.memory_space<hbm>> -> memref<16xf32, #tpu.memory_space<hbm>>
      tpu.enqueue_dma source(%arg13 : memref<16xf32, #tpu.memory_space<vmem>>) target(%dma_start3A_2533 : memref<16xf32, #tpu.memory_space<hbm>>) target_semaphore(%run_scoped3A : memref<!tpu.dma_semaphore, #tpu.memory_space<semaphore_mem>>)
      %dma_wait3A_2534 = arith.constant 0 : i32
      %dma_wait3A_2535 = tpu.memref_slice %arg6[%arg1, %dma_wait3A_2534] : memref<16x16xf32, #tpu.memory_space<hbm>> -> memref<1x16xf32, #tpu.memory_space<hbm>>
      %dma_wait3A_2536 = tpu.memref_squeeze %dma_wait3A_2535 : memref<1x16xf32, #tpu.memory_space<hbm>> -> memref<16xf32, #tpu.memory_space<hbm>>
      %dma_wait3A_2537 = arith.constant 0 : i32
      %dma_wait3A_2538 = tpu.memref_slice %arg6[%arg1, %dma_wait3A_2537] : memref<16x16xf32, #tpu.memory_space<hbm>> -> memref<1x16xf32, #tpu.memory_space<hbm>>
      %dma_wait3A_2539 = tpu.memref_squeeze %dma_wait3A_2538 : memref<1x16xf32, #tpu.memory_space<hbm>> -> memref<16xf32, #tpu.memory_space<hbm>>
      tpu.wait_dma2 semaphore(%run_scoped3A : memref<!tpu.dma_semaphore, #tpu.memory_space<semaphore_mem>>) src(%arg13 : memref<16xf32, #tpu.memory_space<vmem>>) dst(%dma_wait3A_2539 : memref<16xf32, #tpu.memory_space<hbm>>)
      tpu.yield
    }) : () -> ()
    %barrier3A = arith.constant 0 : index
    tpu.barrier barrier_id(%barrier3A)
    %eq3A = arith.constant 0 : i32
    %eq3A_2526 = arith.cmpi eq, %arg1, %eq3A : i32
    %convert_element_type3A = arith.extui %eq3A_2526 : i1 to i32
    %cond3A = arith.constant 0 : i32
    %cond3A_2527 = arith.cmpi ne, %convert_element_type3A, %cond3A : i32
    scf.if %cond3A_2527 {
      "tpu.region"() ({
        %run_scoped3A = tpu.sem_alloc : memref<!tpu.dma_semaphore, #tpu.memory_space<semaphore_mem>>
        tpu.enqueue_dma source(%arg6 : memref<16x16xf32, #tpu.memory_space<hbm>>) target(%arg14 : memref<16x16xf32, #tpu.memory_space<vmem>>) target_semaphore(%run_scoped3A : memref<!tpu.dma_semaphore, #tpu.memory_space<semaphore_mem>>)
        tpu.wait_dma2 semaphore(%run_scoped3A : memref<!tpu.dma_semaphore, #tpu.memory_space<semaphore_mem>>) src(%arg6 : memref<16x16xf32, #tpu.memory_space<hbm>>) dst(%arg14 : memref<16x16xf32, #tpu.memory_space<vmem>>)
        tpu.yield
      }) : () -> ()
      %broadcast_in_dim3A_2528 = arith.constant 0.000000e+00 : f32
      %broadcast_in_dim3A_2529 = vector.broadcast %broadcast_in_dim3A_2528 : f32 to vector<16xf32>
      %get3A_2530 = arith.constant 0 : i32
      %get3A_2531 = arith.index_cast %get3A_2530 : i32 to index
      %get3A_2532 = arith.constant 0 : index
      %get3A_2533 = tpu.vector_load %arg14[%get3A_2531, %get3A_2532] {strides = array<i32>} : memref<16x16xf32, #tpu.memory_space<vmem>>, vector<1x16xf32>,
      %get3A_2534 = vector.shape_cast %get3A_2533 : vector<1x16xf32> to vector<16xf32>
      %add3A_2535 = arith.addf %broadcast_in_dim3A_2529, %get3A_2534 : vector<16xf32>
      %get3A_2536 = arith.constant 1 : i32
      %get3A_2537 = arith.index_cast %get3A_2536 : i32 to index
      %get3A_2538 = arith.constant 0 : index
      %get3A_2539 = tpu.vector_load %arg14[%get3A_2537, %get3A_2538] {strides = array<i32>} : memref<16x16xf32, #tpu.memory_space<vmem>>, vector<1x16xf32>,
      %get3A_2540 = vector.shape_cast %get3A_2539 : vector<1x16xf32> to vector<16xf32>
      %add3A_2541 = arith.addf %add3A_2535, %get3A_2540 : vector<16xf32>
      %get3A_2542 = arith.constant 2 : i32
      %get3A_2543 = arith.index_cast %get3A_2542 : i32 to index
      %get3A_2544 = arith.constant 0 : index
      %get3A_2545 = tpu.vector_load %arg14[%get3A_2543, %get3A_2544] {strides = array<i32>} : memref<16x16xf32, #tpu.memory_space<vmem>>, vector<1x16xf32>,
      %get3A_2546 = vector.shape_cast %get3A_2545 : vector<1x16xf32> to vector<16xf32>
      %add3A_2547 = arith.addf %add3A_2541, %get3A_2546 : vector<16xf32>
      %get3A_2548 = arith.constant 3 : i32
      %get3A_2549 = arith.index_cast %get3A_2548 : i32 to index
      %get3A_2550 = arith.constant 0 : index
      %get3A_2551 = tpu.vector_load %arg14[%get3A_2549, %get3A_2550] {strides = array<i32>} : memref<16x16xf32, #tpu.memory_space<vmem>>, vector<1x16xf32>,
      %get3A_2552 = vector.shape_cast %get3A_2551 : vector<1x16xf32> to vector<16xf32>
      %add3A_2553 = arith.addf %add3A_2547, %get3A_2552 : vector<16xf32>
      %get3A_2554 = arith.constant 4 : i32
      %get3A_2555 = arith.index_cast %get3A_2554 : i32 to index
      %get3A_2556 = arith.constant 0 : index
      %get3A_2557 = tpu.vector_load %arg14[%get3A_2555, %get3A_2556] {strides = array<i32>} : memref<16x16xf32, #tpu.memory_space<vmem>>, vector<1x16xf32>,
      %get3A_2558 = vector.shape_cast %get3A_2557 : vector<1x16xf32> to vector<16xf32>
      %add3A_2559 = arith.addf %add3A_2553, %get3A_2558 : vector<16xf32>
      %get3A_2560 = arith.constant 5 : i32
      %get3A_2561 = arith.index_cast %get3A_2560 : i32 to index
      %get3A_2562 = arith.constant 0 : index
      %get3A_2563 = tpu.vector_load %arg14[%get3A_2561, %get3A_2562] {strides = array<i32>} : memref<16x16xf32, #tpu.memory_space<vmem>>, vector<1x16xf32>,
      %get3A_2564 = vector.shape_cast %get3A_2563 : vector<1x16xf32> to vector<16xf32>
      %add3A_2565 = arith.addf %add3A_2559, %get3A_2564 : vector<16xf32>
      %get3A_2566 = arith.constant 6 : i32
      %get3A_2567 = arith.index_cast %get3A_2566 : i32 to index
      %get3A_2568 = arith.constant 0 : index
      %get3A_2569 = tpu.vector_load %arg14[%get3A_2567, %get3A_2568] {strides = array<i32>} : memref<16x16xf32, #tpu.memory_space<vmem>>, vector<1x16xf32>,
      %get3A_2570 = vector.shape_cast %get3A_2569 : vector<1x16xf32> to vector<16xf32>
      %add3A_2571 = arith.addf %add3A_2565, %get3A_2570 : vector<16xf32>
      %get3A_2572 = arith.constant 7 : i32
      %get3A_2573 = arith.index_cast %get3A_2572 : i32 to index
      %get3A_2574 = arith.constant 0 : index
      %get3A_2575 = tpu.vector_load %arg14[%get3A_2573, %get3A_2574] {strides = array<i32>} : memref<16x16xf32, #tpu.memory_space<vmem>>, vector<1x16xf32>,
      %get3A_2576 = vector.shape_cast %get3A_2575 : vector<1x16xf32> to vector<16xf32>
      %add3A_2577 = arith.addf %add3A_2571, %get3A_2576 : vector<16xf32>
      %get3A_2578 = arith.constant 8 : i32
      %get3A_2579 = arith.index_cast %get3A_2578 : i32 to index
      %get3A_2580 = arith.constant 0 : index
      %get3A_2581 = tpu.vector_load %arg14[%get3A_2579, %get3A_2580] {strides = array<i32>} : memref<16x16xf32, #tpu.memory_space<vmem>>, vector<1x16xf32>,
      %get3A_2582 = vector.shape_cast %get3A_2581 : vector<1x16xf32> to vector<16xf32>
      %add3A_2583 = arith.addf %add3A_2577, %get3A_2582 : vector<16xf32>
      %get3A_2584 = arith.constant 9 : i32
      %get3A_2585 = arith.index_cast %get3A_2584 : i32 to index
      %get3A_2586 = arith.constant 0 : index
      %get3A_2587 = tpu.vector_load %arg14[%get3A_2585, %get3A_2586] {strides = array<i32>} : memref<16x16xf32, #tpu.memory_space<vmem>>, vector<1x16xf32>,
      %get3A_2588 = vector.shape_cast %get3A_2587 : vector<1x16xf32> to vector<16xf32>
      %add3A_2589 = arith.addf %add3A_2583, %get3A_2588 : vector<16xf32>
      %get3A_2590 = arith.constant 10 : i32
      %get3A_2591 = arith.index_cast %get3A_2590 : i32 to index
      %get3A_2592 = arith.constant 0 : index
      %get3A_2593 = tpu.vector_load %arg14[%get3A_2591, %get3A_2592] {strides = array<i32>} : memref<16x16xf32, #tpu.memory_space<vmem>>, vector<1x16xf32>,
      %get3A_2594 = vector.shape_cast %get3A_2593 : vector<1x16xf32> to vector<16xf32>
      %add3A_2595 = arith.addf %add3A_2589, %get3A_2594 : vector<16xf32>
      %get3A_2596 = arith.constant 11 : i32
      %get3A_2597 = arith.index_cast %get3A_2596 : i32 to index
      %get3A_2598 = arith.constant 0 : index
      %get3A_2599 = tpu.vector_load %arg14[%get3A_2597, %get3A_2598] {strides = array<i32>} : memref<16x16xf32, #tpu.memory_space<vmem>>, vector<1x16xf32>,
      %get3A_2600 = vector.shape_cast %get3A_2599 : vector<1x16xf32> to vector<16xf32>
      %add3A_2601 = arith.addf %add3A_2595, %get3A_2600 : vector<16xf32>
      %get3A_2602 = arith.constant 12 : i32
      %get3A_2603 = arith.index_cast %get3A_2602 : i32 to index
      %get3A_2604 = arith.constant 0 : index
      %get3A_2605 = tpu.vector_load %arg14[%get3A_2603, %get3A_2604] {strides = array<i32>} : memref<16x16xf32, #tpu.memory_space<vmem>>, vector<1x16xf32>,
      %get3A_2606 = vector.shape_cast %get3A_2605 : vector<1x16xf32> to vector<16xf32>
      %add3A_2607 = arith.addf %add3A_2601, %get3A_2606 : vector<16xf32>
      %get3A_2608 = arith.constant 13 : i32
      %get3A_2609 = arith.index_cast %get3A_2608 : i32 to index
      %get3A_2610 = arith.constant 0 : index
      %get3A_2611 = tpu.vector_load %arg14[%get3A_2609, %get3A_2610] {strides = array<i32>} : memref<16x16xf32, #tpu.memory_space<vmem>>, vector<1x16xf32>,
      %get3A_2612 = vector.shape_cast %get3A_2611 : vector<1x16xf32> to vector<16xf32>
      %add3A_2613 = arith.addf %add3A_2607, %get3A_2612 : vector<16xf32>
      %get3A_2614 = arith.constant 14 : i32
      %get3A_2615 = arith.index_cast %get3A_2614 : i32 to index
      %get3A_2616 = arith.constant 0 : index
      %get3A_2617 = tpu.vector_load %arg14[%get3A_2615, %get3A_2616] {strides = array<i32>} : memref<16x16xf32, #tpu.memory_space<vmem>>, vector<1x16xf32>,
      %get3A_2618 = vector.shape_cast %get3A_2617 : vector<1x16xf32> to vector<16xf32>
      %add3A_2619 = arith.addf %add3A_2613, %get3A_2618 : vector<16xf32>
      %get3A_2620 = arith.constant 15 : i32
      %get3A_2621 = arith.index_cast %get3A_2620 : i32 to index
      %get3A_2622 = arith.constant 0 : index
      %get3A_2623 = tpu.vector_load %arg14[%get3A_2621, %get3A_2622] {strides = array<i32>} : memref<16x16xf32, #tpu.memory_space<vmem>>, vector<1x16xf32>,
      %get3A_2624 = vector.shape_cast %get3A_2623 : vector<1x16xf32> to vector<16xf32>
      %add3A_2625 = arith.addf %add3A_2619, %get3A_2624 : vector<16xf32>
      %xor3A = arith.constant 8 : i32
      %xor3A_2626 = vector.broadcast %xor3A : i32 to vector<16xi32>
      %xor3A_2627 = arith.xori %iota3A, %xor3A_2626 : vector<16xi32>
      %broadcast_in_dim3A_2628 = vector.shape_cast %xor3A_2627 : vector<16xi32> to vector<16x1xi32>
      %gather3A = vector.shape_cast %broadcast_in_dim3A_2628 : vector<16x1xi32> to vector<16xi32>
      %gather3A_2629 = tpu.dynamic_gather %add3A_2625[%gather3A] in [0] : vector<16xf32>, vector<16xi32> -> vector<16xf32>
      %add3A_2630 = arith.addf %add3A_2625, %gather3A_2629 : vector<16xf32>
      %xor3A_2631 = arith.constant 4 : i32
      %xor3A_2632 = vector.broadcast %xor3A_2631 : i32 to vector<16xi32>
      %xor3A_2633 = arith.xori %iota3A, %xor3A_2632 : vector<16xi32>
      %broadcast_in_dim3A_2634 = vector.shape_cast %xor3A_2633 : vector<16xi32> to vector<16x1xi32>
      %gather3A_2635 = vector.shape_cast %broadcast_in_dim3A_2634 : vector<16x1xi32> to vector<16xi32>
      %gather3A_2636 = tpu.dynamic_gather %add3A_2630[%gather3A_2635] in [0] : vector<16xf32>, vector<16xi32> -> vector<16xf32>
      %add3A_2637 = arith.addf %add3A_2630, %gather3A_2636 : vector<16xf32>
      %xor3A_2638 = arith.constant 2 : i32
      %xor3A_2639 = vector.broadcast %xor3A_2638 : i32 to vector<16xi32>
      %xor3A_2640 = arith.xori %iota3A, %xor3A_2639 : vector<16xi32>
      %broadcast_in_dim3A_2641 = vector.shape_cast %xor3A_2640 : vector<16xi32> to vector<16x1xi32>
      %gather3A_2642 = vector.shape_cast %broadcast_in_dim3A_2641 : vector<16x1xi32> to vector<16xi32>
      %gather3A_2643 = tpu.dynamic_gather %add3A_2637[%gather3A_2642] in [0] : vector<16xf32>, vector<16xi32> -> vector<16xf32>
      %add3A_2644 = arith.addf %add3A_2637, %gather3A_2643 : vector<16xf32>
      %xor3A_2645 = arith.constant 1 : i32
      %xor3A_2646 = vector.broadcast %xor3A_2645 : i32 to vector<16xi32>
      %xor3A_2647 = arith.xori %iota3A, %xor3A_2646 : vector<16xi32>
      %broadcast_in_dim3A_2648 = vector.shape_cast %xor3A_2647 : vector<16xi32> to vector<16x1xi32>
      %gather3A_2649 = vector.shape_cast %broadcast_in_dim3A_2648 : vector<16x1xi32> to vector<16xi32>
      %gather3A_2650 = tpu.dynamic_gather %add3A_2644[%gather3A_2649] in [0] : vector<16xf32>, vector<16xi32> -> vector<16xf32>
      %add3A_2651 = arith.addf %add3A_2644, %gather3A_2650 : vector<16xf32>
      %mul3A_2652 = arith.constant 6.10351563E-5 : f32
      %mul3A_2653 = vector.broadcast %mul3A_2652 : f32 to vector<16xf32>
      %mul3A_2654 = arith.mulf %add3A_2651, %mul3A_2653 : vector<16xf32>
      %swap3A_2655 = arith.constant 0 : index
      %swap3A_2656 = tpu.vector_load %arg13[%swap3A_2655] {strides = array<i32>} : memref<16xf32, #tpu.memory_space<vmem>>, vector<16xf32>,
      %swap3A_2657 = vector.shape_cast %swap3A_2656 : vector<16xf32> to vector<16xf32>
      %swap3A_2658 = vector.shape_cast %mul3A_2654 : vector<16xf32> to vector<16xf32>
      tpu.vector_store %arg13[%swap3A_2655], %swap3A_2658 {strides = array<i32>} : memref<16xf32, #tpu.memory_space<vmem>>, vector<16xf32>,
      "tpu.region"() ({
        %run_scoped3A = tpu.sem_alloc : memref<!tpu.dma_semaphore, #tpu.memory_space<semaphore_mem>>
        tpu.enqueue_dma source(%arg13 : memref<16xf32, #tpu.memory_space<vmem>>) target(%arg7 : memref<16xf32, #tpu.memory_space<hbm>>) target_semaphore(%run_scoped3A : memref<!tpu.dma_semaphore, #tpu.memory_space<semaphore_mem>>)
        tpu.wait_dma2 semaphore(%run_scoped3A : memref<!tpu.dma_semaphore, #tpu.memory_space<semaphore_mem>>) src(%arg13 : memref<16xf32, #tpu.memory_space<vmem>>) dst(%arg7 : memref<16xf32, #tpu.memory_space<hbm>>)
        tpu.yield
      }) : () -> ()
    } else {
    }
    return
  }
}

</mosaic_0001>

<sc_bundles>
// kernel: kernel.3.cloned.1.call-start
scs
__scs_entry_jumppad:
0x0: {  	(pc) =	sbr.rel $0x88, $3  }
0x1: {  	(tag) =	ssettag $0x0;
	lr =	simm.s32 $0x1  }
0x2: {  	[smem:$0x3F9D] =	sst lr;
	_ =	strace $0xD0000000  }
0x3: {  	_ = 	snop  }
0x4: {  	_ = 	snop  }
0x5: {  	_ = 	snop  }
0x6: {  	_ = 	snop  }
0x7: {  	_ = 	snop  }
__scs_overlays_trampoline_lowered:
0x8: {  	[smem:$0x3FAC] =	sst s0  }
0x9: {  	[smem:$0x3FAD] =	sst s1  }
0xa: {  	[smem:$0x3FAE] =	sst s2  }
0xb: {  	[smem:$0x3FAF] =	sst s3  }
0xc: {  	[smem:$0x3FB0] =	sst s4  }
0xd: {  	[smem:$0x3FB1] =	sst s5  }
0xe: {  	[smem:$0x3FB2] =	sst s6  }
0xf: {  	[smem:$0x3FB3] =	sst s7  }
0x10: {  	[smem:$0x3FB4] =	sst s8  }
0x11: {  	[smem:$0x3FB5] =	sst s9;
	s0 =	simm.s32 @!p0 $0x0  }
0x12: {  	s1 =	sld [smem:$0x3F9B];
	s0 =	simm.s32 @p0 $0x1  }
0x13: {  	[smem:$0x3FB6] =	sst s0;
	s0 =	simm.s32 @!p1 $0x0  }
0x14: {  	s2 =	sld [smem:$0x3F9A];
	s0 =	simm.s32 @p1 $0x1  }
0x15: {  	[smem:$0x3FB7] =	sst s0;
	s0 =	simm.s32 @!p2 $0x0  }
0x16: {  	s3 =	sld [smem:$0x3FDB];
	s0 =	simm.s32 @p2 $0x1  }
0x17: {  	s4 =	simm.s32 $0x1BF5;
	[smem:$0x3FB9] =	sst s0  }
0x18: {  	s0 =	sld [smem:$0x3F9C];
	_ =	swait.ge [sflag:s4], $0x0  }
0x19: {  	s7 =	sld [smem:$0x3F9D]  }
0x1a: {  	s8 =	sadd.s32 $0xFFFFE003, lr  }
0x1b: {  	s9 =	sadd.s32 $0xFFFFFEF7, lr;
	s5 =	simm.s32 $0xFFFFFFFF;
	p2 =	slt.u32 s8, $0xFFFFF086  }
0x1c: {  	p1 =	slt.u32 s9, $0xF7A;
	s5 =	simm.s32 @!p2 $0x0  }
0x1d: {  	s5 =	simm.s32 @p1 $0x1;
	p0 =	seq.s32 s7, s2  }
0x1e: {  	s7 =	smul.u32 @!p0 $0xF7A, s2;
	p2 =	seq.s32 @!p0 s5, $0x0  }
0x1f: {  	s9 =	smul.u32 $0xF7A, s1;
	s8 =	simm.s32 @!p0 $0x1BF5;
	p2 =	por !p2, p0  }
0x20: {  	[sflag:s8] =	ssyncset.s32 @!p0 $0xFFFFF086;
	s6 =	sadd.s32 @!p0 s3, s7;
	s7 =	simm.s32 @!p0 $0x108  }
0x21: {  	s3 =	sadd.s32 s3, s9;
	s6 =	sadd.s32 @!p0 $0x88, s6;
	s7 =	simm.s32 @p2 $0x1082  }
0x22: {  	[simem:s7], [sflag:s8] =	dma.local @!p0 [hbm:s6], $0xF7A  }
0x23: {  	s9 =	sor.u32 $0xD0000000, s2;
	s6 =	simm.s32 $0x108;
	_ =	swait.ge @!p0 [sflag:s8], $0x0  }
0x24: {  	s3 =	sadd.s32 $0x88, s3;
	s6 =	simm.s32 @!p1 $0x1082;
	[sflag:s4] =	ssyncset.s32 $0xFFFFF086  }
0x25: {  	[simem:s6], [sflag:s4] =	dma.local [hbm:s3], $0xF7A  }
0x26: {  	[smem:$0x3F9D] =	sst s1;
	(tag) =	ssettag s2;
	_ =	strace s9  }
0x27: {  	s1 =	sld [smem:$0x3FAD]  }
0x28: {  	s2 =	sld [smem:$0x3FAE]  }
0x29: {  	s4 =	sld [smem:$0x3FB0]  }
0x2a: {  	p0 =	seq.s32 s5, $0x0;
	s5 =	sld [smem:$0x3FB1]  }
0x2b: {  	s6 =	sld [smem:$0x3FB2]  }
0x2c: {  	s7 =	sld [smem:$0x3FB3]  }
0x2d: {  	s3 =	simm.s32 $0x108;
	s8 =	sld [smem:$0x3FB4]  }
0x2e: {  	s3 =	simm.s32 @!p0 $0x1082;
	s9 =	sld [smem:$0x3FB5]  }
0x2f: {  	lr =	sadd.s32 s0, s3;
	s0 =	sld [smem:$0x3FAC]  }
0x30: {  	s3 =	sld [smem:$0x3FAF]  }
0x31: {  	[smem:$0x3FB8] =	sst s10  }
0x32: {  	s10 =	sld [smem:$0x3FB6];
	_ =	sdelay $0x3  }
0x33: {  	p0 =	seq.s32 s10, $0x1;
	s10 =	sld [smem:$0x3FB8];
	_ =	sdelay $0x3  }
0x34: {  	[smem:$0x3FB8] =	sst s10  }
0x35: {  	s10 =	sld [smem:$0x3FB7];
	_ =	sdelay $0x3  }
0x36: {  	p1 =	seq.s32 s10, $0x1;
	s10 =	sld [smem:$0x3FB8];
	_ =	sdelay $0x3  }
0x37: {  	[smem:$0x3FB8] =	sst s10  }
0x38: {  	s10 =	sld [smem:$0x3FB9]  }
0x39: {  	_ = 	snop;
	(pc) =	sbr.ind lr, $3  }
0x3a: {  	_ = 	snop  }
0x3b: {  	_ = 	snop  }
0x3c: {  	p2 =	seq.s32 s10, $0x1;
	s10 =	sld [smem:$0x3FB8]  }
0x3d: {  	_ =	shalt  }
0x3e: {  	_ =	shalt  }
0x3f: {  	_ =	shalt  }
0x40: {  	_ =	shalt  }
0x41: {  	_ =	shalt  }
0x42: {  	_ =	shalt  }
0x43: {  	_ =	shalt  }
0x44: {  	_ =	shalt  }
0x45: {  	_ =	shalt  }
0x46: {  	_ =	shalt  }
0x47: {  	_ =	shalt  }
0x48: {  	_ =	shalt  }
0x49: {  	_ =	shalt  }
0x4a: {  	_ =	shalt  }
0x4b: {  	_ =	shalt  }
0x4c: {  	_ =	shalt  }
0x4d: {  	_ =	shalt  }
0x4e: {  	_ =	shalt  }
0x4f: {  	_ =	shalt  }
0x50: {  	_ =	shalt  }
0x51: {  	_ =	shalt  }
0x52: {  	_ =	shalt  }
0x53: {  	_ =	shalt  }
0x54: {  	_ =	shalt  }
0x55: {  	_ =	shalt  }
0x56: {  	_ =	shalt  }
0x57: {  	_ =	shalt  }
0x58: {  	_ =	shalt  }
0x59: {  	_ =	shalt  }
0x5a: {  	_ =	shalt  }
0x5b: {  	_ =	shalt  }
0x5c: {  	_ =	shalt  }
0x5d: {  	_ =	shalt  }
0x5e: {  	_ =	shalt  }
0x5f: {  	_ =	shalt  }
0x60: {  	_ =	shalt  }
0x61: {  	_ =	shalt  }
0x62: {  	_ =	shalt  }
0x63: {  	_ =	shalt  }
0x64: {  	_ =	shalt  }
0x65: {  	_ =	shalt  }
0x66: {  	_ =	shalt  }
0x67: {  	_ =	shalt  }
0x68: {  	_ =	shalt  }
0x69: {  	_ =	shalt  }
0x6a: {  	_ =	shalt  }
0x6b: {  	_ =	shalt  }
0x6c: {  	_ =	shalt  }
0x6d: {  	_ =	shalt  }
0x6e: {  	_ =	shalt  }
0x6f: {  	_ =	shalt  }
0x70: {  	_ =	shalt  }
0x71: {  	_ =	shalt  }
0x72: {  	_ =	shalt  }
0x73: {  	_ =	shalt  }
0x74: {  	_ =	shalt  }
0x75: {  	_ =	shalt  }
0x76: {  	_ =	shalt  }
0x77: {  	_ =	shalt  }
0x78: {  	_ =	shalt  }
0x79: {  	_ =	shalt  }
0x7a: {  	_ =	shalt  }
0x7b: {  	_ =	shalt  }
0x7c: {  	_ =	shalt  }
0x7d: {  	_ =	shalt  }
0x7e: {  	_ =	shalt  }
0x7f: {  	_ =	shalt  }
0x80: {  	_ =	shalt  }
0x81: {  	_ =	shalt  }
0x82: {  	_ =	shalt  }
0x83: {  	_ =	shalt  }
0x84: {  	_ =	shalt  }
0x85: {  	_ =	shalt  }
0x86: {  	_ =	shalt  }
0x87: {  	_ =	shalt  }
.Lfunc_end0:
.L_simem_size_0:
called_computation_lowered:
.L_overlay_start_0:
0x88: {  	s0 =	sld [smem:$0x3FD9]  }
0x89: {  	s1 =	sld [smem:$0x3FFE];
	_ =	sdelay $0x3  }
0x8a: {  	s0 =	sadd.s32 s1, s0  }
0x8b: {  	[smem:$0x3FC4] =	sst s0  }
0x8c: {  	_ = 	snop  }
0x8d: {  	s0 =	sld [smem:$0x3FC8]  }
0x8e: {  	s16 =	sld [smem:$0x3FC7]  }
0x8f: {  	s2 =	sld [smem:$0x3FC6]  }
0x90: {  	s3 =	sld [smem:$0x3FD0];
	(tm) =	ssettm $0x1  }
0x91: {  	s4 =	sld [smem:$0x3FFB];
	_ =	sdelay $0x3  }
0x92: {  	_ =	strace s4  }
0x93: {  	s4 =	sld [smem:$0x3FFC];
	_ =	sdelay $0x3  }
0x94: {  	_ =	strace s4  }
0x95: {  	s4 =	sld [smem:$0x3FFD];
	_ =	sdelay $0x3  }
0x96: {  	_ =	strace s4  }
0x97: {  	_ =	strace $0x8FFFFFFF  }
0x98: {  	s17 =	sld [smem:$0x3FDB];
	_ =	sdelay $0x1  }
0x99: {  	s5 =	simm.s32 $_scs_section_size  }
0x9a: {  	s6 =	simm.s32 $_size__tile_overlayer_lowered;
	s7 =	simm.s32 $_tile_overlayer_lowered  }
0x9b: {  	s20 =	simm.s32 $0x1BFF;
	s19 =	sshll.u32 s7, $0x1;
	s4 =	sadd.s32 s5, s17  }
0x9c: {  	s8 =	simm.s32 $0x0;
	s18 =	sshll.u32 s6, $0x1;
	s6 =	sadd.s32 s19, s4  }
0x9d: {  	[timem:s8], [sflag:s20] =	dma.local [hbm:s6], s18  }
0x9e: {  	_ =	swait.ge [sflag:s20], s18  }
0x9f: {  	s5 =	ssub.s32 $0x0, s18;
	[sflag:s20] =	ssyncset.done $0x0  }
0xa0: {  	[sflag:s20] =	ssyncadd.s32 s5;
	_ =	sdelay $0x1  }
0xa1: {  	s21 =	simm.s32 $0x1B8B  }
0xa2: {  	_ =	swait.ge [sflag:s21], $0x1  }
0xa3: {  	[sflag:s21] =	ssyncset.done $0x0  }
0xa4: {  	s23 =	simm.s32 $0x1B8E;
	s22 =	sld [smem:$0x3FFE];
	[sflag:s21] =	ssyncadd.s32 $0xFFFFFFFF  }
0xa5: {  	s24 =	simm.s32 $execute0_lowered;
	[smem:$0x3FD2] =	sst s23  }
0xa6: {  	s6 =	sshll.u32 s24, $0x1;
	_ =	strace $0x80000046;
	[dreg:$0x1] =	wrdreg $0xFFFFFFFF  }
0xa7: {  	s25 =	simm.s32 $_size_execute0_lowered;
	s4 =	sadd.s32 s4, s6;
	[dreg:$0x0] =	wrdreg $0x0  }
0xa8: {  	s6 =	sshll.u32 s25, $0x1;
	[dreg:$0x2] =	wrdreg s4  }
0xa9: {  	[dreg:$0x3] =	wrdreg s6  }
0xaa: {  	[dreg:$0x4] =	wrdreg $0xC0  }
0xab: {  	_ =	task [dreg:s8], $0x5FFFF  }
0xac: {  	[dreg:$0x1] =	wrdreg $0xFFFFFFFF  }
0xad: {  	[dreg:$0x0] =	wrdreg $0x60  }
0xae: {  	[dreg:$0x2] =	wrdreg s22  }
0xaf: {  	[dreg:$0x3] =	wrdreg s0  }
0xb0: {  	[dreg:$0x4] =	wrdreg s16  }
0xb1: {  	[dreg:$0x5] =	wrdreg s2  }
0xb2: {  	[dreg:$0x6] =	wrdreg s3  }
0xb3: {  	[dreg:$0x7] =	wrdreg $0x9  }
0xb4: {  	_ =	task.clear_ibuf [dreg:s8], $0x8FFFF;
	_ =	strace $0x90000046  }
0xb5: {  	s26 =	simm.s32 $0x9;
	_ =	strace $0x80000048  }
0xb6: {  	_ =	swait.ge [sflag:s26], $0x1  }
0xb7: {  	[sflag:s26] =	ssyncadd.s32 $0xFFFFFFFF  }
0xb8: {  	_ =	strace $0x90000048  }
0xb9: {  	_ =	sfence  }
0xba: {  	s28 =	sld [smem:$0x0];
	_ =	sdelay $0x1  }
0xbb: {  	s29 =	srdreg.scid  }
0xbc: {  	s30 =	sshll.u32 s29, $0xD;
	s31 =	sshrl.u32 s29, $0x2  }
0xbd: {  	s1 =	sand.u32 $0x1, s29;
	s2 =	sand.u32 $0x4000, s30;
	s0 =	sadd.s32 s31, s28  }
0xbe: {  	s1 =	sor.u32 s2, s1;
	s0 =	sshll.u32 s0, $0x11  }
0xbf: {  	s0 =	sor.u32 s0, s1  }
0xc0: {  	s0 =	sadd.s32 $0x8F2B, s0  }
0xc1: {  	[sflag:s0] =	ssyncadd.remote.s32 $0x1  }
0xc2: {  	_ =	sfence.sel $0xFFFF  }
0xc3: {  	[dreg:$0x0] =	wrdreg $0xFFFFFFFF;
	(pc) =	sbr.abs _section_cstart, $3  }
0xc4: {  	[dreg:$0x1] =	wrdreg $0xFFFFFFFF  }
0xc5: {  	_ =	task.clear_ibuf [dreg:s8], $0x2FFFF;
	_ =	strace $0x9FFFFFFF  }
0xc6: {  	(tm) =	ssettm $0x7FFFFFFF  }
0xc7: {  	_ =	shalt  }
tec
execute0_lowered:
.L_overlay_start_1:
0x0: {  	(tag) =	ssettag $0x1  }
0x1: {  	s5 =	rddreg [dreg:$0x0]  }
0x2: {  	s3 =	rddreg [dreg:$0x1]  }
0x3: {  	s6 =	rddreg [dreg:$0x2]  }
0x4: {  	s7 =	rddreg [dreg:$0x3]  }
0x5: {  	s1 =	rddreg [dreg:$0x4];
	s2 =	simm.s32 $0x0;
	s4 =	stileid.u32  }
0x6: {  	[smem:$0x7FF] =	sst s2;
	s8 =	sshll.u32 s4, $0x7  }
0x7: {  	s0 =	rddreg [dreg:$0x5];
	_ =	strace $0x80000047;
	s3 =	sadd.s32 s3, s8  }
0x8: {  	[tilespmem:s2], [sflag:$0x2] =	stream.linear.gather [hbm4b:s3+s2], $0x400, $0x38;
	[tilespmem:$0x1C80] =	vst v63  }
0x9: {  	s3 =	simm.s32 $0x2  }
0xa: {  	_ =	swait.ge [sflag:s3], $0x400  }
0xb: {  	[sflag:s3] =	ssyncset.done $0x0  }
0xc: {  	s9 =	simm.s32 $0xC00;
	s6 =	sadd.s32 s6, s8;
	[sflag:s3] =	ssyncadd.s32 $0xFFFFFC00  }
0xd: {  	[tilespmem:s9], [sflag:$0x2] =	stream.linear.gather [hbm4b:s6+s2], $0x400, $0x38;
	[tilespmem:$0x1C80] =	vst v63  }
0xe: {  	s16 =	simm.s32 $0x1000;
	s15 =	sadd.s32 s7, s8;
	s6 =	sshll.u32 s4, $0xA  }
0xf: {  	_ =	swait.ge [sflag:s3], $0x400;
	s17 =	sor.u32 $0x10, s6;
	s18 =	sor.u32 $0x20, s6  }
0x10: {  	s19 =	sor.u32 $0x30, s6;
	s20 =	sor.u32 $0x40, s6;
	s21 =	sor.u32 $0x50, s6  }
0x11: {  	v8 =	vlaneseq.u32;
	v0 =	vmov s6;
	s22 =	sor.u32 $0x60, s6;
	s23 =	sor.u32 $0x70, s6;
	s24 =	sor.u32 $0x80, s6  }
0x12: {  	s25 =	sor.u32 $0x90, s6;
	s26 =	sor.u32 $0xA0, s6;
	s28 =	sor.u32 $0xB0, s6;
	v0 =	vmul.u32 $0x3E8, v0;
	v2 =	vmov s17;
	v5 =	vmov s18  }
0x13: {  	s29 =	sor.u32 $0xC0, s6;
	s30 =	sor.u32 $0xD0, s6;
	[sflag:s3] =	ssyncset.done $0x0;
	v6 =	vmov s19;
	v30 =	vmov s20;
	v33 =	vmov s21  }
0x14: {  	s31 =	sor.u32 $0xE0, s6;
	s9 =	sor.u32 $0xF0, s6;
	v10 =	vmov s22;
	v37 =	vmov s23;
	v38 =	vmov s24;
	[sflag:s3] =	ssyncadd.s32 $0xFFFFFC00  }
0x15: {  	v43 =	vmov s25;
	v44 =	vmov s26;
	v16 =	vmov s28;
	[tilespmem:s16], [sflag:$0x2] =	stream.linear.gather [hbm4b:s15+s2], $0x400, $0x38;
	[tilespmem:$0x1C80] =	vst v63  }
0x16: {  	s10 =	sor.u32 $0x100, s6;
	s13 =	sor.u32 $0x130, s6;
	v49 =	vmov s29;
	v55 =	vmov s30;
	v56 =	vmov s31;
	_ =	swait.ge [sflag:s3], $0x400  }
0x17: {  	s14 =	sor.u32 $0x140, s6;
	v20 =	vmov s9;
	v58 =	vmov s10;
	v23 =	vmov s13;
	[sflag:s3] =	ssyncset.done $0x0  }
0x18: {  	v25 =	vmov s14;
	v2 =	vmul.u32 $0x3E8, v2;
	v5 =	vmul.u32 $0x3E8, v5;
	[sflag:s3] =	ssyncadd.s32 $0xFFFFFC00  }
0x19: {  	v6 =	vmul.u32 $0x3E8, v6;
	v31 =	vmul.u32 $0x3E8, v30;
	v36 =	vmul.u32 $0x3E8, v10;
	v1 =	vld [tilespmem:$0x0]  }
0x1a: {  	v39 =	vmul.u32 $0x3E8, v38;
	v15 =	vmul.u32 $0x3E8, v43;
	v45 =	vmul.u32 $0x3E8, v44;
	v3 =	vld [tilespmem:$0x10]  }
0x1b: {  	v16 =	vmul.u32 $0x3E8, v16;
	v51 =	vmul.u32 $0x3E8, v49;
	v19 =	vmul.u32 $0x3E8, v55;
	v4 =	vld [tilespmem:$0x20]  }
0x1c: {  	s11 =	sor.u32 $0x110, s6;
	v57 =	vmul.u32 $0x3E8, v20;
	v61 =	vmul.u32 $0x3E8, v58;
	v0 =	vbroadcast v0, $0x0;
	v7 =	vld [tilespmem:$0x30]  }
0x1d: {  	s18 =	sor.u32 $0x180, s6;
	v30 =	vmov s11;
	v2 =	vbroadcast v2, $0x0;
	v5 =	vbroadcast v5, $0x0;
	v9 =	vld [tilespmem:$0x40]  }
0x1e: {  	s24 =	sor.u32 $0x1E0, s6;
	v44 =	vmov s18;
	v6 =	vbroadcast v6, $0x0;
	v35 =	vbroadcast v31, $0x0;
	v11 =	vld [tilespmem:$0x60]  }
0x1f: {  	v58 =	vmov s24;
	s16 =	sor.u32 $0x160, s6;
	v10 =	vbroadcast v36, $0x0;
	v42 =	vbroadcast v39, $0x0;
	v13 =	vld [tilespmem:$0x80]  }
0x20: {  	v47 =	vbroadcast v15, $0x0;
	v48 =	vbroadcast v16, $0x0;
	v38 =	vmov s16;
	v41 =	vld [tilespmem:$0x90]  }
0x21: {  	s12 =	sor.u32 $0x120, s6;
	s23 =	sor.u32 $0x1D0, s6;
	s15 =	sor.u32 $0x150, s6;
	v19 =	vbroadcast v19, $0x0;
	v20 =	vbroadcast v57, $0x0;
	v39 =	vmul.u32 $0x3E8, v38;
	v17 =	vld [tilespmem:$0xB0]  }
0x22: {  	v31 =	vmov s12;
	v26 =	vmov s15;
	v57 =	vmov s23;
	v54 =	vld [tilespmem:$0xD0]  }
0x23: {  	v36 =	vmul.u32 $0x3E8, v26;
	v21 =	vld [tilespmem:$0xF0];
	v26 =	vbroadcast v39, $0x0;
	v1 =	vadd.s32 v1, v0  }
0x24: {  	v0 =	vmul.u32 $0x3E8, v8;
	v2 =	vadd.s32 v3, v2;
	v4 =	vadd.s32 v4, v5  }
0x25: {  	v32 =	vadd.s32 v7, v6;
	v6 =	vmul.u32 $0x3E8, v33;
	v7 =	vadd.s32 v9, v35  }
0x26: {  	v28 =	vld [tilespmem:$0x160];
	v9 =	vmul.u32 $0x3E8, v37;
	v40 =	vadd.s32 v11, v10;
	v46 =	vadd.s32 v13, v42  }
0x27: {  	v50 =	vadd.s32 v41, v47;
	v53 =	vadd.s32 v17, v48;
	v11 =	vbroadcast v51, $0x0  }
0x28: {  	v17 =	vmul.u32 $0x3E8, v56;
	v59 =	vadd.s32 v54, v19;
	v62 =	vadd.s32 v21, v20  }
0x29: {  	s20 =	sor.u32 $0x1A0, s6;
	v52 =	vld [tilespmem:$0xC0];
	v19 =	vmul.u32 $0x3E8, v30;
	v20 =	vmul.u32 $0x3E8, v31;
	v33 =	vmul.u32 $0x3E8, v23  }
0x2a: {  	s17 =	sor.u32 $0x170, s6;
	v35 =	vmul.u32 $0x3E8, v25;
	v25 =	vbroadcast v36, $0x0;
	v31 =	vmov s20  }
0x2b: {  	v27 =	vld [tilespmem:$0x150];
	v42 =	vmov s17;
	v26 =	vadd.s32 v28, v26;
	v48 =	vmul.u32 $0x3E8, v31  }
0x2c: {  	v3 =	vadd.s32 v0, v1;
	v1 =	vadd.s32 v0, v2;
	v4 =	vadd.s32 v0, v4  }
0x2d: {  	v34 =	vld [tilespmem:$0x50];
	v2 =	vadd.s32 v0, v32;
	v6 =	vbroadcast v6, $0x0;
	v7 =	vadd.s32 v0, v7  }
0x2e: {  	v12 =	vld [tilespmem:$0x70];
	v9 =	vbroadcast v9, $0x0;
	v10 =	vadd.s32 v0, v46;
	v11 =	vadd.s32 v52, v11  }
0x2f: {  	v18 =	vld [tilespmem:$0xE0];
	v17 =	vbroadcast v17, $0x0;
	v16 =	vadd.s32 v0, v62;
	v19 =	vbroadcast v19, $0x0  }
0x30: {  	s19 =	sor.u32 $0x190, s6;
	s22 =	sor.u32 $0x1C0, s6;
	v63 =	vld [tilespmem:$0x110];
	v20 =	vbroadcast v20, $0x0;
	v37 =	vbroadcast v35, $0x0;
	v41 =	vadd.s32 v27, v25  }
0x31: {  	v46 =	vmov s19;
	v23 =	vadd.s32 v0, v26;
	v52 =	vmov s22  }
0x32: {  	s8 =	sor.u32 $0x250, s6;
	s24 =	sor.u32 $0x350, s6;
	v13 =	vadd.s32 v0, v11;
	v27 =	vmul.u32 $0x3E8, v46;
	v25 =	vbroadcast v48, $0x0  }
0x33: {  	v31 =	vmul.u32 $0x3E8, v52;
	v52 =	vmov s8;
	[tilespmem:$0x560] =	vst v23;
	v23 =	vmov s24  }
0x34: {  	v14 =	vld [tilespmem:$0xA0];
	v6 =	vadd.s32 v34, v6;
	v9 =	vadd.s32 v12, v9;
	v12 =	vbroadcast v45, $0x0  }
0x35: {  	v22 =	vld [tilespmem:$0x100];
	v60 =	vadd.s32 v18, v17;
	v17 =	vbroadcast v61, $0x0;
	v18 =	vadd.s32 v63, v19  }
0x36: {  	v45 =	vmul.u32 $0x3E8, v44;
	v61 =	vmul.u32 $0x3E8, v58;
	v5 =	vadd.s32 v0, v6  }
0x37: {  	v6 =	vadd.s32 v0, v40;
	v8 =	vadd.s32 v0, v9;
	v9 =	vadd.s32 v0, v50  }
0x38: {  	s21 =	sor.u32 $0x1B0, s6;
	v32 =	vld [tilespmem:$0x120];
	v11 =	vadd.s32 v0, v60;
	v18 =	vadd.s32 v0, v18;
	v27 =	vbroadcast v27, $0x0  }
0x39: {  	v47 =	vld [tilespmem:$0x190];
	v50 =	vmov s21;
	v56 =	vbroadcast v31, $0x0;
	v60 =	vmul.u32 $0x3E8, v57  }
0x3a: {  	v12 =	vadd.s32 v14, v12;
	v17 =	vadd.s32 v22, v17;
	v22 =	vbroadcast v33, $0x0  }
0x3b: {  	s30 =	sor.u32 $0x230, s6;
	s12 =	sor.u32 $0x290, s6;
	v24 =	vld [tilespmem:$0x130];
	v14 =	vadd.s32 v0, v59;
	v30 =	vbroadcast v45, $0x0;
	v63 =	vbroadcast v61, $0x0  }
0x3c: {  	v29 =	vld [tilespmem:$0x180];
	v45 =	vmov s30;
	v61 =	vmov s12;
	v15 =	vadd.s32 v0, v12  }
0x3d: {  	v12 =	vadd.s32 v0, v53;
	v17 =	vadd.s32 v0, v17;
	v20 =	vadd.s32 v32, v20  }
0x3e: {  	s11 =	sor.u32 $0x280, s6;
	s17 =	sor.u32 $0x2E0, s6;
	[tilespmem:$0x420] =	vst v4;
	v53 =	vadd.s32 v47, v27;
	v4 =	vbroadcast v60, $0x0;
	v46 =	vmul.u32 $0x3E8, v45  }
0x3f: {  	s18 =	sor.u32 $0x2F0, s6;
	v34 =	vld [tilespmem:$0x140];
	[tilespmem:$0x4D0] =	vst v14;
	v14 =	vmul.u32 $0x3E8, v52;
	v60 =	vmov s11;
	v45 =	vmov s17  }
0x40: {  	v55 =	vld [tilespmem:$0x1D0];
	v52 =	vmov s18;
	v22 =	vadd.s32 v24, v22;
	v21 =	vadd.s32 v0, v20  }
0x41: {  	s9 =	sor.u32 $0x260, s6;
	v24 =	vmul.u32 $0x3E8, v42;
	v20 =	vadd.s32 v0, v41;
	v49 =	vadd.s32 v29, v30  }
0x42: {  	s14 =	sor.u32 $0x2B0, s6;
	[tilespmem:$0x400] =	vst v3;
	s21 =	sor.u32 $0x320, s6;
	v29 =	vmul.u32 $0x3E8, v50;
	v3 =	vadd.s32 v0, v53;
	v53 =	vmov s9  }
0x43: {  	[tilespmem:$0x510] =	vst v18;
	v18 =	vmul.u32 $0x3E8, v60;
	v30 =	vmov s14;
	v60 =	vmov s21  }
0x44: {  	s26 =	sor.u32 $0x200, s6;
	[tilespmem:$0x410] =	vst v1;
	v33 =	vld [tilespmem:$0x1C0];
	v19 =	vadd.s32 v0, v22;
	v40 =	vadd.s32 v34, v37;
	v26 =	vadd.s32 v0, v49  }
0x45: {  	s31 =	sor.u32 $0x240, s6;
	v59 =	vld [tilespmem:$0x1E0];
	[tilespmem:$0x4B0] =	vst v12;
	v4 =	vadd.s32 v55, v4;
	v37 =	vmov s26;
	v12 =	vbroadcast v46, $0x0  }
0x46: {  	v43 =	vld [tilespmem:$0x170];
	s19 =	sor.u32 $0x300, s6;
	[tilespmem:$0x430] =	vst v2;
	v49 =	vmov s31;
	v55 =	vmul.u32 $0x3E8, v53;
	v14 =	vbroadcast v14, $0x0  }
0x47: {  	s28 =	sor.u32 $0x210, s6;
	v51 =	vld [tilespmem:$0x1B0];
	[tilespmem:$0x440] =	vst v7;
	v53 =	vmov s19;
	v22 =	vadd.s32 v0, v40;
	v24 =	vbroadcast v24, $0x0  }
0x48: {  	[tilespmem:$0x480] =	vst v10;
	v32 =	vld [tilespmem:$0x1A0];
	v54 =	vbroadcast v29, $0x0;
	v7 =	vmul.u32 $0x3E8, v37;
	v40 =	vmov s28  }
0x49: {  	s25 =	sor.u32 $0x1F0, s6;
	v4 =	vadd.s32 v0, v4;
	[tilespmem:$0x530] =	vst v19;
	v19 =	vmul.u32 $0x3E8, v61;
	v27 =	vbroadcast v18, $0x0  }
0x4a: {  	s10 =	sor.u32 $0x270, s6;
	[tilespmem:$0x4F0] =	vst v16;
	v1 =	vadd.s32 v33, v56;
	v33 =	vmov s25;
	v36 =	vadd.s32 v59, v63  }
0x4b: {  	s13 =	sor.u32 $0x2A0, s6;
	s15 =	sor.u32 $0x2C0, s6;
	v47 =	vld [tilespmem:$0x230];
	[tilespmem:$0x4A0] =	vst v15;
	v42 =	vmul.u32 $0x3E8, v40;
	v15 =	vbroadcast v55, $0x0;
	v56 =	vmov s10  }
0x4c: {  	[tilespmem:$0x4C0] =	vst v13;
	v63 =	vmov s13;
	v40 =	vmov s15;
	v55 =	vmul.u32 $0x3E8, v52  }
0x4d: {  	[tilespmem:$0x450] =	vst v5;
	v24 =	vadd.s32 v43, v24;
	v25 =	vadd.s32 v32, v25;
	v62 =	vadd.s32 v51, v54  }
0x4e: {  	s29 =	sor.u32 $0x220, s6;
	[tilespmem:$0x460] =	vst v6;
	v1 =	vadd.s32 v0, v1;
	v35 =	vmul.u32 $0x3E8, v33;
	v6 =	vadd.s32 v0, v36  }
0x4f: {  	[tilespmem:$0x470] =	vst v8;
	v50 =	vld [tilespmem:$0x250];
	v7 =	vbroadcast v7, $0x0;
	v43 =	vmov s29;
	v51 =	vmul.u32 $0x3E8, v49  }
0x50: {  	v38 =	vld [tilespmem:$0x200];
	[tilespmem:$0x550] =	vst v20;
	s10 =	sor.u32 $0x3E0, s6;
	v12 =	vadd.s32 v47, v12;
	v57 =	vmul.u32 $0x3E8, v56;
	v20 =	vmul.u32 $0x3E8, v63  }
0x51: {  	v48 =	vld [tilespmem:$0x240];
	[tilespmem:$0x490] =	vst v9;
	v28 =	vbroadcast v19, $0x0;
	v56 =	vmul.u32 $0x3E8, v53;
	v18 =	vmov s10  }
0x52: {  	[tilespmem:$0x4E0] =	vst v11;
	v41 =	vld [tilespmem:$0x210];
	v24 =	vadd.s32 v0, v24;
	v2 =	vadd.s32 v0, v25;
	v5 =	vadd.s32 v0, v62  }
0x53: {  	v58 =	vld [tilespmem:$0x270];
	[tilespmem:$0x500] =	vst v17;
	v10 =	vbroadcast v42, $0x0;
	v9 =	vmul.u32 $0x3E8, v43;
	v12 =	vadd.s32 v0, v12  }
0x54: {  	v34 =	vld [tilespmem:$0x1F0];
	[tilespmem:$0x520] =	vst v21;
	v14 =	vadd.s32 v50, v14;
	v43 =	vmul.u32 $0x3E8, v40;
	v39 =	vbroadcast v35, $0x0  }
0x55: {  	[tilespmem:$0x590] =	vst v3;
	v59 =	vld [tilespmem:$0x280];
	v7 =	vadd.s32 v38, v7;
	v11 =	vbroadcast v51, $0x0;
	v13 =	vbroadcast v57, $0x0  }
0x56: {  	s23 =	sor.u32 $0x340, s6;
	[tilespmem:$0x580] =	vst v26;
	v14 =	vadd.s32 v0, v14;
	v29 =	vbroadcast v20, $0x0;
	v57 =	vbroadcast v56, $0x0  }
0x57: {  	s16 =	sor.u32 $0x2D0, s6;
	v44 =	vld [tilespmem:$0x220];
	[tilespmem:$0x540] =	vst v22;
	v20 =	vmov s23;
	v7 =	vadd.s32 v0, v7;
	v10 =	vadd.s32 v41, v10  }
0x58: {  	v54 =	vld [tilespmem:$0x260];
	[tilespmem:$0x5C0] =	vst v1;
	v9 =	vbroadcast v9, $0x0;
	v41 =	vmov s16;
	v1 =	vbroadcast v43, $0x0  }
0x59: {  	[tilespmem:$0x5D0] =	vst v4;
	v8 =	vadd.s32 v34, v39;
	v10 =	vadd.s32 v0, v10;
	v11 =	vadd.s32 v48, v11  }
0x5a: {  	s20 =	sor.u32 $0x310, s6;
	v62 =	vld [tilespmem:$0x290];
	[tilespmem:$0x5E0] =	vst v6;
	v13 =	vadd.s32 v58, v13;
	v32 =	vadd.s32 v59, v27;
	v34 =	vmul.u32 $0x3E8, v30  }
0x5b: {  	s30 =	sor.u32 $0x3A0, s6;
	v25 =	vld [tilespmem:$0x2A0];
	v48 =	vmul.u32 $0x3E8, v45;
	[tilespmem:$0x600] =	vst v7;
	v7 =	vbroadcast v55, $0x0;
	v58 =	vmov s20  }
0x5c: {  	v50 =	vld [tilespmem:$0x2F0];
	[tilespmem:$0x570] =	vst v24;
	v27 =	vmul.u32 $0x3E8, v23;
	v45 =	vmov s30;
	v8 =	vadd.s32 v0, v8  }
0x5d: {  	[tilespmem:$0x5A0] =	vst v2;
	v9 =	vadd.s32 v44, v9;
	v11 =	vadd.s32 v0, v11;
	v15 =	vadd.s32 v54, v15  }
0x5e: {  	[tilespmem:$0x5B0] =	vst v5;
	v13 =	vadd.s32 v0, v13;
	v35 =	vadd.s32 v0, v32;
	v44 =	vmul.u32 $0x3E8, v41  }
0x5f: {  	v38 =	vld [tilespmem:$0x2C0];
	[tilespmem:$0x610] =	vst v10;
	v10 =	vmul.u32 $0x3E8, v58;
	v9 =	vadd.s32 v0, v9;
	v15 =	vadd.s32 v0, v15  }
0x60: {  	[tilespmem:$0x630] =	vst v12;
	v33 =	vadd.s32 v62, v28;
	v37 =	vadd.s32 v25, v29;
	v39 =	vbroadcast v34, $0x0  }
0x61: {  	s22 =	sor.u32 $0x330, s6;
	v31 =	vld [tilespmem:$0x2B0];
	v51 =	vbroadcast v48, $0x0;
	[tilespmem:$0x640] =	vst v11;
	v7 =	vadd.s32 v50, v7;
	v11 =	vmul.u32 $0x3E8, v60  }
0x62: {  	v46 =	vld [tilespmem:$0x2E0];
	s26 =	sor.u32 $0x370, s6;
	v62 =	vmov s22;
	[tilespmem:$0x670] =	vst v13;
	v13 =	vmul.u32 $0x3E8, v20;
	v30 =	vbroadcast v27, $0x0  }
0x63: {  	[tilespmem:$0x680] =	vst v35;
	v35 =	vmov s26;
	v36 =	vadd.s32 v0, v33;
	v47 =	vadd.s32 v0, v37  }
0x64: {  	v42 =	vld [tilespmem:$0x2D0];
	[tilespmem:$0x650] =	vst v14;
	v49 =	vbroadcast v44, $0x0;
	v1 =	vadd.s32 v38, v1;
	v10 =	vbroadcast v10, $0x0  }
0x65: {  	s9 =	sor.u32 $0x3D0, s6;
	v59 =	vld [tilespmem:$0x310];
	[tilespmem:$0x5F0] =	vst v8;
	v7 =	vadd.s32 v0, v7;
	v14 =	vmul.u32 $0x3E8, v62;
	v37 =	vmul.u32 $0x3E8, v35  }
0x66: {  	v21 =	vld [tilespmem:$0x340];
	[tilespmem:$0x620] =	vst v9;
	v62 =	vmov s9;
	v5 =	vadd.s32 v31, v39;
	v1 =	vadd.s32 v0, v1  }
0x67: {  	s28 =	sor.u32 $0x380, s6;
	s25 =	sor.u32 $0x360, s6;
	v54 =	vld [tilespmem:$0x300];
	[tilespmem:$0x660] =	vst v15;
	v8 =	vadd.s32 v46, v51;
	v11 =	vbroadcast v11, $0x0;
	v29 =	vbroadcast v13, $0x0  }
0x68: {  	v61 =	vld [tilespmem:$0x320];
	[tilespmem:$0x690] =	vst v36;
	v31 =	vmov s25;
	v39 =	vmov s28;
	v17 =	vmul.u32 $0x3E8, v62  }
0x69: {  	v24 =	vld [tilespmem:$0x350];
	[tilespmem:$0x6A0] =	vst v47;
	v5 =	vadd.s32 v0, v5;
	v6 =	vadd.s32 v42, v49;
	v8 =	vadd.s32 v0, v8  }
0x6a: {  	s29 =	sor.u32 $0x390, s6;
	[tilespmem:$0x6F0] =	vst v7;
	v10 =	vadd.s32 v59, v10;
	v22 =	vbroadcast v14, $0x0;
	v34 =	vmul.u32 $0x3E8, v31  }
0x6b: {  	s8 =	sor.u32 $0x3C0, s6;
	v63 =	vld [tilespmem:$0x330];
	[tilespmem:$0x6C0] =	vst v1;
	v41 =	vmul.u32 $0x3E8, v39;
	v42 =	vmov s29;
	v49 =	vmul.u32 $0x3E8, v45  }
0x6c: {  	v59 =	vmov s8;
	v6 =	vadd.s32 v0, v6;
	v9 =	vadd.s32 v54, v57;
	[tilespmem:$0x6B0] =	vst v5  }
0x6d: {  	s31 =	sor.u32 $0x3B0, s6;
	v25 =	vadd.s32 v0, v10;
	v26 =	vadd.s32 v61, v11;
	v33 =	vadd.s32 v21, v29;
	[tilespmem:$0x6E0] =	vst v8  }
0x6e: {  	v32 =	vld [tilespmem:$0x360];
	v5 =	vadd.s32 v24, v30;
	v44 =	vmul.u32 $0x3E8, v42;
	v54 =	vmov s31;
	[tilespmem:$0x6D0] =	vst v6  }
0x6f: {  	v36 =	vld [tilespmem:$0x370];
	v21 =	vmul.u32 $0x3E8, v18;
	v9 =	vadd.s32 v0, v9;
	v28 =	vadd.s32 v0, v26;
	[tilespmem:$0x710] =	vst v25  }
0x70: {  	v40 =	vld [tilespmem:$0x380];
	v2 =	vadd.s32 v63, v22;
	v1 =	vadd.s32 v0, v33;
	v38 =	vbroadcast v34, $0x0;
	[tilespmem:$0x700] =	vst v9  }
0x71: {  	s6 =	sor.u32 $0x3F0, s6;
	v46 =	vld [tilespmem:$0x3A0];
	v5 =	vadd.s32 v0, v5;
	v6 =	vbroadcast v37, $0x0;
	v48 =	vbroadcast v41, $0x0;
	[tilespmem:$0x720] =	vst v28  }
0x72: {  	v43 =	vld [tilespmem:$0x390];
	v53 =	vbroadcast v49, $0x0;
	v7 =	vmul.u32 $0x3E8, v54;
	v22 =	vmov s6;
	[tilespmem:$0x740] =	vst v1  }
0x73: {  	v19 =	vld [tilespmem:$0x3E0];
	v25 =	vbroadcast v17, $0x0;
	v2 =	vadd.s32 v0, v2;
	[tilespmem:$0x750] =	vst v5;
	v8 =	vadd.s32 v32, v38  }
0x74: {  	v57 =	vld [tilespmem:$0x3B0];
	v51 =	vbroadcast v44, $0x0;
	v47 =	vadd.s32 v36, v6;
	[tilespmem:$0x730] =	vst v2;
	v50 =	vadd.s32 v0, v8  }
0x75: {  	v63 =	vld [tilespmem:$0x3D0];
	v27 =	vbroadcast v21, $0x0;
	v52 =	vadd.s32 v40, v48;
	v3 =	vadd.s32 v0, v47;
	[tilespmem:$0x760] =	vst v50  }
0x76: {  	v60 =	vld [tilespmem:$0x3C0];
	v58 =	vadd.s32 v46, v53;
	v61 =	vbroadcast v7, $0x0;
	v55 =	vadd.s32 v0, v52;
	[tilespmem:$0x770] =	vst v3  }
0x77: {  	v23 =	vld [tilespmem:$0x3F0];
	v6 =	vmul.u32 $0x3E8, v59;
	v56 =	vadd.s32 v43, v51;
	v16 =	vadd.s32 v0, v58;
	[tilespmem:$0x780] =	vst v55  }
0x78: {  	v26 =	vmul.u32 $0x3E8, v22;
	v31 =	vadd.s32 v19, v27;
	v2 =	vadd.s32 v0, v56;
	[tilespmem:$0x7A0] =	vst v16  }
0x79: {  	v20 =	vbroadcast v6, $0x0;
	v24 =	vadd.s32 v57, v61;
	v32 =	vadd.s32 v0, v31;
	[tilespmem:$0x790] =	vst v2  }
0x7a: {  	v29 =	vbroadcast v26, $0x0;
	v2 =	vadd.s32 v0, v24;
	v28 =	vadd.s32 v63, v25;
	[tilespmem:$0x7E0] =	vst v32  }
0x7b: {  	v1 =	vadd.s32 v60, v20;
	[tilespmem:$0x7B0] =	vst v2;
	v30 =	vadd.s32 v0, v28  }
0x7c: {  	v33 =	vadd.s32 v23, v29;
	v1 =	vadd.s32 v0, v1;
	[tilespmem:$0x7D0] =	vst v30  }
0x7d: {  	s12 =	simm.s32 $0x80;
	s11 =	sadd.s32 $0x200800, s5;
	v0 =	vadd.s32 v0, v33;
	[tilespmem:$0x7C0] =	vst v1  }
0x7e: {  	s14 =	simm.s32 $0x800;
	s13 =	simm.s32 $0x400;
	s15 =	simm.s32 $0x1;
	[tilespmem:$0x7F0] =	vst v0  }
0x7f: {  	[tilespmem:s14], [sflag:$0x1] =	stream.indirect.gather [hbm4b:s11+s12], $0x1, s13, s12, $0xb8;
	[tilespmem:$0x1C80] =	vst v63  }
0x80: {  	_ =	swait.ge [sflag:s15], $0x80  }
0x81: {  	[sflag:s15] =	ssyncset.done $0x0  }
0x82: {  	s10 =	simm.s32 $0x880;
	s16 =	simm.s32 $0x480;
	[sflag:s15] =	ssyncadd.s32 $0xFFFFFF80  }
0x83: {  	[tilespmem:s10], [sflag:$0x1] =	stream.indirect.gather [hbm4b:s11+s12], $0x1, s16, s12, $0xb8;
	[tilespmem:$0x1C80] =	vst v63  }
0x84: {  	_ =	swait.ge [sflag:s15], $0x80  }
0x85: {  	[sflag:s15] =	ssyncset.done $0x0  }
0x86: {  	s17 =	simm.s32 $0x500;
	s18 =	simm.s32 $0x900;
	[sflag:s15] =	ssyncadd.s32 $0xFFFFFF80  }
0x87: {  	[tilespmem:s18], [sflag:$0x1] =	stream.indirect.gather [hbm4b:s11+s12], $0x1, s17, s12, $0xb8;
	[tilespmem:$0x1C80] =	vst v63  }
0x88: {  	_ =	swait.ge [sflag:s15], $0x80  }
0x89: {  	[sflag:s15] =	ssyncset.done $0x0  }
0x8a: {  	s19 =	simm.s32 $0x580;
	s20 =	simm.s32 $0x980;
	[sflag:s15] =	ssyncadd.s32 $0xFFFFFF80  }
0x8b: {  	[tilespmem:s20], [sflag:$0x1] =	stream.indirect.gather [hbm4b:s11+s12], $0x1, s19, s12, $0xb8;
	[tilespmem:$0x1C80] =	vst v63  }
0x8c: {  	_ =	swait.ge [sflag:s15], $0x80  }
0x8d: {  	[sflag:s15] =	ssyncset.done $0x0  }
0x8e: {  	s21 =	simm.s32 $0x600;
	s22 =	simm.s32 $0xA00;
	[sflag:s15] =	ssyncadd.s32 $0xFFFFFF80  }
0x8f: {  	[tilespmem:s22], [sflag:$0x1] =	stream.indirect.gather [hbm4b:s11+s12], $0x1, s21, s12, $0xb8;
	[tilespmem:$0x1C80] =	vst v63  }
0x90: {  	_ =	swait.ge [sflag:s15], $0x80  }
0x91: {  	[sflag:s15] =	ssyncset.done $0x0  }
0x92: {  	s24 =	simm.s32 $0xA80;
	s23 =	simm.s32 $0x680;
	[sflag:s15] =	ssyncadd.s32 $0xFFFFFF80  }
0x93: {  	[tilespmem:s24], [sflag:$0x1] =	stream.indirect.gather [hbm4b:s11+s12], $0x1, s23, s12, $0xb8;
	[tilespmem:$0x1C80] =	vst v63  }
0x94: {  	_ =	swait.ge [sflag:s15], $0x80  }
0x95: {  	[sflag:s15] =	ssyncset.done $0x0  }
0x96: {  	s26 =	simm.s32 $0xB00;
	s25 =	simm.s32 $0x700;
	[sflag:s15] =	ssyncadd.s32 $0xFFFFFF80  }
0x97: {  	[tilespmem:s26], [sflag:$0x1] =	stream.indirect.gather [hbm4b:s11+s12], $0x1, s25, s12, $0xb8;
	[tilespmem:$0x1C80] =	vst v63  }
0x98: {  	_ =	swait.ge [sflag:s15], $0x80  }
0x99: {  	[sflag:s15] =	ssyncset.done $0x0  }
0x9a: {  	s28 =	simm.s32 $0x780;
	s29 =	simm.s32 $0xB80;
	[sflag:s15] =	ssyncadd.s32 $0xFFFFFF80  }
0x9b: {  	[tilespmem:s29], [sflag:$0x1] =	stream.indirect.gather [hbm4b:s11+s12], $0x1, s28, s12, $0xb8;
	[tilespmem:$0x1C80] =	vst v63  }
0x9c: {  	_ =	swait.ge [sflag:s15], $0x80  }
0x9d: {  	[sflag:s15] =	ssyncset.done $0x0  }
0x9e: {  	[sflag:s15] =	ssyncadd.s32 $0xFFFFFF80  }
0x9f: {  	v34 =	vld [tilespmem:$0x800]  }
0xa0: {  	v61 =	vld [tilespmem:$0xC00]  }
0xa1: {  	v62 =	vld [tilespmem:$0x1000]  }
0xa2: {  	v3 =	vld [tilespmem:$0x810]  }
0xa3: {  	v63 =	vld [tilespmem:$0xC10]  }
0xa4: {  	v35 =	vld [tilespmem:$0x1010]  }
0xa5: {  	v36 =	vld [tilespmem:$0x820]  }
0xa6: {  	v37 =	vld [tilespmem:$0xC20]  }
0xa7: {  	v38 =	vld [tilespmem:$0x1020]  }
0xa8: {  	v39 =	vld [tilespmem:$0x830]  }
0xa9: {  	v40 =	vld [tilespmem:$0xC30]  }
0xaa: {  	v41 =	vld [tilespmem:$0x1030]  }
0xab: {  	v42 =	vld [tilespmem:$0x840]  }
0xac: {  	v43 =	vld [tilespmem:$0xC40]  }
0xad: {  	v44 =	vld [tilespmem:$0x1040]  }
0xae: {  	v45 =	vld [tilespmem:$0x850]  }
0xaf: {  	v46 =	vld [tilespmem:$0xC50]  }
0xb0: {  	v47 =	vld [tilespmem:$0x1050]  }
0xb1: {  	v48 =	vld [tilespmem:$0x860]  }
0xb2: {  	v49 =	vld [tilespmem:$0xC60]  }
0xb3: {  	v50 =	vld [tilespmem:$0x1060]  }
0xb4: {  	v51 =	vld [tilespmem:$0x870]  }
0xb5: {  	v52 =	vld [tilespmem:$0xC70]  }
0xb6: {  	v53 =	vld [tilespmem:$0x1070]  }
0xb7: {  	v54 =	vld [tilespmem:$0x880]  }
0xb8: {  	v55 =	vld [tilespmem:$0xC80]  }
0xb9: {  	v56 =	vld [tilespmem:$0x1080]  }
0xba: {  	v5 =	vld [tilespmem:$0x890]  }
0xbb: {  	v57 =	vld [tilespmem:$0xC90]  }
0xbc: {  	v58 =	vld [tilespmem:$0x1090]  }
0xbd: {  	v8 =	vld [tilespmem:$0x8A0]  }
0xbe: {  	v28 =	vld [tilespmem:$0xCA0]  }
0xbf: {  	v59 =	vld [tilespmem:$0x10A0]  }
0xc0: {  	v29 =	vld [tilespmem:$0x8B0]  }
0xc1: {  	v31 =	vld [tilespmem:$0xCB0]  }
0xc2: {  	v32 =	vld [tilespmem:$0x8C0]  }
0xc3: {  	v4 =	vld [tilespmem:$0xCC0]  }
0xc4: {  	v33 =	vld [tilespmem:$0x10C0]  }
0xc5: {  	v30 =	vld [tilespmem:$0x8D0]  }
0xc6: {  	v9 =	vld [tilespmem:$0x8E0]  }
0xc7: {  	v10 =	vld [tilespmem:$0xCE0]  }
0xc8: {  	v12 =	vld [tilespmem:$0x8F0]  }
0xc9: {  	v23 =	vld [tilespmem:$0xCF0]  }
0xca: {  	v15 =	vld [tilespmem:$0x900]  }
0xcb: {  	v11 =	vld [tilespmem:$0x910]  }
0xcc: {  	v21 =	vld [tilespmem:$0x920];
	(erf) = vrcp.f32 v62  }
0xcd: {  	v22 =	vld [tilespmem:$0x940]  }
0xce: {  	v26 =	vld [tilespmem:$0x950];
	(erf) = vrcp.f32 v35  }
0xcf: {  	v18 =	vld [tilespmem:$0x960];
	(erf) = vrcp.f32 v38  }
0xd0: {  	v14 =	vld [tilespmem:$0x970]  }
0xd1: {  	v17 =	vld [tilespmem:$0x980]  }
0xd2: {  	v20 =	vld [tilespmem:$0x990];
	(erf) = vrcp.f32 v41  }
0xd3: {  	v25 =	vld [tilespmem:$0xE50]  }
0xd4: {  	v24 =	vld [tilespmem:$0xEE0];
	v1 =	vsub.f32 $0.0e+00, v61  }
0xd5: {  	v61 =	vld [tilespmem:$0x10B0];
	v63 =	vsub.f32 $-8.999999760e-01, v63;
	v7 =	vsub.f32 $-8.999999760e-01, v37;
	v60 =	vpop (erf);
	(erf) = vrcp.f32 v44  }
0xd6: {  	v37 =	vld [tilespmem:$0x10D0];
	v13 =	vsub.f32 $-8.999999760e-01, v43;
	v16 =	vsub.f32 $-8.999999760e-01, v46  }
0xd7: {  	v43 =	vld [tilespmem:$0x10F0];
	v46 =	vsub.f32 $-8.999999760e-01, v49;
	v0 =	vmul.f32 v60, v34;
	v62 =	vpop (erf);
	(erf) = vrcp.f32 v47  }
0xd8: {  	v49 =	vld [tilespmem:$0xD10];
	v1 =	vadd.f32 $-8.999999760e-01, v1;
	v3 =	vmul.f32 v62, v3;
	v34 =	vpop (erf);
	(erf) = vrcp.f32 v50  }
0xd9: {  	v35 =	vld [tilespmem:$0xCD0]  }
0xda: {  	v38 =	vsub.f32 $-8.999999760e-01, v40;
	v40 =	vld [tilespmem:$0x10E0];
	v0 =	vmul.f32 v0, v1;
	v1 =	vmul.f32 v3, v63  }
0xdb: {  	v47 =	vld [tilespmem:$0x1100];
	v3 =	vmul.f32 v34, v36;
	v36 =	vpop (erf);
	(erf) = vrcp.f32 v53  }
0xdc: {  	v53 =	vld [tilespmem:$0xD20];
	v0 =	vadd.f32 $0.0e+00, v0  }
0xdd: {  	v63 =	vld [tilespmem:$0x1140];
	v3 =	vmul.f32 v3, v7  }
0xde: {  	v34 =	vld [tilespmem:$0xD60];
	v0 =	vadd.f32 v1, v0;
	v1 =	vmul.f32 v36, v39;
	v39 =	vpop (erf);
	(erf) = vrcp.f32 v56  }
0xdf: {  	v7 =	vld [tilespmem:$0xD40]  }
0xe0: {  	v36 =	vld [tilespmem:$0x1160];
	v0 =	vadd.f32 v3, v0;
	v3 =	vmul.f32 v39, v42;
	v42 =	vpop (erf);
	(erf) = vrcp.f32 v58  }
0xe1: {  	v1 =	vmul.f32 v1, v38;
	v56 =	vsub.f32 $-8.999999760e-01, v57;
	v57 =	vld [tilespmem:$0xD30];
	v44 =	vpop (erf);
	(erf) = vrcp.f32 v59  }
0xe2: {  	v38 =	vld [tilespmem:$0xD70]  }
0xe3: {  	v58 =	vld [tilespmem:$0x1130];
	v0 =	vadd.f32 v1, v0;
	v41 =	vmul.f32 v3, v13;
	v3 =	vmul.f32 v42, v45  }
0xe4: {  	v39 =	vld [tilespmem:$0x1170];
	v1 =	vmul.f32 v44, v48;
	v48 =	vpop (erf);
	(erf) = vrcp.f32 v61  }
0xe5: {  	v45 =	vld [tilespmem:$0xD00];
	v0 =	vadd.f32 v41, v0;
	v3 =	vmul.f32 v3, v16  }
0xe6: {  	v2 =	vsub.f32 $-8.999999760e-01, v55;
	v50 =	vsub.f32 $-8.999999760e-01, v52;
	v13 =	vld [tilespmem:$0xD50]  }
0xe7: {  	v42 =	vld [tilespmem:$0xD80];
	v0 =	vadd.f32 v3, v0;
	v3 =	vmul.f32 v48, v51;
	v52 =	vpop (erf);
	(erf) = vrcp.f32 v33  }
0xe8: {  	v61 =	vsub.f32 $-8.999999760e-01, v28;
	v28 =	vsub.f32 $-8.999999760e-01, v31;
	v31 =	vld [tilespmem:$0x1150];
	v1 =	vmul.f32 v1, v46  }
0xe9: {  	v46 =	vld [tilespmem:$0xD90];
	v16 =	vsub.f32 $-8.999999760e-01, v49;
	v3 =	vmul.f32 v3, v50;
	v55 =	vpop (erf);
	(erf) = vrcp.f32 v37  }
0xea: {  	v49 =	vld [tilespmem:$0xDA0];
	v0 =	vadd.f32 v1, v0;
	v1 =	vmul.f32 v52, v54;
	v60 =	vpop (erf);
	(erf) = vrcp.f32 v40  }
0xeb: {  	v51 =	vld [tilespmem:$0x1110]  }
0xec: {  	v54 =	vld [tilespmem:$0x1120];
	v0 =	vadd.f32 v3, v0;
	v1 =	vmul.f32 v1, v2;
	v2 =	vmul.f32 v55, v5  }
0xed: {  	v52 =	vsub.f32 $-8.999999760e-01, v53;
	v53 =	vld [tilespmem:$0x9B0];
	v62 =	vpop (erf);
	(erf) = vrcp.f32 v43  }
0xee: {  	v3 =	vld [tilespmem:$0x930];
	v0 =	vadd.f32 v1, v0;
	v59 =	vmul.f32 v2, v56;
	v2 =	vmul.f32 v60, v8  }
0xef: {  	v5 =	vsub.f32 $-8.999999760e-01, v57;
	v57 =	vld [tilespmem:$0x9C0];
	v1 =	vmul.f32 v62, v29  }
0xf0: {  	v43 =	vld [tilespmem:$0x1180];
	v0 =	vadd.f32 v59, v0;
	v2 =	vmul.f32 v2, v61;
	v29 =	vpop (erf);
	(erf) = vrcp.f32 v47  }
0xf1: {  	v4 =	vsub.f32 $-8.999999760e-01, v4;
	v56 =	vld [tilespmem:$0x11B0];
	v1 =	vmul.f32 v1, v28  }
0xf2: {  	v61 =	vld [tilespmem:$0x11C0];
	v0 =	vadd.f32 v2, v0;
	v2 =	vmul.f32 v29, v32;
	v33 =	vpop (erf);
	(erf) = vrcp.f32 v51  }
0xf3: {  	v47 =	vld [tilespmem:$0x1190];
	v37 =	vpop (erf);
	(erf) = vrcp.f32 v54  }
0xf4: {  	v51 =	vld [tilespmem:$0x11A0];
	v0 =	vadd.f32 v1, v0;
	v2 =	vmul.f32 v2, v4  }
0xf5: {  	v10 =	vsub.f32 $-8.999999760e-01, v10;
	v35 =	vsub.f32 $-8.999999760e-01, v35;
	v29 =	vld [tilespmem:$0x11D0];
	v1 =	vmul.f32 v33, v30  }
0xf6: {  	v32 =	vld [tilespmem:$0xDE0];
	v41 =	vpop (erf);
	(erf) = vrcp.f32 v58;
	v0 =	vadd.f32 v2, v0;
	v2 =	vmul.f32 v37, v9  }
0xf7: {  	v54 =	vld [tilespmem:$0xDB0];
	v1 =	vmul.f32 v1, v35  }
0xf8: {  	v23 =	vsub.f32 $-8.999999760e-01, v23;
	v30 =	vld [tilespmem:$0x9E0];
	v40 =	vmul.f32 v2, v10;
	v2 =	vmul.f32 v41, v12  }
0xf9: {  	v33 =	vsub.f32 $-8.999999760e-01, v34;
	v34 =	vld [tilespmem:$0x11E0];
	v0 =	vadd.f32 v1, v0;
	v44 =	vpop (erf);
	(erf) = vrcp.f32 v63  }
0xfa: {  	v45 =	vsub.f32 $-8.999999760e-01, v45;
	v4 =	vsub.f32 $-8.999999760e-01, v38;
	v38 =	vld [tilespmem:$0x11F0];
	v2 =	vmul.f32 v2, v23  }
0xfb: {  	v58 =	vld [tilespmem:$0xDC0];
	v0 =	vadd.f32 v40, v0;
	v1 =	vmul.f32 v44, v15;
	v48 =	vpop (erf);
	(erf) = vrcp.f32 v31  }
0xfc: {  	v37 =	vld [tilespmem:$0xDF0];
	v50 =	vpop (erf);
	(erf) = vrcp.f32 v36  }
0xfd: {  	v12 =	vld [tilespmem:$0x9D0];
	v0 =	vadd.f32 v2, v0;
	v2 =	vmul.f32 v48, v11;
	v1 =	vmul.f32 v1, v45  }
0xfe: {  	v10 =	vsub.f32 $-8.999999760e-01, v42;
	v41 =	vld [tilespmem:$0xE00]  }
0xff: {  	v42 =	vld [tilespmem:$0x1200];
	v2 =	vmul.f32 v2, v16;
	v55 =	vpop (erf);
	(erf) = vrcp.f32 v39;
	v0 =	vadd.f32 v1, v0  }
0x100: {  	v23 =	vld [tilespmem:$0x9A0];
	v1 =	vmul.f32 v50, v21  }
0x101: {  	v63 =	vld [tilespmem:$0xDD0];
	v0 =	vadd.f32 v2, v0;
	v2 =	vmul.f32 v55, v3  }
0x102: {  	v40 =	vld [tilespmem:$0xA00];
	v1 =	vmul.f32 v1, v52;
	v60 =	vpop (erf);
	(erf) = vrcp.f32 v43  }
0x103: {  	v7 =	vsub.f32 $-8.999999760e-01, v7;
	v15 =	vsub.f32 $-8.999999760e-01, v46;
	v46 =	vld [tilespmem:$0xE10];
	v59 =	vmul.f32 v2, v5  }
0x104: {  	v36 =	vld [tilespmem:$0x9F0];
	v0 =	vadd.f32 v1, v0;
	v2 =	vmul.f32 v60, v22;
	v62 =	vpop (erf);
	(erf) = vrcp.f32 v47  }
0x105: {  	v28 =	vsub.f32 $-8.999999760e-01, v13;
	v48 =	vld [tilespmem:$0x1210];
	v11 =	vsub.f32 $-8.999999760e-01, v49;
	v31 =	vpop (erf);
	(erf) = vrcp.f32 v51  }
0x106: {  	v49 =	vld [tilespmem:$0xA20];
	v0 =	vadd.f32 v59, v0;
	v1 =	vmul.f32 v62, v26;
	v2 =	vmul.f32 v2, v7  }
0x107: {  	v45 =	vld [tilespmem:$0xA10]  }
0x108: {  	v50 =	vld [tilespmem:$0xE20];
	v1 =	vmul.f32 v1, v28;
	v35 =	vpop (erf);
	(erf) = vrcp.f32 v56;
	v0 =	vadd.f32 v2, v0  }
0x109: {  	v21 =	vld [tilespmem:$0xAE0];
	v2 =	vmul.f32 v31, v18  }
0x10a: {  	v52 =	vld [tilespmem:$0x1220];
	v0 =	vadd.f32 v1, v0;
	v1 =	vmul.f32 v35, v14  }
0x10b: {  	v55 =	vld [tilespmem:$0xE30];
	v2 =	vmul.f32 v2, v33;
	v39 =	vpop (erf);
	(erf) = vrcp.f32 v61  }
0x10c: {  	v5 =	vsub.f32 $-8.999999760e-01, v41;
	v41 =	vld [tilespmem:$0x1280];
	v1 =	vmul.f32 v1, v4  }
0x10d: {  	v60 =	vld [tilespmem:$0xE40];
	v0 =	vadd.f32 v2, v0;
	v2 =	vmul.f32 v39, v17;
	v44 =	vpop (erf);
	(erf) = vrcp.f32 v29  }
0x10e: {  	v62 =	vld [tilespmem:$0x1240];
	v47 =	vpop (erf);
	(erf) = vrcp.f32 v34  }
0x10f: {  	v26 =	vld [tilespmem:$0x1250];
	v0 =	vadd.f32 v1, v0;
	v43 =	vmul.f32 v2, v10;
	v2 =	vmul.f32 v44, v20  }
0x110: {  	v56 =	vsub.f32 $-8.999999760e-01, v58;
	v58 =	vld [tilespmem:$0xA40];
	v1 =	vmul.f32 v47, v23  }
0x111: {  	v28 =	vld [tilespmem:$0xA60];
	v51 =	vpop (erf);
	(erf) = vrcp.f32 v38;
	v0 =	vadd.f32 v43, v0;
	v2 =	vmul.f32 v2, v15  }
0x112: {  	v31 =	vld [tilespmem:$0x1260]  }
0x113: {  	v18 =	vld [tilespmem:$0xB70];
	v1 =	vmul.f32 v1, v11;
	v0 =	vadd.f32 v2, v0  }
0x114: {  	v6 =	vsub.f32 $-8.999999760e-01, v54;
	v33 =	vld [tilespmem:$0xA70];
	v54 =	vpop (erf);
	(erf) = vrcp.f32 v42  }
0x115: {  	v2 =	vmul.f32 v51, v53;
	v0 =	vadd.f32 v1, v0;
	v1 =	vmul.f32 v54, v57;
	v57 =	vld [tilespmem:$0x1230]  }
0x116: {  	v61 =	vsub.f32 $-8.999999760e-01, v63;
	v63 =	vld [tilespmem:$0xA50];
	v59 =	vpop (erf);
	(erf) = vrcp.f32 v48  }
0x117: {  	v39 =	vld [tilespmem:$0xE80];
	v2 =	vmul.f32 v2, v6;
	v23 =	vpop (erf);
	(erf) = vrcp.f32 v52  }
0x118: {  	v34 =	vld [tilespmem:$0xE70]  }
0x119: {  	v44 =	vld [tilespmem:$0xE90];
	v0 =	vadd.f32 v2, v0;
	v2 =	vmul.f32 v59, v12;
	v1 =	vmul.f32 v1, v56  }
0x11a: {  	v7 =	vsub.f32 $-8.999999760e-01, v32;
	v47 =	vld [tilespmem:$0x1290];
	v27 =	vpop (erf);
	(erf) = vrcp.f32 v57  }
0x11b: {  	v38 =	vld [tilespmem:$0xA80];
	v22 =	vmul.f32 v2, v61;
	v2 =	vmul.f32 v23, v30;
	v0 =	vadd.f32 v1, v0  }
0x11c: {  	v29 =	vsub.f32 $-8.999999760e-01, v37;
	v43 =	vld [tilespmem:$0xA90];
	v1 =	vmul.f32 v27, v36  }
0x11d: {  	v15 =	vld [tilespmem:$0x1380];
	v2 =	vmul.f32 v2, v7;
	v0 =	vadd.f32 v22, v0;
	v32 =	vpop (erf);
	(erf) = vrcp.f32 v62  }
0x11e: {  	v8 =	vsub.f32 $-8.999999760e-01, v39;
	v36 =	vld [tilespmem:$0x1270];
	v1 =	vmul.f32 v1, v29  }
0x11f: {  	v39 =	vld [tilespmem:$0x1320];
	v0 =	vadd.f32 v2, v0;
	v2 =	vmul.f32 v32, v40;
	v35 =	vpop (erf);
	(erf) = vrcp.f32 v26  }
0x120: {  	v37 =	vsub.f32 $-8.999999760e-01, v46;
	v53 =	vld [tilespmem:$0xA30];
	v40 =	vpop (erf);
	(erf) = vrcp.f32 v31  }
0x121: {  	v51 =	vld [tilespmem:$0xEA0];
	v4 =	vsub.f32 $-8.999999760e-01, v34;
	v0 =	vadd.f32 v1, v0;
	v2 =	vmul.f32 v2, v5  }
0x122: {  	v34 =	vld [tilespmem:$0xF00];
	v42 =	vsub.f32 $-8.999999760e-01, v50;
	v6 =	vsub.f32 $-8.999999760e-01, v60;
	v1 =	vmul.f32 v35, v45  }
0x123: {  	v60 =	vld [tilespmem:$0x12C0];
	v0 =	vadd.f32 v2, v0;
	v2 =	vmul.f32 v40, v49;
	v46 =	vpop (erf);
	(erf) = vrcp.f32 v36  }
0x124: {  	v52 =	vld [tilespmem:$0x12A0];
	v1 =	vmul.f32 v1, v37  }
0x125: {  	v48 =	vsub.f32 $-8.999999760e-01, v55;
	v55 =	vld [tilespmem:$0xEB0];
	v45 =	vmul.f32 v2, v42;
	v2 =	vmul.f32 v46, v53  }
0x126: {  	v59 =	vld [tilespmem:$0xEC0];
	v0 =	vadd.f32 v1, v0;
	v50 =	vpop (erf);
	(erf) = vrcp.f32 v41  }
0x127: {  	v56 =	vld [tilespmem:$0x12B0];
	v2 =	vmul.f32 v2, v48  }
0x128: {  	v30 =	vld [tilespmem:$0xE60];
	v0 =	vadd.f32 v45, v0;
	v1 =	vmul.f32 v50, v58;
	v54 =	vpop (erf);
	(erf) = vrcp.f32 v47  }
0x129: {  	v17 =	vsub.f32 $-8.999999760e-01, v25;
	v27 =	vld [tilespmem:$0x12F0];
	v57 =	vpop (erf);
	(erf) = vrcp.f32 v52  }
0x12a: {  	v22 =	vld [tilespmem:$0x12E0];
	v0 =	vadd.f32 v2, v0;
	v2 =	vmul.f32 v54, v63;
	v1 =	vmul.f32 v1, v6  }
0x12b: {  	v29 =	vld [tilespmem:$0xEF0]  }
0x12c: {  	v2 =	vmul.f32 v2, v17;
	v17 =	vld [tilespmem:$0x12D0];
	v0 =	vadd.f32 v1, v0;
	v61 =	vpop (erf);
	(erf) = vrcp.f32 v56  }
0x12d: {  	v11 =	vsub.f32 $-8.999999760e-01, v59;
	v59 =	vld [tilespmem:$0x1370];
	v14 =	vsub.f32 $-8.999999760e-01, v30;
	v1 =	vmul.f32 v57, v28  }
0x12e: {  	v62 =	vld [tilespmem:$0xAD0];
	v0 =	vadd.f32 v2, v0;
	v2 =	vmul.f32 v61, v33  }
0x12f: {  	v30 =	vsub.f32 $-8.999999760e-01, v51;
	v51 =	vld [tilespmem:$0x1350];
	v1 =	vmul.f32 v1, v14;
	v20 =	vpop (erf);
	(erf) = vrcp.f32 v60  }
0x130: {  	v26 =	vld [tilespmem:$0xAF0];
	v19 =	vmul.f32 v2, v4  }
0x131: {  	v49 =	vld [tilespmem:$0xAA0];
	v0 =	vadd.f32 v1, v0;
	v2 =	vmul.f32 v20, v38;
	v23 =	vpop (erf);
	(erf) = vrcp.f32 v17  }
0x132: {  	v25 =	vsub.f32 $-8.999999760e-01, v44;
	v53 =	vld [tilespmem:$0xAB0];
	v28 =	vpop (erf);
	(erf) = vrcp.f32 v22  }
0x133: {  	v31 =	vld [tilespmem:$0x1300];
	v0 =	vadd.f32 v19, v0;
	v1 =	vmul.f32 v23, v43;
	v2 =	vmul.f32 v2, v8  }
0x134: {  	v35 =	vld [tilespmem:$0x1310]  }
0x135: {  	v58 =	vld [tilespmem:$0xAC0];
	v1 =	vmul.f32 v1, v25;
	v0 =	vadd.f32 v2, v0;
	v32 =	vpop (erf);
	(erf) = vrcp.f32 v27  }
0x136: {  	v5 =	vsub.f32 $-8.999999760e-01, v34;
	v63 =	vld [tilespmem:$0xED0];
	v2 =	vmul.f32 v28, v49  }
0x137: {  	v34 =	vld [tilespmem:$0xBA0];
	v6 =	vsub.f32 $-8.999999760e-01, v55;
	v0 =	vadd.f32 v1, v0;
	v1 =	vmul.f32 v32, v53  }
0x138: {  	v37 =	vld [tilespmem:$0xB10];
	v2 =	vmul.f32 v2, v30;
	v36 =	vpop (erf);
	(erf) = vrcp.f32 v31  }
0x139: {  	v43 =	vld [tilespmem:$0x1330];
	v1 =	vmul.f32 v1, v6  }
0x13a: {  	v42 =	vld [tilespmem:$0xB20];
	v0 =	vadd.f32 v2, v0;
	v2 =	vmul.f32 v36, v58;
	v41 =	vpop (erf);
	(erf) = vrcp.f32 v35  }
0x13b: {  	v46 =	vsub.f32 $-8.999999760e-01, v24;
	v24 =	vld [tilespmem:$0xB80];
	v7 =	vsub.f32 $-8.999999760e-01, v63;
	v44 =	vpop (erf);
	(erf) = vrcp.f32 v39  }
0x13c: {  	v48 =	vld [tilespmem:$0x1340];
	v0 =	vadd.f32 v1, v0;
	v40 =	vmul.f32 v2, v11;
	v2 =	vmul.f32 v41, v62  }
0x13d: {  	v45 =	vld [tilespmem:$0xF20];
	v1 =	vmul.f32 v44, v21  }
0x13e: {  	v33 =	vld [tilespmem:$0xB00];
	v0 =	vadd.f32 v40, v0;
	v2 =	vmul.f32 v2, v7;
	v49 =	vpop (erf);
	(erf) = vrcp.f32 v43  }
0x13f: {  	v38 =	vld [tilespmem:$0xF10];
	v8 =	vsub.f32 $-8.999999760e-01, v29  }
0x140: {  	v55 =	vld [tilespmem:$0x1360];
	v1 =	vmul.f32 v1, v46;
	v0 =	vadd.f32 v2, v0;
	v2 =	vmul.f32 v49, v26  }
0x141: {  	v47 =	vld [tilespmem:$0xB30];
	v52 =	vpop (erf);
	(erf) = vrcp.f32 v48  }
0x142: {  	v50 =	vld [tilespmem:$0xF30];
	v0 =	vadd.f32 v1, v0;
	v2 =	vmul.f32 v2, v8  }
0x143: {  	v54 =	vld [tilespmem:$0xF40];
	v1 =	vmul.f32 v52, v33;
	v56 =	vpop (erf);
	(erf) = vrcp.f32 v51  }
0x144: {  	v57 =	vld [tilespmem:$0xB50];
	v9 =	vsub.f32 $-8.999999760e-01, v38;
	v0 =	vadd.f32 v2, v0;
	v2 =	vmul.f32 v56, v37  }
0x145: {  	v17 =	vld [tilespmem:$0xF60];
	v61 =	vpop (erf);
	(erf) = vrcp.f32 v55;
	v1 =	vmul.f32 v1, v5  }
0x146: {  	v63 =	vsub.f32 $-8.999999760e-01, v45;
	v19 =	vld [tilespmem:$0x1390];
	v60 =	vmul.f32 v2, v9  }
0x147: {  	v53 =	vld [tilespmem:$0xB40];
	v2 =	vmul.f32 v61, v42;
	v0 =	vadd.f32 v1, v0;
	v16 =	vpop (erf);
	(erf) = vrcp.f32 v59  }
0x148: {  	v58 =	vld [tilespmem:$0xF50];
	v7 =	vsub.f32 $-8.999999760e-01, v50  }
0x149: {  	v22 =	vld [tilespmem:$0x13A0];
	v2 =	vmul.f32 v2, v63;
	v0 =	vadd.f32 v60, v0;
	v1 =	vmul.f32 v16, v47  }
0x14a: {  	v62 =	vld [tilespmem:$0xB60];
	v20 =	vpop (erf);
	(erf) = vrcp.f32 v15  }
0x14b: {  	v26 =	vld [tilespmem:$0x13B0];
	v0 =	vadd.f32 v2, v0;
	v1 =	vmul.f32 v1, v7  }
0x14c: {  	v21 =	vld [tilespmem:$0xF70];
	v8 =	vsub.f32 $-8.999999760e-01, v54;
	v2 =	vmul.f32 v20, v53;
	v23 =	vpop (erf);
	(erf) = vrcp.f32 v19  }
0x14d: {  	v25 =	vld [tilespmem:$0xF80];
	v6 =	vsub.f32 $-8.999999760e-01, v58;
	v0 =	vadd.f32 v1, v0;
	v1 =	vmul.f32 v23, v57  }
0x14e: {  	v31 =	vld [tilespmem:$0x13C0];
	v27 =	vpop (erf);
	(erf) = vrcp.f32 v22;
	v2 =	vmul.f32 v2, v8  }
0x14f: {  	v28 =	vld [tilespmem:$0xB90];
	v29 =	vsub.f32 $-8.999999760e-01, v17;
	v1 =	vmul.f32 v1, v6  }
0x150: {  	v35 =	vld [tilespmem:$0x13D0];
	v0 =	vadd.f32 v2, v0;
	v2 =	vmul.f32 v27, v62;
	v33 =	vpop (erf);
	(erf) = vrcp.f32 v26  }
0x151: {  	v30 =	vld [tilespmem:$0xF90];
	v7 =	vsub.f32 $-8.999999760e-01, v21  }
0x152: {  	v39 =	vld [tilespmem:$0x13E0];
	v0 =	vadd.f32 v1, v0;
	v32 =	vmul.f32 v2, v29;
	v2 =	vmul.f32 v33, v18  }
0x153: {  	v37 =	vld [tilespmem:$0xFA0];
	v36 =	vpop (erf);
	(erf) = vrcp.f32 v31  }
0x154: {  	v43 =	vld [tilespmem:$0x13F0];
	v0 =	vadd.f32 v32, v0;
	v2 =	vmul.f32 v2, v7  }
0x155: {  	v41 =	vld [tilespmem:$0xFB0];
	v5 =	vsub.f32 $-8.999999760e-01, v25;
	v1 =	vmul.f32 v36, v24;
	v40 =	vpop (erf);
	(erf) = vrcp.f32 v35  }
0x156: {  	v38 =	vld [tilespmem:$0xBB0];
	v42 =	vsub.f32 $-8.999999760e-01, v30;
	v0 =	vadd.f32 v2, v0;
	v2 =	vmul.f32 v40, v28  }
0x157: {  	v46 =	vld [tilespmem:$0xFC0];
	v44 =	vpop (erf);
	(erf) = vrcp.f32 v39;
	v1 =	vmul.f32 v1, v5  }
0x158: {  	v45 =	vld [tilespmem:$0xBC0];
	v4 =	vsub.f32 $-8.999999760e-01, v37;
	v2 =	vmul.f32 v2, v42  }
0x159: {  	v49 =	vld [tilespmem:$0xFD0];
	v0 =	vadd.f32 v1, v0;
	v1 =	vmul.f32 v44, v34;
	v47 =	vpop (erf);
	(erf) = vrcp.f32 v43  }
0x15a: {  	v48 =	vld [tilespmem:$0xBD0];
	v5 =	vsub.f32 $-8.999999760e-01, v41  }
0x15b: {  	v54 =	vld [tilespmem:$0xFE0];
	v0 =	vadd.f32 v2, v0;
	v1 =	vmul.f32 v1, v4;
	v2 =	vmul.f32 v47, v38  }
0x15c: {  	v52 =	vld [tilespmem:$0xBE0];
	v53 =	vsub.f32 $-8.999999760e-01, v46;
	v50 =	vpop (erf)  }
0x15d: {  	v58 =	vld [tilespmem:$0xFF0];
	v0 =	vadd.f32 v1, v0;
	v51 =	vmul.f32 v2, v5;
	v3 =	vmul.f32 v50, v45  }
0x15e: {  	v56 =	vld [tilespmem:$0xBF0];
	v57 =	vsub.f32 $-8.999999760e-01, v49;
	v55 =	vpop (erf)  }
0x15f: {  	v0 =	vadd.f32 v51, v0;
	v4 =	vmul.f32 v55, v48;
	v3 =	vmul.f32 v3, v53  }
0x160: {  	v61 =	vsub.f32 $-8.999999760e-01, v54;
	v59 =	vpop (erf)  }
0x161: {  	v2 =	vmul.f32 v59, v52;
	v60 =	vmul.f32 v4, v57;
	v0 =	vadd.f32 v3, v0  }
0x162: {  	v63 =	vsub.f32 $-8.999999760e-01, v58;
	v62 =	vpop (erf)  }
0x163: {  	v2 =	vmul.f32 v2, v61;
	v0 =	vadd.f32 v60, v0;
	v1 =	vmul.f32 v62, v56;
	_ =	sdelay $0x1  }
0x164: {  	v0 =	vadd.f32 v2, v0;
	v1 =	vmul.f32 v1, v63;
	_ =	sdelay $0x1  }
0x165: {  	v0 =	vadd.f32 v1, v0  }
0x166: {  	s30 =	sshll.u32 s4, $0x4;
	s6 =	sadd.s32 $0x800, s5  }
0x167: {  	s5 =	simm.s32 $0x1400;
	s31 =	sadd.s32 s6, s30;
	[tilespmem:$0x1400] =	vst v0  }
0x168: {  	[hbm4b:s31+s2] =	stream.linear.scatter [tilespmem:s5], [sflag:$0x2], $0x80, $0x38;
	[tilespmem:$0x1C80] =	vst v63  }
0x169: {  	_ =	swait.ge [sflag:s3], $0x80  }
0x16a: {  	[sflag:s3] =	ssyncset.done $0x0  }
0x16b: {  	[sflag:s3] =	ssyncadd.s32 $0xFFFFFF80  }
0x16c: {  	p0 =	sne.s32 s4, $0x0;
	[bflag:$0x0] =	sbarrier.arrive $0xFFFF  }
0x16d: {  	_ =	sfence.sel @p0 $0x180000  }
0x16e: {  	[bflag:$0x0] =	sbarrier.arrive @p0 $0xFFFF  }
0x16f: {  	_ =	strace @p0 $0x90000047  }
0x170: {  	[bflag:$0x2] =	sbarrier.arrive @p0 $0xFFFF  }
0x171: {  	_ =	shalt @p0  }
.LBB2_1:
0x172: {  	s4 =	simm.s32 $0x1480  }
0x173: {  	[tilespmem:s4], [sflag:$0x2] =	stream.linear.gather [hbm4b:s6+s2], $0x800, $0x38;
	[tilespmem:$0x1C80] =	vst v63  }
0x174: {  	_ =	swait.ge [sflag:s3], $0x800  }
0x175: {  	[sflag:s3] =	ssyncset.done $0x0  }
0x176: {  	[sflag:s3] =	ssyncadd.s32 $0xFFFFF800  }
0x177: {  	v0 =	vld [tilespmem:$0x1480];
	_ =	sdelay $0x1  }
0x178: {  	v1 =	vld [tilespmem:$0x1500];
	_ =	sdelay $0x1  }
0x179: {  	v2 =	vld [tilespmem:$0x1580]  }
0x17a: {  	v0 =	vadd.f32 $0.0e+00, v0  }
0x17b: {  	v3 =	vld [tilespmem:$0x1600]  }
0x17c: {  	v0 =	vadd.f32 v1, v0  }
0x17d: {  	v42 =	vld [tilespmem:$0x1680]  }
0x17e: {  	v0 =	vadd.f32 v2, v0  }
0x17f: {  	v43 =	vld [tilespmem:$0x1700]  }
0x180: {  	v0 =	vadd.f32 v3, v0  }
0x181: {  	v44 =	vld [tilespmem:$0x1780]  }
0x182: {  	v0 =	vadd.f32 v42, v0  }
0x183: {  	v45 =	vld [tilespmem:$0x1800]  }
0x184: {  	v0 =	vadd.f32 v43, v0  }
0x185: {  	v46 =	vld [tilespmem:$0x1880]  }
0x186: {  	v0 =	vadd.f32 v44, v0  }
0x187: {  	v47 =	vld [tilespmem:$0x1900]  }
0x188: {  	v0 =	vadd.f32 v45, v0  }
0x189: {  	v48 =	vld [tilespmem:$0x1980]  }
0x18a: {  	v0 =	vadd.f32 v46, v0  }
0x18b: {  	v49 =	vld [tilespmem:$0x1A00]  }
0x18c: {  	v0 =	vadd.f32 v47, v0  }
0x18d: {  	v50 =	vld [tilespmem:$0x1A80]  }
0x18e: {  	v0 =	vadd.f32 v48, v0  }
0x18f: {  	v51 =	vld [tilespmem:$0x1B00]  }
0x190: {  	v0 =	vadd.f32 v49, v0  }
0x191: {  	v4 =	vimm.s32 $0xFEDCBA98;
	v52 =	vld [tilespmem:$0x1B80]  }
0x192: {  	v54 =	vimm.s32 $0x76543210;
	v4 =	vunpack.c.l.s4.s8 v4;
	v0 =	vadd.f32 v50, v0  }
0x193: {  	v53 =	vld [tilespmem:$0x1C00];
	v1 =	vunpack.c.l.s4.s8 v54  }
0x194: {  	v55 =	vunpack.c.0.s8.s32 v4;
	v0 =	vadd.f32 v51, v0  }
0x195: {  	v56 =	vimm.s32 $0xBA98FEDC;
	v1 =	vunpack.c.0.s8.s32 v1  }
0x196: {  	v57 =	vimm.s32 $0x32107654;
	v2 =	vand.u32 $0xF, v55;
	v0 =	vadd.f32 v52, v0  }
0x197: {  	v1 =	vcombine.low v2, v1;
	v2 =	vunpack.c.l.s4.s8 v56;
	v3 =	vunpack.c.l.s4.s8 v57  }
0x198: {  	v0 =	vadd.f32 v53, v0  }
0x199: {  	v2 =	vunpack.c.0.s8.s32 v2;
	v3 =	vunpack.c.0.s8.s32 v3  }
0x19a: {  	v1 =	vperm.xlane v0, v1  }
0x19b: {  	v59 =	vimm.s32 $0xDCFE98BA;
	v60 =	vimm.s32 $0x54761032;
	v58 =	vcombine.low v3, v2  }
0x19c: {  	v2 =	vunpack.c.l.s4.s8 v59;
	v3 =	vunpack.c.l.s4.s8 v60;
	v0 =	vadd.f32 v1, v0  }
0x19d: {  	v62 =	vimm.s32 $0x67452301  }
0x19e: {  	v2 =	vunpack.c.0.s8.s32 v2;
	v3 =	vunpack.c.0.s8.s32 v3;
	v1 =	vperm.xlane v0, v58  }
0x19f: {  	v61 =	vimm.s32 $0xEFCDAB89;
	v63 =	vunpack.c.l.s4.s8 v62  }
0x1a0: {  	v2 =	vcombine.low v3, v2;
	v0 =	vadd.f32 v1, v0;
	v1 =	vunpack.c.l.s4.s8 v61;
	_ =	sdelay $0x1  }
0x1a1: {  	v3 =	vunpack.c.0.s8.s32 v63;
	v2 =	vperm.xlane v0, v2;
	v1 =	vunpack.c.0.s8.s32 v1;
	_ =	sdelay $0x1  }
0x1a2: {  	v0 =	vadd.f32 v2, v0;
	v1 =	vcombine.low v3, v1;
	_ =	sdelay $0x1  }
0x1a3: {  	v1 =	vperm.xlane v0, v1;
	_ =	sdelay $0x1  }
0x1a4: {  	v0 =	vadd.f32 v1, v0;
	_ =	sdelay $0x1  }
0x1a5: {  	v0 =	vmul.f32 $6.103515630e-05, v0;
	_ =	sdelay $0x1  }
0x1a6: {  	[tilespmem:$0x1400] =	vst v0  }
0x1a7: {  	[hbm4b:s1+s2] =	stream.linear.scatter [tilespmem:s5], [sflag:$0x2], $0x80, $0x38;
	[tilespmem:$0x1C80] =	vst v63  }
0x1a8: {  	_ =	swait.ge [sflag:s3], $0x80  }
0x1a9: {  	[sflag:s3] =	ssyncset.done $0x0  }
0x1aa: {  	[sflag:s3] =	ssyncadd.s32 $0xFFFFFF80  }
0x1ab: {  	_ =	sfence.sel $0x180000  }
0x1ac: {  	[bflag:$0x0] =	sbarrier.arrive $0xFFFF  }
0x1ad: {  	_ =	strace $0x90000047  }
0x1ae: {  	s0 =	sadd.s32 $0x100000, s0;
	[bflag:$0x2] =	sbarrier.arrive $0xFFFF  }
0x1af: {  	[sflag:s0] =	ssyncadd.tile.s32 $0x1;
	_ =	shalt  }
.Lfunc_end2:
_tile_overlayer_lowered:
.L_overlay_start_2:
0x1b0: {  	(tag) =	ssettag $0x2  }
0x1b1: {  	s0 =	rddreg [dreg:$0x0];
	s2 =	stileid.u32  }
0x1b2: {  	s1 =	rddreg [dreg:$0x1];
	p0 =	sne.s32 s2, $0x0  }
0x1b3: {  	s3 =	rddreg [dreg:$0x2];
	[bflag:$0x3] =	sbarrier.arrive $0xFFFF;
	s2 =	simm.s32 @!p0 $0x1C02  }
0x1b4: {  	[timem:s3], [sflag:s2] =	dma.local @!p0 [hbm:s0], s1  }
0x1b5: {  	s0 =	simm.s32 @!p0 $0x2  }
0x1b6: {  	_ =	swait.ge @!p0 [sflag:s0], s1  }
0x1b7: {  	s1 =	ssub.s32 @!p0 $0x0, s1;
	[sflag:s0] =	ssyncset.done @!p0 $0x0  }
0x1b8: {  	[sflag:s0] =	ssyncadd.s32 @!p0 s1  }
0x1b9: {  	[bflag:$0x3] =	sbarrier.arrive $0xFFFF  }
0x1ba: {  	_ =	shalt  }

</sc_bundles>
